<compile_context>
chip_gen: v7x
topology: tpu7x:2x2x1
jax: 0.10.2.dev20260603
libtpu: 0.0.44.dev20260713+nightly
codegen_flags: <defaults>
</compile_context>

<pallas_src>
import functools

import jax
import jax.numpy as jnp
from jax import lax
from jax.experimental import pallas as pl
from jax.experimental.pallas import tpu as pltpu
from jax.experimental.pallas import tpu_sc as plsc

N_SRC = 10000
N_DST = 10000
N_PAD = 10240
E = 320000
D = 128
NC = 2
NS = 16
EPT = E // (NC * NS)
BLK = 40
NBLK = EPT // BLK
RPT = N_PAD // NS
CW = 8
VL = 16


def _mm_bias_body(x_ref, w_ref, b_ref, o_ref):
    o_ref[...] = (
        jnp.dot(x_ref[...], w_ref[...], preferred_element_type=jnp.float32)
        + b_ref[...]
    )


def _project_bias(x, w, b, bm):
    m, k = x.shape
    n = w.shape[1]
    return pl.pallas_call(
        _mm_bias_body,
        grid=(m // bm,),
        in_specs=[
            pl.BlockSpec((bm, k), lambda i: (i, 0)),
            pl.BlockSpec((k, n), lambda i: (0, 0)),
            pl.BlockSpec((1, n), lambda i: (0, 0)),
        ],
        out_specs=pl.BlockSpec((bm, n), lambda i: (i, 0)),
        out_shape=jax.ShapeDtypeStruct((m, n), jnp.float32),
    )(x, w, b.reshape(1, -1))


def _mm_body(x_ref, w_ref, o_ref):
    o_ref[...] = jnp.dot(x_ref[...], w_ref[...],
                         preferred_element_type=jnp.float32)


def _project(x, w, bm):
    m, k = x.shape
    n = w.shape[1]
    return pl.pallas_call(
        _mm_body,
        grid=(m // bm,),
        in_specs=[
            pl.BlockSpec((bm, k), lambda i: (i, 0)),
            pl.BlockSpec((k, n), lambda i: (0, 0)),
        ],
        out_specs=pl.BlockSpec((bm, n), lambda i: (i, 0)),
        out_shape=jax.ShapeDtypeStruct((m, n), jnp.float32),
    )(x, w)


def _sc_aggregate(src_proj, edge_proj, src_idx, dst_idx):
    mesh = plsc.VectorSubcoreMesh(core_axis_name="c", subcore_axis_name="s")

    @functools.partial(
        pl.kernel,
        mesh=mesh,
        compiler_params=pltpu.CompilerParams(use_tc_tiling_on_sc=False),
        out_type=[
            jax.ShapeDtypeStruct((NC, N_PAD, D), jnp.float32),
            jax.ShapeDtypeStruct((NC, N_PAD, CW), jnp.float32),
        ],
        scratch_types=[
            pltpu.VMEM((EPT,), jnp.int32),
            pltpu.VMEM((NBLK, BLK), jnp.int32),
            pltpu.VMEM((2, BLK, D), jnp.float32),
            pltpu.VMEM((2, BLK, D), jnp.float32),
            pltpu.VMEM((BLK, CW), jnp.float32),
            pltpu.VMEM((BLK, CW), jnp.float32),
            pltpu.SemaphoreType.DMA,
            pltpu.SemaphoreType.DMA,
            pltpu.SemaphoreType.DMA,
            pltpu.SemaphoreType.DMA,
            pltpu.VMEM_SHARED((N_PAD, D), jnp.float32),
            pltpu.VMEM_SHARED((N_PAD, CW), jnp.float32),
        ],
    )
    def body(src_proj_hbm, edge_proj_hbm, sidx_hbm, didx_hbm,
             agg_out, cnt_out,
             sidx_v, didx_v, rows_v, ep_v, cz_v, ones_v,
             sem_g0, sem_g1, sem_e0, sem_e1, agg_sh, cnt_sh):
        cid = lax.axis_index("c")
        sid = lax.axis_index("s")
        sem_g = (sem_g0, sem_g1)
        sem_e = (sem_e0, sem_e1)

        def zfill(i, _):
            r = i // (D // VL)
            c = lax.rem(i, D // VL) * VL
            rows_v[0, r, pl.ds(c, VL)] = jnp.zeros((VL,), jnp.float32)
            return 0

        lax.fori_loop(0, BLK * D // VL, zfill, 0)

        def czfill(r, _):
            cz_v[r, pl.ds(0, CW)] = jnp.zeros((CW,), jnp.float32)
            ones_v[r, pl.ds(0, CW)] = jnp.ones((CW,), jnp.float32)
            return 0

        lax.fori_loop(0, BLK, czfill, 0)

        for k in range(RPT // BLK):
            pltpu.sync_copy(rows_v.at[0],
                            agg_sh.at[pl.ds(sid * RPT + k * BLK, BLK)])
            pltpu.sync_copy(cz_v, cnt_sh.at[pl.ds(sid * RPT + k * BLK, BLK)])

        ebase = cid * (E // NC) + sid * EPT
        pltpu.sync_copy(sidx_hbm.at[pl.ds(ebase, EPT)], sidx_v)
        pltpu.sync_copy(didx_hbm.at[cid, sid], didx_v)
        plsc.subcore_barrier()

        def issue(jb, b):
            pltpu.async_copy(
                src_proj_hbm.at[sidx_v.at[pl.ds(jb * BLK, BLK)]],
                rows_v.at[b], sem_g[b])
            pltpu.async_copy(edge_proj_hbm.at[pl.ds(ebase + jb * BLK, BLK)],
                             ep_v.at[b], sem_e[b])

        for b in range(2):
            issue(b, b)

        def group(t, _):
            for b in range(2):
                jb = 2 * t + b
                pltpu.make_async_copy(
                    src_proj_hbm.at[pl.ds(0, BLK)], rows_v.at[b],
                    sem_g[b]).wait()
                pltpu.make_async_copy(
                    edge_proj_hbm.at[pl.ds(0, BLK)], ep_v.at[b],
                    sem_e[b]).wait()

                def comp(j, _):
                    for p in range(2):
                        r = 2 * j + p
                        for cc in range(D // VL):
                            rows_v[b, r, pl.ds(cc * VL, VL)] = jnp.maximum(
                                rows_v[b, r, pl.ds(cc * VL, VL)]
                                + ep_v[b, j * 2 + p, pl.ds(cc * VL, VL)],
                                0.0,
                            )
                    return 0

                lax.fori_loop(0, BLK // 2, comp, 0)

                pltpu.sync_copy(rows_v.at[b], agg_sh.at[didx_v.at[jb]],
                                add=True)
                pltpu.sync_copy(ones_v, cnt_sh.at[didx_v.at[jb]], add=True)

                @pl.when(jb + 2 < NBLK)
                def _():
                    issue(jb + 2, b)

            return 0

        lax.fori_loop(0, NBLK // 2, group, 0)
        plsc.subcore_barrier()

        for k in range(RPT // BLK):
            off = sid * RPT + k * BLK
            pltpu.sync_copy(agg_sh.at[pl.ds(off, BLK)],
                            agg_out.at[cid, pl.ds(off, BLK)])

        pltpu.sync_copy(cnt_sh.at[pl.ds(sid * RPT, RPT)],
                        cnt_out.at[cid, pl.ds(sid * RPT, RPT)])

    return body(src_proj, edge_proj, src_idx, dst_idx)


def _post_body(p_ref, c_ref, dstf_ref, w2_ref, b2_ref, u1_ref, c1_ref,
               u2_ref, c2_ref, o_ref):
    agg_h = p_ref[0] + p_ref[1]
    cnt = c_ref[0, :, 0:1] + c_ref[1, :, 0:1]
    aggregated = (
        jnp.dot(agg_h, w2_ref[...], preferred_element_type=jnp.float32)
        + cnt * b2_ref[...]
    )
    upd = jnp.concatenate([dstf_ref[...], aggregated], axis=-1)
    g = jnp.maximum(
        jnp.dot(upd, u1_ref[...], preferred_element_type=jnp.float32)
        + c1_ref[...],
        0.0,
    )
    o_ref[...] = (
        jnp.dot(g, u2_ref[...], preferred_element_type=jnp.float32) + c2_ref[...]
    )


def _post(agg_p, cnt_p, dst_features, W2, b2, U1, c1, U2, c2):
    bm = 1000
    return pl.pallas_call(
        _post_body,
        grid=(N_DST // bm,),
        in_specs=[
            pl.BlockSpec((NC, bm, D), lambda i: (0, i, 0)),
            pl.BlockSpec((NC, bm, CW), lambda i: (0, i, 0)),
            pl.BlockSpec((bm, D), lambda i: (i, 0)),
            pl.BlockSpec((D, D), lambda i: (0, 0)),
            pl.BlockSpec((1, D), lambda i: (0, 0)),
            pl.BlockSpec((2 * D, D), lambda i: (0, 0)),
            pl.BlockSpec((1, D), lambda i: (0, 0)),
            pl.BlockSpec((D, D), lambda i: (0, 0)),
            pl.BlockSpec((1, D), lambda i: (0, 0)),
        ],
        out_specs=pl.BlockSpec((bm, D), lambda i: (i, 0)),
        out_shape=jax.ShapeDtypeStruct((N_DST, D), jnp.float32),
    )(agg_p, cnt_p, dst_features, W2, b2.reshape(1, -1), U1,
      c1.reshape(1, -1), U2, c2.reshape(1, -1))


def kernel(src_features, dst_features, edge_index, edge_features,
           W1, b1, W2, b2, U1, c1, U2, c2):
    ei = edge_index.astype(jnp.int32)
    src_idx = ei[0]
    dst_idx = ei[1].reshape(NC, NS, NBLK, BLK)
    src_proj = _project_bias(src_features, W1[:D], b1, 1000)
    edge_proj = _project(edge_features, W1[D:], 4000)
    agg_p, cnt_p = _sc_aggregate(src_proj, edge_proj, src_idx, dst_idx)
    return _post(agg_p, cnt_p, dst_features, W2, b2, U1, c1, U2, c2)

# --- scband reference (transcript-rebuilt; emitter-appended) ---
"""Pipeline reference for scband-message-passing-layer-42228118454648 (READ-ONLY COPY).

The authoritative reference and input builder live on the scoring server;
editing this copy changes nothing except your own understanding.
"""

import jax, jax.numpy as jnp
import numpy as np

N_SRC = 10000
N_DST = 10000
E = 320000
NODE_DIM = 128
EDGE_DIM = 16
HIDDEN_DIM = 128


def setup_inputs(seed: int = 0) -> dict:
    key = jax.random.key(seed)
    ks = jax.random.split(key, 12)
    src_features = jax.random.normal(ks[0], (N_SRC, NODE_DIM), dtype=jnp.float32)
    dst_features = jax.random.normal(ks[1], (N_DST, NODE_DIM), dtype=jnp.float32)
    edge_index = jax.random.randint(ks[2], (2, E), 0, N_DST, dtype=jnp.int64)
    edge_features = jax.random.normal(ks[3], (E, EDGE_DIM), dtype=jnp.float32)
    # message_mlp: Linear(node_dim+edge_dim -> hidden), ReLU, Linear(hidden -> hidden)
    d_in_msg = NODE_DIM + EDGE_DIM
    s1 = 1.0 / np.sqrt(d_in_msg)
    W1 = jax.random.uniform(ks[4], (d_in_msg, HIDDEN_DIM), minval=-s1, maxval=s1, dtype=jnp.float32)
    b1 = jax.random.uniform(ks[5], (HIDDEN_DIM,), minval=-s1, maxval=s1, dtype=jnp.float32)
    s2 = 1.0 / np.sqrt(HIDDEN_DIM)
    W2 = jax.random.uniform(ks[6], (HIDDEN_DIM, HIDDEN_DIM), minval=-s2, maxval=s2, dtype=jnp.float32)
    b2 = jax.random.uniform(ks[7], (HIDDEN_DIM,), minval=-s2, maxval=s2, dtype=jnp.float32)
    # update_mlp: Linear(node_dim+hidden -> hidden), ReLU, Linear(hidden -> node_dim)
    d_in_upd = NODE_DIM + HIDDEN_DIM
    s3 = 1.0 / np.sqrt(d_in_upd)
    U1 = jax.random.uniform(ks[8], (d_in_upd, HIDDEN_DIM), minval=-s3, maxval=s3, dtype=jnp.float32)
    c1 = jax.random.uniform(ks[9], (HIDDEN_DIM,), minval=-s3, maxval=s3, dtype=jnp.float32)
    s4 = 1.0 / np.sqrt(HIDDEN_DIM)
    U2 = jax.random.uniform(ks[10], (HIDDEN_DIM, NODE_DIM), minval=-s4, maxval=s4, dtype=jnp.float32)
    c2 = jax.random.uniform(ks[11], (NODE_DIM,), minval=-s4, maxval=s4, dtype=jnp.float32)
    return {
        "src_features": src_features,
        "dst_features": dst_features,
        "edge_index": edge_index,
        "edge_features": edge_features,
        "W1": W1, "b1": b1, "W2": W2, "b2": b2,
        "U1": U1, "c1": c1, "U2": U2, "c2": c2,
    }


def reference(src_features, dst_features, edge_index, edge_features,
              W1, b1, W2, b2, U1, c1, U2, c2) -> jnp.ndarray:
    n_dst_nodes = dst_features.shape[0]
    src = edge_index[0]
    dst = edge_index[1]
    # gather source node features per edge
    src_node_features = jnp.take(src_features, src, axis=0)
    msg_input = jnp.concatenate([src_node_features, edge_features], axis=-1)
    h = jnp.maximum(msg_input @ W1 + b1, 0.0)
    messages = h @ W2 + b2
    # scatter-add aggregation over destination nodes
    aggregated = jax.ops.segment_sum(messages, dst, num_segments=n_dst_nodes)
    update_input = jnp.concatenate([dst_features, aggregated], axis=-1)
    g = jnp.maximum(update_input @ U1 + c1, 0.0)
    new_dst_features = g @ U2 + c2
    return new_dst_features

if __name__ == "__main__":
    import jax
    _d = setup_inputs()
    print(jax.jit(kernel)(*tuple(_d.values())))

</pallas_src>

<mosaic_0001>
#map = affine_map<(d0, d1) -> (0, 0)>
#map1 = affine_map<(d0, d1) -> (0)>
#map2 = affine_map<(d0, d1) -> (0, 0, 0, 0)>
#map3 = affine_map<(d0, d1) -> (0, 0, 0)>
module attributes {stable_mosaic.version = 14 : i64} {
  func.func @body(%arg0: i32, %arg1: i32, %arg2: memref<10000x128xf32, #tpu.memory_space<hbm>>, %arg3: memref<320000x128xf32, #tpu.memory_space<hbm>>, %arg4: memref<320000xi32, #tpu.memory_space<hbm>>, %arg5: memref<2x16x250x40xi32, #tpu.memory_space<hbm>>, %arg6: memref<2x10240x128xf32, #tpu.memory_space<hbm>>, %arg7: memref<2x10240x8xf32, #tpu.memory_space<hbm>>, %arg8: memref<10000xi32, #tpu.memory_space<vmem>>, %arg9: memref<250x40xi32, #tpu.memory_space<vmem>>, %arg10: memref<2x40x128xf32, #tpu.memory_space<vmem>>, %arg11: memref<2x40x128xf32, #tpu.memory_space<vmem>>, %arg12: memref<40x8xf32, #tpu.memory_space<vmem>>, %arg13: memref<40x8xf32, #tpu.memory_space<vmem>>, %arg14: memref<!tpu.dma_semaphore, #tpu.memory_space<semaphore_mem>>, %arg15: memref<!tpu.dma_semaphore, #tpu.memory_space<semaphore_mem>>, %arg16: memref<!tpu.dma_semaphore, #tpu.memory_space<semaphore_mem>>, %arg17: memref<!tpu.dma_semaphore, #tpu.memory_space<semaphore_mem>>, %arg18: memref<10240x128xf32, #tpu.memory_space<vmem_shared>>, %arg19: memref<10240x8xf32, #tpu.memory_space<vmem_shared>>) attributes {dimension_semantics = [#tpu.dimension_semantics<core_parallel>, #tpu.dimension_semantics<subcore_parallel>], iteration_bounds = array<i64: 2, 16>, scalar_prefetch = 0 : i64, scratch_operands = 12 : i64, tpu.core_type = #tpu.core_type<sc_vector_subcore>, window_params = [{transform_indices = #map}, {transform_indices = #map}, {transform_indices = #map1}, {transform_indices = #map2}, {transform_indices = #map3}, {transform_indices = #map3}]} {
    %scan3A = arith.constant 0 : i32
    %scan3A_0 = arith.constant 0 : i32
    %scan3A_1 = arith.constant 320 : i32
    %scan3A_2 = arith.addi %scan3A_0, %scan3A_1 : i32
    %scan3A_3 = arith.constant 1 : i32
    %scan3A_4 = scf.for %scan3A_284 = %scan3A_0 to %scan3A_2 step %scan3A_3 iter_args(%scan3A_285 = %scan3A) -> (i32)  : i32 {
      %jit3A = arith.constant 8 : i32
      %div3A = arith.divsi %scan3A_284, %jit3A : i32
      %sign3A = arith.constant 0 : i32
      %sign3A_286 = arith.cmpi sgt, %scan3A_284, %sign3A : i32
      %sign3A_287 = arith.extui %sign3A_286 : i1 to i32
      %sign3A_288 = arith.constant 0 : i32
      %sign3A_289 = arith.cmpi slt, %scan3A_284, %sign3A_288 : i32
      %sign3A_290 = arith.extui %sign3A_289 : i1 to i32
      %sign3A_291 = arith.subi %sign3A_287, %sign3A_290 : i32
      %sign3A_292 = arith.constant 0 : i32
      %sign3A_293 = arith.cmpi sgt, %jit3A, %sign3A_292 : i32
      %sign3A_294 = arith.extui %sign3A_293 : i1 to i32
      %sign3A_295 = arith.constant 0 : i32
      %sign3A_296 = arith.cmpi slt, %jit3A, %sign3A_295 : i32
      %sign3A_297 = arith.extui %sign3A_296 : i1 to i32
      %sign3A_298 = arith.subi %sign3A_294, %sign3A_297 : i32
      %ne3A = arith.cmpi ne, %sign3A_291, %sign3A_298 : i32
      %rem3A = arith.remsi %scan3A_284, %jit3A : i32
      %ne3A_299 = arith.constant 0 : i32
      %ne3A_300 = arith.cmpi ne, %rem3A, %ne3A_299 : i32
      %and3A = arith.andi %ne3A, %ne3A_300 : i1
      %sub3A = arith.constant 1 : i32
      %sub3A_301 = arith.subi %div3A, %sub3A : i32
      %select_n3A = arith.select %and3A, %sub3A_301, %div3A : i32
      %rem3A_302 = arith.constant 8 : i32
      %rem3A_303 = arith.remsi %scan3A_284, %rem3A_302 : i32
      %mul3A_304 = arith.constant 16 : i32
      %mul3A_305 = arith.muli %rem3A_303, %mul3A_304 : i32
      %broadcast_in_dim3A = arith.constant 0.000000e+00 : f32
      %broadcast_in_dim3A_306 = vector.broadcast %broadcast_in_dim3A : f32 to vector<16xf32>
      %swap3A = arith.constant 0 : i32
      %swap3A_307 = arith.index_cast %swap3A : i32 to index
      %swap3A_308 = arith.index_cast %select_n3A : i32 to index
      %swap3A_309 = arith.index_cast %mul3A_305 : i32 to index
      %swap3A_310 = tpu.vector_load %arg10[%swap3A_307, %swap3A_308, %swap3A_309] {strides = array<i32>} : memref<2x40x128xf32, #tpu.memory_space<vmem>>, vector<1x1x16xf32>,
      %swap3A_311 = vector.shape_cast %swap3A_310 : vector<1x1x16xf32> to vector<16xf32>
      %swap3A_312 = vector.shape_cast %broadcast_in_dim3A_306 : vector<16xf32> to vector<1x1x16xf32>
      tpu.vector_store %arg10[%swap3A_307, %swap3A_308, %swap3A_309], %swap3A_312 {strides = array<i32>} : memref<2x40x128xf32, #tpu.memory_space<vmem>>, vector<1x1x16xf32>,
      %scan3A_313 = arith.constant 0 : i32
      scf.yield %scan3A_313 : i32
    }
    %scan3A_5 = arith.constant 320 : i32
    %scan3A_6 = arith.constant 0 : i32
    %scan3A_7 = arith.constant 0 : i32
    %scan3A_8 = arith.constant 40 : i32
    %scan3A_9 = arith.addi %scan3A_7, %scan3A_8 : i32
    %scan3A_10 = arith.constant 1 : i32
    %scan3A_11 = scf.for %scan3A_284 = %scan3A_7 to %scan3A_9 step %scan3A_10 iter_args(%scan3A_285 = %scan3A_6) -> (i32)  : i32 {
      %broadcast_in_dim3A = arith.constant 0.000000e+00 : f32
      %broadcast_in_dim3A_286 = vector.broadcast %broadcast_in_dim3A : f32 to vector<8xf32>
      %swap3A = arith.index_cast %scan3A_284 : i32 to index
      %swap3A_287 = arith.constant 0 : index
      %swap3A_288 = tpu.vector_load %arg12[%swap3A, %swap3A_287] {strides = array<i32>} : memref<40x8xf32, #tpu.memory_space<vmem>>, vector<1x8xf32>,
      %swap3A_289 = vector.shape_cast %swap3A_288 : vector<1x8xf32> to vector<8xf32>
      %swap3A_290 = vector.shape_cast %broadcast_in_dim3A_286 : vector<8xf32> to vector<1x8xf32>
      tpu.vector_store %arg12[%swap3A, %swap3A_287], %swap3A_290 {strides = array<i32>} : memref<40x8xf32, #tpu.memory_space<vmem>>, vector<1x8xf32>,
      %broadcast_in_dim3A_291 = arith.constant 1.000000e+00 : f32
      %broadcast_in_dim3A_292 = vector.broadcast %broadcast_in_dim3A_291 : f32 to vector<8xf32>
      %swap3A_293 = arith.index_cast %scan3A_284 : i32 to index
      %swap3A_294 = arith.constant 0 : index
      %swap3A_295 = tpu.vector_load %arg13[%swap3A_293, %swap3A_294] {strides = array<i32>} : memref<40x8xf32, #tpu.memory_space<vmem>>, vector<1x8xf32>,
      %swap3A_296 = vector.shape_cast %swap3A_295 : vector<1x8xf32> to vector<8xf32>
      %swap3A_297 = vector.shape_cast %broadcast_in_dim3A_292 : vector<8xf32> to vector<1x8xf32>
      tpu.vector_store %arg13[%swap3A_293, %swap3A_294], %swap3A_297 {strides = array<i32>} : memref<40x8xf32, #tpu.memory_space<vmem>>, vector<1x8xf32>,
      %scan3A_298 = arith.constant 0 : i32
      scf.yield %scan3A_298 : i32
    }
    %scan3A_12 = arith.constant 40 : i32
    %mul3A = arith.constant 640 : i32
    %mul3A_13 = arith.muli %arg1, %mul3A : i32
    %add3A = arith.constant 0 : i32
    %add3A_14 = arith.addi %mul3A_13, %add3A : i32
    %run_scoped3A = arith.constant 0 : i32
    "tpu.region"() ({
      %run_scoped3A_284 = tpu.sem_alloc : memref<!tpu.dma_semaphore, #tpu.memory_space<semaphore_mem>>
      %dma_start3A_285 = arith.constant 0 : i32
      %dma_start3A_286 = arith.constant 0 : i32
      %dma_start3A_287 = tpu.memref_slice %arg10[%run_scoped3A, %dma_start3A_285, %dma_start3A_286] : memref<2x40x128xf32, #tpu.memory_space<vmem>> -> memref<1x40x128xf32, #tpu.memory_space<vmem>>
      %dma_start3A_288 = tpu.memref_squeeze %dma_start3A_287 : memref<1x40x128xf32, #tpu.memory_space<vmem>> -> memref<40x128xf32, #tpu.memory_space<vmem>>
      %dma_start3A_289 = arith.constant 0 : i32
      %dma_start3A_290 = tpu.memref_slice %arg18[%add3A_14, %dma_start3A_289] : memref<10240x128xf32, #tpu.memory_space<vmem_shared>> -> memref<40x128xf32, #tpu.memory_space<vmem_shared>>
      %dma_start3A_291 = arith.constant 0 : i32
      %dma_start3A_292 = tpu.memref_slice %arg18[%add3A_14, %dma_start3A_291] : memref<10240x128xf32, #tpu.memory_space<vmem_shared>> -> memref<40x128xf32, #tpu.memory_space<vmem_shared>>
      %dma_start3A_293 = arith.constant 0 : i32
      %dma_start3A_294 = arith.constant 0 : i32
      %dma_start3A_295 = tpu.memref_slice %arg10[%run_scoped3A, %dma_start3A_293, %dma_start3A_294] : memref<2x40x128xf32, #tpu.memory_space<vmem>> -> memref<1x40x128xf32, #tpu.memory_space<vmem>>
      %dma_start3A_296 = tpu.memref_squeeze %dma_start3A_295 : memref<1x40x128xf32, #tpu.memory_space<vmem>> -> memref<40x128xf32, #tpu.memory_space<vmem>>
      tpu.enqueue_dma source(%dma_start3A_296 : memref<40x128xf32, #tpu.memory_space<vmem>>) target(%dma_start3A_292 : memref<40x128xf32, #tpu.memory_space<vmem_shared>>) target_semaphore(%run_scoped3A_284 : memref<!tpu.dma_semaphore, #tpu.memory_space<semaphore_mem>>)
      %dma_wait3A = arith.constant 0 : i32
      %dma_wait3A_297 = arith.constant 0 : i32
      %dma_wait3A_298 = tpu.memref_slice %arg10[%run_scoped3A, %dma_wait3A, %dma_wait3A_297] : memref<2x40x128xf32, #tpu.memory_space<vmem>> -> memref<1x40x128xf32, #tpu.memory_space<vmem>>
      %dma_wait3A_299 = tpu.memref_squeeze %dma_wait3A_298 : memref<1x40x128xf32, #tpu.memory_space<vmem>> -> memref<40x128xf32, #tpu.memory_space<vmem>>
      %dma_wait3A_300 = arith.constant 0 : i32
      %dma_wait3A_301 = tpu.memref_slice %arg18[%add3A_14, %dma_wait3A_300] : memref<10240x128xf32, #tpu.memory_space<vmem_shared>> -> memref<40x128xf32, #tpu.memory_space<vmem_shared>>
      %dma_wait3A_302 = arith.constant 0 : i32
      %dma_wait3A_303 = tpu.memref_slice %arg18[%add3A_14, %dma_wait3A_302] : memref<10240x128xf32, #tpu.memory_space<vmem_shared>> -> memref<40x128xf32, #tpu.memory_space<vmem_shared>>
      %dma_wait3A_304 = arith.constant 0 : i32
      %dma_wait3A_305 = arith.constant 0 : i32
      %dma_wait3A_306 = tpu.memref_slice %arg10[%run_scoped3A, %dma_wait3A_304, %dma_wait3A_305] : memref<2x40x128xf32, #tpu.memory_space<vmem>> -> memref<1x40x128xf32, #tpu.memory_space<vmem>>
      %dma_wait3A_307 = tpu.memref_squeeze %dma_wait3A_306 : memref<1x40x128xf32, #tpu.memory_space<vmem>> -> memref<40x128xf32, #tpu.memory_space<vmem>>
      tpu.wait_dma2 semaphore(%run_scoped3A_284 : memref<!tpu.dma_semaphore, #tpu.memory_space<semaphore_mem>>) src(%dma_wait3A_307 : memref<40x128xf32, #tpu.memory_space<vmem>>) dst(%dma_wait3A_303 : memref<40x128xf32, #tpu.memory_space<vmem_shared>>)
      tpu.yield
    }) : () -> ()
    %mul3A_15 = arith.constant 640 : i32
    %mul3A_16 = arith.muli %arg1, %mul3A_15 : i32
    %add3A_17 = arith.constant 0 : i32
    %add3A_18 = arith.addi %mul3A_16, %add3A_17 : i32
    "tpu.region"() ({
      %run_scoped3A_284 = tpu.sem_alloc : memref<!tpu.dma_semaphore, #tpu.memory_space<semaphore_mem>>
      %dma_start3A_285 = arith.constant 0 : i32
      %dma_start3A_286 = tpu.memref_slice %arg19[%add3A_18, %dma_start3A_285] : memref<10240x8xf32, #tpu.memory_space<vmem_shared>> -> memref<40x8xf32, #tpu.memory_space<vmem_shared>>
      %dma_start3A_287 = arith.constant 0 : i32
      %dma_start3A_288 = tpu.memref_slice %arg19[%add3A_18, %dma_start3A_287] : memref<10240x8xf32, #tpu.memory_space<vmem_shared>> -> memref<40x8xf32, #tpu.memory_space<vmem_shared>>
      tpu.enqueue_dma source(%arg12 : memref<40x8xf32, #tpu.memory_space<vmem>>) target(%dma_start3A_288 : memref<40x8xf32, #tpu.memory_space<vmem_shared>>) target_semaphore(%run_scoped3A_284 : memref<!tpu.dma_semaphore, #tpu.memory_space<semaphore_mem>>)
      %dma_wait3A = arith.constant 0 : i32
      %dma_wait3A_289 = tpu.memref_slice %arg19[%add3A_18, %dma_wait3A] : memref<10240x8xf32, #tpu.memory_space<vmem_shared>> -> memref<40x8xf32, #tpu.memory_space<vmem_shared>>
      %dma_wait3A_290 = arith.constant 0 : i32
      %dma_wait3A_291 = tpu.memref_slice %arg19[%add3A_18, %dma_wait3A_290] : memref<10240x8xf32, #tpu.memory_space<vmem_shared>> -> memref<40x8xf32, #tpu.memory_space<vmem_shared>>
      tpu.wait_dma2 semaphore(%run_scoped3A_284 : memref<!tpu.dma_semaphore, #tpu.memory_space<semaphore_mem>>) src(%arg12 : memref<40x8xf32, #tpu.memory_space<vmem>>) dst(%dma_wait3A_291 : memref<40x8xf32, #tpu.memory_space<vmem_shared>>)
      tpu.yield
    }) : () -> ()
    %mul3A_19 = arith.constant 640 : i32
    %mul3A_20 = arith.muli %arg1, %mul3A_19 : i32
    %add3A_21 = arith.constant 40 : i32
    %add3A_22 = arith.addi %mul3A_20, %add3A_21 : i32
    %run_scoped3A_23 = arith.constant 0 : i32
    "tpu.region"() ({
      %run_scoped3A_284 = tpu.sem_alloc : memref<!tpu.dma_semaphore, #tpu.memory_space<semaphore_mem>>
      %dma_start3A_285 = arith.constant 0 : i32
      %dma_start3A_286 = arith.constant 0 : i32
      %dma_start3A_287 = tpu.memref_slice %arg10[%run_scoped3A_23, %dma_start3A_285, %dma_start3A_286] : memref<2x40x128xf32, #tpu.memory_space<vmem>> -> memref<1x40x128xf32, #tpu.memory_space<vmem>>
      %dma_start3A_288 = tpu.memref_squeeze %dma_start3A_287 : memref<1x40x128xf32, #tpu.memory_space<vmem>> -> memref<40x128xf32, #tpu.memory_space<vmem>>
      %dma_start3A_289 = arith.constant 0 : i32
      %dma_start3A_290 = tpu.memref_slice %arg18[%add3A_22, %dma_start3A_289] : memref<10240x128xf32, #tpu.memory_space<vmem_shared>> -> memref<40x128xf32, #tpu.memory_space<vmem_shared>>
      %dma_start3A_291 = arith.constant 0 : i32
      %dma_start3A_292 = tpu.memref_slice %arg18[%add3A_22, %dma_start3A_291] : memref<10240x128xf32, #tpu.memory_space<vmem_shared>> -> memref<40x128xf32, #tpu.memory_space<vmem_shared>>
      %dma_start3A_293 = arith.constant 0 : i32
      %dma_start3A_294 = arith.constant 0 : i32
      %dma_start3A_295 = tpu.memref_slice %arg10[%run_scoped3A_23, %dma_start3A_293, %dma_start3A_294] : memref<2x40x128xf32, #tpu.memory_space<vmem>> -> memref<1x40x128xf32, #tpu.memory_space<vmem>>
      %dma_start3A_296 = tpu.memref_squeeze %dma_start3A_295 : memref<1x40x128xf32, #tpu.memory_space<vmem>> -> memref<40x128xf32, #tpu.memory_space<vmem>>
      tpu.enqueue_dma source(%dma_start3A_296 : memref<40x128xf32, #tpu.memory_space<vmem>>) target(%dma_start3A_292 : memref<40x128xf32, #tpu.memory_space<vmem_shared>>) target_semaphore(%run_scoped3A_284 : memref<!tpu.dma_semaphore, #tpu.memory_space<semaphore_mem>>)
      %dma_wait3A = arith.constant 0 : i32
      %dma_wait3A_297 = arith.constant 0 : i32
      %dma_wait3A_298 = tpu.memref_slice %arg10[%run_scoped3A_23, %dma_wait3A, %dma_wait3A_297] : memref<2x40x128xf32, #tpu.memory_space<vmem>> -> memref<1x40x128xf32, #tpu.memory_space<vmem>>
      %dma_wait3A_299 = tpu.memref_squeeze %dma_wait3A_298 : memref<1x40x128xf32, #tpu.memory_space<vmem>> -> memref<40x128xf32, #tpu.memory_space<vmem>>
      %dma_wait3A_300 = arith.constant 0 : i32
      %dma_wait3A_301 = tpu.memref_slice %arg18[%add3A_22, %dma_wait3A_300] : memref<10240x128xf32, #tpu.memory_space<vmem_shared>> -> memref<40x128xf32, #tpu.memory_space<vmem_shared>>
      %dma_wait3A_302 = arith.constant 0 : i32
      %dma_wait3A_303 = tpu.memref_slice %arg18[%add3A_22, %dma_wait3A_302] : memref<10240x128xf32, #tpu.memory_space<vmem_shared>> -> memref<40x128xf32, #tpu.memory_space<vmem_shared>>
      %dma_wait3A_304 = arith.constant 0 : i32
      %dma_wait3A_305 = arith.constant 0 : i32
      %dma_wait3A_306 = tpu.memref_slice %arg10[%run_scoped3A_23, %dma_wait3A_304, %dma_wait3A_305] : memref<2x40x128xf32, #tpu.memory_space<vmem>> -> memref<1x40x128xf32, #tpu.memory_space<vmem>>
      %dma_wait3A_307 = tpu.memref_squeeze %dma_wait3A_306 : memref<1x40x128xf32, #tpu.memory_space<vmem>> -> memref<40x128xf32, #tpu.memory_space<vmem>>
      tpu.wait_dma2 semaphore(%run_scoped3A_284 : memref<!tpu.dma_semaphore, #tpu.memory_space<semaphore_mem>>) src(%dma_wait3A_307 : memref<40x128xf32, #tpu.memory_space<vmem>>) dst(%dma_wait3A_303 : memref<40x128xf32, #tpu.memory_space<vmem_shared>>)
      tpu.yield
    }) : () -> ()
    %mul3A_24 = arith.constant 640 : i32
    %mul3A_25 = arith.muli %arg1, %mul3A_24 : i32
    %add3A_26 = arith.constant 40 : i32
    %add3A_27 = arith.addi %mul3A_25, %add3A_26 : i32
    "tpu.region"() ({
      %run_scoped3A_284 = tpu.sem_alloc : memref<!tpu.dma_semaphore, #tpu.memory_space<semaphore_mem>>
      %dma_start3A_285 = arith.constant 0 : i32
      %dma_start3A_286 = tpu.memref_slice %arg19[%add3A_27, %dma_start3A_285] : memref<10240x8xf32, #tpu.memory_space<vmem_shared>> -> memref<40x8xf32, #tpu.memory_space<vmem_shared>>
      %dma_start3A_287 = arith.constant 0 : i32
      %dma_start3A_288 = tpu.memref_slice %arg19[%add3A_27, %dma_start3A_287] : memref<10240x8xf32, #tpu.memory_space<vmem_shared>> -> memref<40x8xf32, #tpu.memory_space<vmem_shared>>
      tpu.enqueue_dma source(%arg12 : memref<40x8xf32, #tpu.memory_space<vmem>>) target(%dma_start3A_288 : memref<40x8xf32, #tpu.memory_space<vmem_shared>>) target_semaphore(%run_scoped3A_284 : memref<!tpu.dma_semaphore, #tpu.memory_space<semaphore_mem>>)
      %dma_wait3A = arith.constant 0 : i32
      %dma_wait3A_289 = tpu.memref_slice %arg19[%add3A_27, %dma_wait3A] : memref<10240x8xf32, #tpu.memory_space<vmem_shared>> -> memref<40x8xf32, #tpu.memory_space<vmem_shared>>
      %dma_wait3A_290 = arith.constant 0 : i32
      %dma_wait3A_291 = tpu.memref_slice %arg19[%add3A_27, %dma_wait3A_290] : memref<10240x8xf32, #tpu.memory_space<vmem_shared>> -> memref<40x8xf32, #tpu.memory_space<vmem_shared>>
      tpu.wait_dma2 semaphore(%run_scoped3A_284 : memref<!tpu.dma_semaphore, #tpu.memory_space<semaphore_mem>>) src(%arg12 : memref<40x8xf32, #tpu.memory_space<vmem>>) dst(%dma_wait3A_291 : memref<40x8xf32, #tpu.memory_space<vmem_shared>>)
      tpu.yield
    }) : () -> ()
    %mul3A_28 = arith.constant 640 : i32
    %mul3A_29 = arith.muli %arg1, %mul3A_28 : i32
    %add3A_30 = arith.constant 80 : i32
    %add3A_31 = arith.addi %mul3A_29, %add3A_30 : i32
    %run_scoped3A_32 = arith.constant 0 : i32
    "tpu.region"() ({
      %run_scoped3A_284 = tpu.sem_alloc : memref<!tpu.dma_semaphore, #tpu.memory_space<semaphore_mem>>
      %dma_start3A_285 = arith.constant 0 : i32
      %dma_start3A_286 = arith.constant 0 : i32
      %dma_start3A_287 = tpu.memref_slice %arg10[%run_scoped3A_32, %dma_start3A_285, %dma_start3A_286] : memref<2x40x128xf32, #tpu.memory_space<vmem>> -> memref<1x40x128xf32, #tpu.memory_space<vmem>>
      %dma_start3A_288 = tpu.memref_squeeze %dma_start3A_287 : memref<1x40x128xf32, #tpu.memory_space<vmem>> -> memref<40x128xf32, #tpu.memory_space<vmem>>
      %dma_start3A_289 = arith.constant 0 : i32
      %dma_start3A_290 = tpu.memref_slice %arg18[%add3A_31, %dma_start3A_289] : memref<10240x128xf32, #tpu.memory_space<vmem_shared>> -> memref<40x128xf32, #tpu.memory_space<vmem_shared>>
      %dma_start3A_291 = arith.constant 0 : i32
      %dma_start3A_292 = tpu.memref_slice %arg18[%add3A_31, %dma_start3A_291] : memref<10240x128xf32, #tpu.memory_space<vmem_shared>> -> memref<40x128xf32, #tpu.memory_space<vmem_shared>>
      %dma_start3A_293 = arith.constant 0 : i32
      %dma_start3A_294 = arith.constant 0 : i32
      %dma_start3A_295 = tpu.memref_slice %arg10[%run_scoped3A_32, %dma_start3A_293, %dma_start3A_294] : memref<2x40x128xf32, #tpu.memory_space<vmem>> -> memref<1x40x128xf32, #tpu.memory_space<vmem>>
      %dma_start3A_296 = tpu.memref_squeeze %dma_start3A_295 : memref<1x40x128xf32, #tpu.memory_space<vmem>> -> memref<40x128xf32, #tpu.memory_space<vmem>>
      tpu.enqueue_dma source(%dma_start3A_296 : memref<40x128xf32, #tpu.memory_space<vmem>>) target(%dma_start3A_292 : memref<40x128xf32, #tpu.memory_space<vmem_shared>>) target_semaphore(%run_scoped3A_284 : memref<!tpu.dma_semaphore, #tpu.memory_space<semaphore_mem>>)
      %dma_wait3A = arith.constant 0 : i32
      %dma_wait3A_297 = arith.constant 0 : i32
      %dma_wait3A_298 = tpu.memref_slice %arg10[%run_scoped3A_32, %dma_wait3A, %dma_wait3A_297] : memref<2x40x128xf32, #tpu.memory_space<vmem>> -> memref<1x40x128xf32, #tpu.memory_space<vmem>>
      %dma_wait3A_299 = tpu.memref_squeeze %dma_wait3A_298 : memref<1x40x128xf32, #tpu.memory_space<vmem>> -> memref<40x128xf32, #tpu.memory_space<vmem>>
      %dma_wait3A_300 = arith.constant 0 : i32
      %dma_wait3A_301 = tpu.memref_slice %arg18[%add3A_31, %dma_wait3A_300] : memref<10240x128xf32, #tpu.memory_space<vmem_shared>> -> memref<40x128xf32, #tpu.memory_space<vmem_shared>>
      %dma_wait3A_302 = arith.constant 0 : i32
      %dma_wait3A_303 = tpu.memref_slice %arg18[%add3A_31, %dma_wait3A_302] : memref<10240x128xf32, #tpu.memory_space<vmem_shared>> -> memref<40x128xf32, #tpu.memory_space<vmem_shared>>
      %dma_wait3A_304 = arith.constant 0 : i32
      %dma_wait3A_305 = arith.constant 0 : i32
      %dma_wait3A_306 = tpu.memref_slice %arg10[%run_scoped3A_32, %dma_wait3A_304, %dma_wait3A_305] : memref<2x40x128xf32, #tpu.memory_space<vmem>> -> memref<1x40x128xf32, #tpu.memory_space<vmem>>
      %dma_wait3A_307 = tpu.memref_squeeze %dma_wait3A_306 : memref<1x40x128xf32, #tpu.memory_space<vmem>> -> memref<40x128xf32, #tpu.memory_space<vmem>>
      tpu.wait_dma2 semaphore(%run_scoped3A_284 : memref<!tpu.dma_semaphore, #tpu.memory_space<semaphore_mem>>) src(%dma_wait3A_307 : memref<40x128xf32, #tpu.memory_space<vmem>>) dst(%dma_wait3A_303 : memref<40x128xf32, #tpu.memory_space<vmem_shared>>)
      tpu.yield
    }) : () -> ()
    %mul3A_33 = arith.constant 640 : i32
    %mul3A_34 = arith.muli %arg1, %mul3A_33 : i32
    %add3A_35 = arith.constant 80 : i32
    %add3A_36 = arith.addi %mul3A_34, %add3A_35 : i32
    "tpu.region"() ({
      %run_scoped3A_284 = tpu.sem_alloc : memref<!tpu.dma_semaphore, #tpu.memory_space<semaphore_mem>>
      %dma_start3A_285 = arith.constant 0 : i32
      %dma_start3A_286 = tpu.memref_slice %arg19[%add3A_36, %dma_start3A_285] : memref<10240x8xf32, #tpu.memory_space<vmem_shared>> -> memref<40x8xf32, #tpu.memory_space<vmem_shared>>
      %dma_start3A_287 = arith.constant 0 : i32
      %dma_start3A_288 = tpu.memref_slice %arg19[%add3A_36, %dma_start3A_287] : memref<10240x8xf32, #tpu.memory_space<vmem_shared>> -> memref<40x8xf32, #tpu.memory_space<vmem_shared>>
      tpu.enqueue_dma source(%arg12 : memref<40x8xf32, #tpu.memory_space<vmem>>) target(%dma_start3A_288 : memref<40x8xf32, #tpu.memory_space<vmem_shared>>) target_semaphore(%run_scoped3A_284 : memref<!tpu.dma_semaphore, #tpu.memory_space<semaphore_mem>>)
      %dma_wait3A = arith.constant 0 : i32
      %dma_wait3A_289 = tpu.memref_slice %arg19[%add3A_36, %dma_wait3A] : memref<10240x8xf32, #tpu.memory_space<vmem_shared>> -> memref<40x8xf32, #tpu.memory_space<vmem_shared>>
      %dma_wait3A_290 = arith.constant 0 : i32
      %dma_wait3A_291 = tpu.memref_slice %arg19[%add3A_36, %dma_wait3A_290] : memref<10240x8xf32, #tpu.memory_space<vmem_shared>> -> memref<40x8xf32, #tpu.memory_space<vmem_shared>>
      tpu.wait_dma2 semaphore(%run_scoped3A_284 : memref<!tpu.dma_semaphore, #tpu.memory_space<semaphore_mem>>) src(%arg12 : memref<40x8xf32, #tpu.memory_space<vmem>>) dst(%dma_wait3A_291 : memref<40x8xf32, #tpu.memory_space<vmem_shared>>)
      tpu.yield
    }) : () -> ()
    %mul3A_37 = arith.constant 640 : i32
    %mul3A_38 = arith.muli %arg1, %mul3A_37 : i32
    %add3A_39 = arith.constant 120 : i32
    %add3A_40 = arith.addi %mul3A_38, %add3A_39 : i32
    %run_scoped3A_41 = arith.constant 0 : i32
    "tpu.region"() ({
      %run_scoped3A_284 = tpu.sem_alloc : memref<!tpu.dma_semaphore, #tpu.memory_space<semaphore_mem>>
      %dma_start3A_285 = arith.constant 0 : i32
      %dma_start3A_286 = arith.constant 0 : i32
      %dma_start3A_287 = tpu.memref_slice %arg10[%run_scoped3A_41, %dma_start3A_285, %dma_start3A_286] : memref<2x40x128xf32, #tpu.memory_space<vmem>> -> memref<1x40x128xf32, #tpu.memory_space<vmem>>
      %dma_start3A_288 = tpu.memref_squeeze %dma_start3A_287 : memref<1x40x128xf32, #tpu.memory_space<vmem>> -> memref<40x128xf32, #tpu.memory_space<vmem>>
      %dma_start3A_289 = arith.constant 0 : i32
      %dma_start3A_290 = tpu.memref_slice %arg18[%add3A_40, %dma_start3A_289] : memref<10240x128xf32, #tpu.memory_space<vmem_shared>> -> memref<40x128xf32, #tpu.memory_space<vmem_shared>>
      %dma_start3A_291 = arith.constant 0 : i32
      %dma_start3A_292 = tpu.memref_slice %arg18[%add3A_40, %dma_start3A_291] : memref<10240x128xf32, #tpu.memory_space<vmem_shared>> -> memref<40x128xf32, #tpu.memory_space<vmem_shared>>
      %dma_start3A_293 = arith.constant 0 : i32
      %dma_start3A_294 = arith.constant 0 : i32
      %dma_start3A_295 = tpu.memref_slice %arg10[%run_scoped3A_41, %dma_start3A_293, %dma_start3A_294] : memref<2x40x128xf32, #tpu.memory_space<vmem>> -> memref<1x40x128xf32, #tpu.memory_space<vmem>>
      %dma_start3A_296 = tpu.memref_squeeze %dma_start3A_295 : memref<1x40x128xf32, #tpu.memory_space<vmem>> -> memref<40x128xf32, #tpu.memory_space<vmem>>
      tpu.enqueue_dma source(%dma_start3A_296 : memref<40x128xf32, #tpu.memory_space<vmem>>) target(%dma_start3A_292 : memref<40x128xf32, #tpu.memory_space<vmem_shared>>) target_semaphore(%run_scoped3A_284 : memref<!tpu.dma_semaphore, #tpu.memory_space<semaphore_mem>>)
      %dma_wait3A = arith.constant 0 : i32
      %dma_wait3A_297 = arith.constant 0 : i32
      %dma_wait3A_298 = tpu.memref_slice %arg10[%run_scoped3A_41, %dma_wait3A, %dma_wait3A_297] : memref<2x40x128xf32, #tpu.memory_space<vmem>> -> memref<1x40x128xf32, #tpu.memory_space<vmem>>
      %dma_wait3A_299 = tpu.memref_squeeze %dma_wait3A_298 : memref<1x40x128xf32, #tpu.memory_space<vmem>> -> memref<40x128xf32, #tpu.memory_space<vmem>>
      %dma_wait3A_300 = arith.constant 0 : i32
      %dma_wait3A_301 = tpu.memref_slice %arg18[%add3A_40, %dma_wait3A_300] : memref<10240x128xf32, #tpu.memory_space<vmem_shared>> -> memref<40x128xf32, #tpu.memory_space<vmem_shared>>
      %dma_wait3A_302 = arith.constant 0 : i32
      %dma_wait3A_303 = tpu.memref_slice %arg18[%add3A_40, %dma_wait3A_302] : memref<10240x128xf32, #tpu.memory_space<vmem_shared>> -> memref<40x128xf32, #tpu.memory_space<vmem_shared>>
      %dma_wait3A_304 = arith.constant 0 : i32
      %dma_wait3A_305 = arith.constant 0 : i32
      %dma_wait3A_306 = tpu.memref_slice %arg10[%run_scoped3A_41, %dma_wait3A_304, %dma_wait3A_305] : memref<2x40x128xf32, #tpu.memory_space<vmem>> -> memref<1x40x128xf32, #tpu.memory_space<vmem>>
      %dma_wait3A_307 = tpu.memref_squeeze %dma_wait3A_306 : memref<1x40x128xf32, #tpu.memory_space<vmem>> -> memref<40x128xf32, #tpu.memory_space<vmem>>
      tpu.wait_dma2 semaphore(%run_scoped3A_284 : memref<!tpu.dma_semaphore, #tpu.memory_space<semaphore_mem>>) src(%dma_wait3A_307 : memref<40x128xf32, #tpu.memory_space<vmem>>) dst(%dma_wait3A_303 : memref<40x128xf32, #tpu.memory_space<vmem_shared>>)
      tpu.yield
    }) : () -> ()
    %mul3A_42 = arith.constant 640 : i32
    %mul3A_43 = arith.muli %arg1, %mul3A_42 : i32
    %add3A_44 = arith.constant 120 : i32
    %add3A_45 = arith.addi %mul3A_43, %add3A_44 : i32
    "tpu.region"() ({
      %run_scoped3A_284 = tpu.sem_alloc : memref<!tpu.dma_semaphore, #tpu.memory_space<semaphore_mem>>
      %dma_start3A_285 = arith.constant 0 : i32
      %dma_start3A_286 = tpu.memref_slice %arg19[%add3A_45, %dma_start3A_285] : memref<10240x8xf32, #tpu.memory_space<vmem_shared>> -> memref<40x8xf32, #tpu.memory_space<vmem_shared>>
      %dma_start3A_287 = arith.constant 0 : i32
      %dma_start3A_288 = tpu.memref_slice %arg19[%add3A_45, %dma_start3A_287] : memref<10240x8xf32, #tpu.memory_space<vmem_shared>> -> memref<40x8xf32, #tpu.memory_space<vmem_shared>>
      tpu.enqueue_dma source(%arg12 : memref<40x8xf32, #tpu.memory_space<vmem>>) target(%dma_start3A_288 : memref<40x8xf32, #tpu.memory_space<vmem_shared>>) target_semaphore(%run_scoped3A_284 : memref<!tpu.dma_semaphore, #tpu.memory_space<semaphore_mem>>)
      %dma_wait3A = arith.constant 0 : i32
      %dma_wait3A_289 = tpu.memref_slice %arg19[%add3A_45, %dma_wait3A] : memref<10240x8xf32, #tpu.memory_space<vmem_shared>> -> memref<40x8xf32, #tpu.memory_space<vmem_shared>>
      %dma_wait3A_290 = arith.constant 0 : i32
      %dma_wait3A_291 = tpu.memref_slice %arg19[%add3A_45, %dma_wait3A_290] : memref<10240x8xf32, #tpu.memory_space<vmem_shared>> -> memref<40x8xf32, #tpu.memory_space<vmem_shared>>
      tpu.wait_dma2 semaphore(%run_scoped3A_284 : memref<!tpu.dma_semaphore, #tpu.memory_space<semaphore_mem>>) src(%arg12 : memref<40x8xf32, #tpu.memory_space<vmem>>) dst(%dma_wait3A_291 : memref<40x8xf32, #tpu.memory_space<vmem_shared>>)
      tpu.yield
    }) : () -> ()
    %mul3A_46 = arith.constant 640 : i32
    %mul3A_47 = arith.muli %arg1, %mul3A_46 : i32
    %add3A_48 = arith.constant 160 : i32
    %add3A_49 = arith.addi %mul3A_47, %add3A_48 : i32
    %run_scoped3A_50 = arith.constant 0 : i32
    "tpu.region"() ({
      %run_scoped3A_284 = tpu.sem_alloc : memref<!tpu.dma_semaphore, #tpu.memory_space<semaphore_mem>>
      %dma_start3A_285 = arith.constant 0 : i32
      %dma_start3A_286 = arith.constant 0 : i32
      %dma_start3A_287 = tpu.memref_slice %arg10[%run_scoped3A_50, %dma_start3A_285, %dma_start3A_286] : memref<2x40x128xf32, #tpu.memory_space<vmem>> -> memref<1x40x128xf32, #tpu.memory_space<vmem>>
      %dma_start3A_288 = tpu.memref_squeeze %dma_start3A_287 : memref<1x40x128xf32, #tpu.memory_space<vmem>> -> memref<40x128xf32, #tpu.memory_space<vmem>>
      %dma_start3A_289 = arith.constant 0 : i32
      %dma_start3A_290 = tpu.memref_slice %arg18[%add3A_49, %dma_start3A_289] : memref<10240x128xf32, #tpu.memory_space<vmem_shared>> -> memref<40x128xf32, #tpu.memory_space<vmem_shared>>
      %dma_start3A_291 = arith.constant 0 : i32
      %dma_start3A_292 = tpu.memref_slice %arg18[%add3A_49, %dma_start3A_291] : memref<10240x128xf32, #tpu.memory_space<vmem_shared>> -> memref<40x128xf32, #tpu.memory_space<vmem_shared>>
      %dma_start3A_293 = arith.constant 0 : i32
      %dma_start3A_294 = arith.constant 0 : i32
      %dma_start3A_295 = tpu.memref_slice %arg10[%run_scoped3A_50, %dma_start3A_293, %dma_start3A_294] : memref<2x40x128xf32, #tpu.memory_space<vmem>> -> memref<1x40x128xf32, #tpu.memory_space<vmem>>
      %dma_start3A_296 = tpu.memref_squeeze %dma_start3A_295 : memref<1x40x128xf32, #tpu.memory_space<vmem>> -> memref<40x128xf32, #tpu.memory_space<vmem>>
      tpu.enqueue_dma source(%dma_start3A_296 : memref<40x128xf32, #tpu.memory_space<vmem>>) target(%dma_start3A_292 : memref<40x128xf32, #tpu.memory_space<vmem_shared>>) target_semaphore(%run_scoped3A_284 : memref<!tpu.dma_semaphore, #tpu.memory_space<semaphore_mem>>)
      %dma_wait3A = arith.constant 0 : i32
      %dma_wait3A_297 = arith.constant 0 : i32
      %dma_wait3A_298 = tpu.memref_slice %arg10[%run_scoped3A_50, %dma_wait3A, %dma_wait3A_297] : memref<2x40x128xf32, #tpu.memory_space<vmem>> -> memref<1x40x128xf32, #tpu.memory_space<vmem>>
      %dma_wait3A_299 = tpu.memref_squeeze %dma_wait3A_298 : memref<1x40x128xf32, #tpu.memory_space<vmem>> -> memref<40x128xf32, #tpu.memory_space<vmem>>
      %dma_wait3A_300 = arith.constant 0 : i32
      %dma_wait3A_301 = tpu.memref_slice %arg18[%add3A_49, %dma_wait3A_300] : memref<10240x128xf32, #tpu.memory_space<vmem_shared>> -> memref<40x128xf32, #tpu.memory_space<vmem_shared>>
      %dma_wait3A_302 = arith.constant 0 : i32
      %dma_wait3A_303 = tpu.memref_slice %arg18[%add3A_49, %dma_wait3A_302] : memref<10240x128xf32, #tpu.memory_space<vmem_shared>> -> memref<40x128xf32, #tpu.memory_space<vmem_shared>>
      %dma_wait3A_304 = arith.constant 0 : i32
      %dma_wait3A_305 = arith.constant 0 : i32
      %dma_wait3A_306 = tpu.memref_slice %arg10[%run_scoped3A_50, %dma_wait3A_304, %dma_wait3A_305] : memref<2x40x128xf32, #tpu.memory_space<vmem>> -> memref<1x40x128xf32, #tpu.memory_space<vmem>>
      %dma_wait3A_307 = tpu.memref_squeeze %dma_wait3A_306 : memref<1x40x128xf32, #tpu.memory_space<vmem>> -> memref<40x128xf32, #tpu.memory_space<vmem>>
      tpu.wait_dma2 semaphore(%run_scoped3A_284 : memref<!tpu.dma_semaphore, #tpu.memory_space<semaphore_mem>>) src(%dma_wait3A_307 : memref<40x128xf32, #tpu.memory_space<vmem>>) dst(%dma_wait3A_303 : memref<40x128xf32, #tpu.memory_space<vmem_shared>>)
      tpu.yield
    }) : () -> ()
    %mul3A_51 = arith.constant 640 : i32
    %mul3A_52 = arith.muli %arg1, %mul3A_51 : i32
    %add3A_53 = arith.constant 160 : i32
    %add3A_54 = arith.addi %mul3A_52, %add3A_53 : i32
    "tpu.region"() ({
      %run_scoped3A_284 = tpu.sem_alloc : memref<!tpu.dma_semaphore, #tpu.memory_space<semaphore_mem>>
      %dma_start3A_285 = arith.constant 0 : i32
      %dma_start3A_286 = tpu.memref_slice %arg19[%add3A_54, %dma_start3A_285] : memref<10240x8xf32, #tpu.memory_space<vmem_shared>> -> memref<40x8xf32, #tpu.memory_space<vmem_shared>>
      %dma_start3A_287 = arith.constant 0 : i32
      %dma_start3A_288 = tpu.memref_slice %arg19[%add3A_54, %dma_start3A_287] : memref<10240x8xf32, #tpu.memory_space<vmem_shared>> -> memref<40x8xf32, #tpu.memory_space<vmem_shared>>
      tpu.enqueue_dma source(%arg12 : memref<40x8xf32, #tpu.memory_space<vmem>>) target(%dma_start3A_288 : memref<40x8xf32, #tpu.memory_space<vmem_shared>>) target_semaphore(%run_scoped3A_284 : memref<!tpu.dma_semaphore, #tpu.memory_space<semaphore_mem>>)
      %dma_wait3A = arith.constant 0 : i32
      %dma_wait3A_289 = tpu.memref_slice %arg19[%add3A_54, %dma_wait3A] : memref<10240x8xf32, #tpu.memory_space<vmem_shared>> -> memref<40x8xf32, #tpu.memory_space<vmem_shared>>
      %dma_wait3A_290 = arith.constant 0 : i32
      %dma_wait3A_291 = tpu.memref_slice %arg19[%add3A_54, %dma_wait3A_290] : memref<10240x8xf32, #tpu.memory_space<vmem_shared>> -> memref<40x8xf32, #tpu.memory_space<vmem_shared>>
      tpu.wait_dma2 semaphore(%run_scoped3A_284 : memref<!tpu.dma_semaphore, #tpu.memory_space<semaphore_mem>>) src(%arg12 : memref<40x8xf32, #tpu.memory_space<vmem>>) dst(%dma_wait3A_291 : memref<40x8xf32, #tpu.memory_space<vmem_shared>>)
      tpu.yield
    }) : () -> ()
    %mul3A_55 = arith.constant 640 : i32
    %mul3A_56 = arith.muli %arg1, %mul3A_55 : i32
    %add3A_57 = arith.constant 200 : i32
    %add3A_58 = arith.addi %mul3A_56, %add3A_57 : i32
    %run_scoped3A_59 = arith.constant 0 : i32
    "tpu.region"() ({
      %run_scoped3A_284 = tpu.sem_alloc : memref<!tpu.dma_semaphore, #tpu.memory_space<semaphore_mem>>
      %dma_start3A_285 = arith.constant 0 : i32
      %dma_start3A_286 = arith.constant 0 : i32
      %dma_start3A_287 = tpu.memref_slice %arg10[%run_scoped3A_59, %dma_start3A_285, %dma_start3A_286] : memref<2x40x128xf32, #tpu.memory_space<vmem>> -> memref<1x40x128xf32, #tpu.memory_space<vmem>>
      %dma_start3A_288 = tpu.memref_squeeze %dma_start3A_287 : memref<1x40x128xf32, #tpu.memory_space<vmem>> -> memref<40x128xf32, #tpu.memory_space<vmem>>
      %dma_start3A_289 = arith.constant 0 : i32
      %dma_start3A_290 = tpu.memref_slice %arg18[%add3A_58, %dma_start3A_289] : memref<10240x128xf32, #tpu.memory_space<vmem_shared>> -> memref<40x128xf32, #tpu.memory_space<vmem_shared>>
      %dma_start3A_291 = arith.constant 0 : i32
      %dma_start3A_292 = tpu.memref_slice %arg18[%add3A_58, %dma_start3A_291] : memref<10240x128xf32, #tpu.memory_space<vmem_shared>> -> memref<40x128xf32, #tpu.memory_space<vmem_shared>>
      %dma_start3A_293 = arith.constant 0 : i32
      %dma_start3A_294 = arith.constant 0 : i32
      %dma_start3A_295 = tpu.memref_slice %arg10[%run_scoped3A_59, %dma_start3A_293, %dma_start3A_294] : memref<2x40x128xf32, #tpu.memory_space<vmem>> -> memref<1x40x128xf32, #tpu.memory_space<vmem>>
      %dma_start3A_296 = tpu.memref_squeeze %dma_start3A_295 : memref<1x40x128xf32, #tpu.memory_space<vmem>> -> memref<40x128xf32, #tpu.memory_space<vmem>>
      tpu.enqueue_dma source(%dma_start3A_296 : memref<40x128xf32, #tpu.memory_space<vmem>>) target(%dma_start3A_292 : memref<40x128xf32, #tpu.memory_space<vmem_shared>>) target_semaphore(%run_scoped3A_284 : memref<!tpu.dma_semaphore, #tpu.memory_space<semaphore_mem>>)
      %dma_wait3A = arith.constant 0 : i32
      %dma_wait3A_297 = arith.constant 0 : i32
      %dma_wait3A_298 = tpu.memref_slice %arg10[%run_scoped3A_59, %dma_wait3A, %dma_wait3A_297] : memref<2x40x128xf32, #tpu.memory_space<vmem>> -> memref<1x40x128xf32, #tpu.memory_space<vmem>>
      %dma_wait3A_299 = tpu.memref_squeeze %dma_wait3A_298 : memref<1x40x128xf32, #tpu.memory_space<vmem>> -> memref<40x128xf32, #tpu.memory_space<vmem>>
      %dma_wait3A_300 = arith.constant 0 : i32
      %dma_wait3A_301 = tpu.memref_slice %arg18[%add3A_58, %dma_wait3A_300] : memref<10240x128xf32, #tpu.memory_space<vmem_shared>> -> memref<40x128xf32, #tpu.memory_space<vmem_shared>>
      %dma_wait3A_302 = arith.constant 0 : i32
      %dma_wait3A_303 = tpu.memref_slice %arg18[%add3A_58, %dma_wait3A_302] : memref<10240x128xf32, #tpu.memory_space<vmem_shared>> -> memref<40x128xf32, #tpu.memory_space<vmem_shared>>
      %dma_wait3A_304 = arith.constant 0 : i32
      %dma_wait3A_305 = arith.constant 0 : i32
      %dma_wait3A_306 = tpu.memref_slice %arg10[%run_scoped3A_59, %dma_wait3A_304, %dma_wait3A_305] : memref<2x40x128xf32, #tpu.memory_space<vmem>> -> memref<1x40x128xf32, #tpu.memory_space<vmem>>
      %dma_wait3A_307 = tpu.memref_squeeze %dma_wait3A_306 : memref<1x40x128xf32, #tpu.memory_space<vmem>> -> memref<40x128xf32, #tpu.memory_space<vmem>>
      tpu.wait_dma2 semaphore(%run_scoped3A_284 : memref<!tpu.dma_semaphore, #tpu.memory_space<semaphore_mem>>) src(%dma_wait3A_307 : memref<40x128xf32, #tpu.memory_space<vmem>>) dst(%dma_wait3A_303 : memref<40x128xf32, #tpu.memory_space<vmem_shared>>)
      tpu.yield
    }) : () -> ()
    %mul3A_60 = arith.constant 640 : i32
    %mul3A_61 = arith.muli %arg1, %mul3A_60 : i32
    %add3A_62 = arith.constant 200 : i32
    %add3A_63 = arith.addi %mul3A_61, %add3A_62 : i32
    "tpu.region"() ({
      %run_scoped3A_284 = tpu.sem_alloc : memref<!tpu.dma_semaphore, #tpu.memory_space<semaphore_mem>>
      %dma_start3A_285 = arith.constant 0 : i32
      %dma_start3A_286 = tpu.memref_slice %arg19[%add3A_63, %dma_start3A_285] : memref<10240x8xf32, #tpu.memory_space<vmem_shared>> -> memref<40x8xf32, #tpu.memory_space<vmem_shared>>
      %dma_start3A_287 = arith.constant 0 : i32
      %dma_start3A_288 = tpu.memref_slice %arg19[%add3A_63, %dma_start3A_287] : memref<10240x8xf32, #tpu.memory_space<vmem_shared>> -> memref<40x8xf32, #tpu.memory_space<vmem_shared>>
      tpu.enqueue_dma source(%arg12 : memref<40x8xf32, #tpu.memory_space<vmem>>) target(%dma_start3A_288 : memref<40x8xf32, #tpu.memory_space<vmem_shared>>) target_semaphore(%run_scoped3A_284 : memref<!tpu.dma_semaphore, #tpu.memory_space<semaphore_mem>>)
      %dma_wait3A = arith.constant 0 : i32
      %dma_wait3A_289 = tpu.memref_slice %arg19[%add3A_63, %dma_wait3A] : memref<10240x8xf32, #tpu.memory_space<vmem_shared>> -> memref<40x8xf32, #tpu.memory_space<vmem_shared>>
      %dma_wait3A_290 = arith.constant 0 : i32
      %dma_wait3A_291 = tpu.memref_slice %arg19[%add3A_63, %dma_wait3A_290] : memref<10240x8xf32, #tpu.memory_space<vmem_shared>> -> memref<40x8xf32, #tpu.memory_space<vmem_shared>>
      tpu.wait_dma2 semaphore(%run_scoped3A_284 : memref<!tpu.dma_semaphore, #tpu.memory_space<semaphore_mem>>) src(%arg12 : memref<40x8xf32, #tpu.memory_space<vmem>>) dst(%dma_wait3A_291 : memref<40x8xf32, #tpu.memory_space<vmem_shared>>)
      tpu.yield
    }) : () -> ()
    %mul3A_64 = arith.constant 640 : i32
    %mul3A_65 = arith.muli %arg1, %mul3A_64 : i32
    %add3A_66 = arith.constant 240 : i32
    %add3A_67 = arith.addi %mul3A_65, %add3A_66 : i32
    %run_scoped3A_68 = arith.constant 0 : i32
    "tpu.region"() ({
      %run_scoped3A_284 = tpu.sem_alloc : memref<!tpu.dma_semaphore, #tpu.memory_space<semaphore_mem>>
      %dma_start3A_285 = arith.constant 0 : i32
      %dma_start3A_286 = arith.constant 0 : i32
      %dma_start3A_287 = tpu.memref_slice %arg10[%run_scoped3A_68, %dma_start3A_285, %dma_start3A_286] : memref<2x40x128xf32, #tpu.memory_space<vmem>> -> memref<1x40x128xf32, #tpu.memory_space<vmem>>
      %dma_start3A_288 = tpu.memref_squeeze %dma_start3A_287 : memref<1x40x128xf32, #tpu.memory_space<vmem>> -> memref<40x128xf32, #tpu.memory_space<vmem>>
      %dma_start3A_289 = arith.constant 0 : i32
      %dma_start3A_290 = tpu.memref_slice %arg18[%add3A_67, %dma_start3A_289] : memref<10240x128xf32, #tpu.memory_space<vmem_shared>> -> memref<40x128xf32, #tpu.memory_space<vmem_shared>>
      %dma_start3A_291 = arith.constant 0 : i32
      %dma_start3A_292 = tpu.memref_slice %arg18[%add3A_67, %dma_start3A_291] : memref<10240x128xf32, #tpu.memory_space<vmem_shared>> -> memref<40x128xf32, #tpu.memory_space<vmem_shared>>
      %dma_start3A_293 = arith.constant 0 : i32
      %dma_start3A_294 = arith.constant 0 : i32
      %dma_start3A_295 = tpu.memref_slice %arg10[%run_scoped3A_68, %dma_start3A_293, %dma_start3A_294] : memref<2x40x128xf32, #tpu.memory_space<vmem>> -> memref<1x40x128xf32, #tpu.memory_space<vmem>>
      %dma_start3A_296 = tpu.memref_squeeze %dma_start3A_295 : memref<1x40x128xf32, #tpu.memory_space<vmem>> -> memref<40x128xf32, #tpu.memory_space<vmem>>
      tpu.enqueue_dma source(%dma_start3A_296 : memref<40x128xf32, #tpu.memory_space<vmem>>) target(%dma_start3A_292 : memref<40x128xf32, #tpu.memory_space<vmem_shared>>) target_semaphore(%run_scoped3A_284 : memref<!tpu.dma_semaphore, #tpu.memory_space<semaphore_mem>>)
      %dma_wait3A = arith.constant 0 : i32
      %dma_wait3A_297 = arith.constant 0 : i32
      %dma_wait3A_298 = tpu.memref_slice %arg10[%run_scoped3A_68, %dma_wait3A, %dma_wait3A_297] : memref<2x40x128xf32, #tpu.memory_space<vmem>> -> memref<1x40x128xf32, #tpu.memory_space<vmem>>
      %dma_wait3A_299 = tpu.memref_squeeze %dma_wait3A_298 : memref<1x40x128xf32, #tpu.memory_space<vmem>> -> memref<40x128xf32, #tpu.memory_space<vmem>>
      %dma_wait3A_300 = arith.constant 0 : i32
      %dma_wait3A_301 = tpu.memref_slice %arg18[%add3A_67, %dma_wait3A_300] : memref<10240x128xf32, #tpu.memory_space<vmem_shared>> -> memref<40x128xf32, #tpu.memory_space<vmem_shared>>
      %dma_wait3A_302 = arith.constant 0 : i32
      %dma_wait3A_303 = tpu.memref_slice %arg18[%add3A_67, %dma_wait3A_302] : memref<10240x128xf32, #tpu.memory_space<vmem_shared>> -> memref<40x128xf32, #tpu.memory_space<vmem_shared>>
      %dma_wait3A_304 = arith.constant 0 : i32
      %dma_wait3A_305 = arith.constant 0 : i32
      %dma_wait3A_306 = tpu.memref_slice %arg10[%run_scoped3A_68, %dma_wait3A_304, %dma_wait3A_305] : memref<2x40x128xf32, #tpu.memory_space<vmem>> -> memref<1x40x128xf32, #tpu.memory_space<vmem>>
      %dma_wait3A_307 = tpu.memref_squeeze %dma_wait3A_306 : memref<1x40x128xf32, #tpu.memory_space<vmem>> -> memref<40x128xf32, #tpu.memory_space<vmem>>
      tpu.wait_dma2 semaphore(%run_scoped3A_284 : memref<!tpu.dma_semaphore, #tpu.memory_space<semaphore_mem>>) src(%dma_wait3A_307 : memref<40x128xf32, #tpu.memory_space<vmem>>) dst(%dma_wait3A_303 : memref<40x128xf32, #tpu.memory_space<vmem_shared>>)
      tpu.yield
    }) : () -> ()
    %mul3A_69 = arith.constant 640 : i32
    %mul3A_70 = arith.muli %arg1, %mul3A_69 : i32
    %add3A_71 = arith.constant 240 : i32
    %add3A_72 = arith.addi %mul3A_70, %add3A_71 : i32
    "tpu.region"() ({
      %run_scoped3A_284 = tpu.sem_alloc : memref<!tpu.dma_semaphore, #tpu.memory_space<semaphore_mem>>
      %dma_start3A_285 = arith.constant 0 : i32
      %dma_start3A_286 = tpu.memref_slice %arg19[%add3A_72, %dma_start3A_285] : memref<10240x8xf32, #tpu.memory_space<vmem_shared>> -> memref<40x8xf32, #tpu.memory_space<vmem_shared>>
      %dma_start3A_287 = arith.constant 0 : i32
      %dma_start3A_288 = tpu.memref_slice %arg19[%add3A_72, %dma_start3A_287] : memref<10240x8xf32, #tpu.memory_space<vmem_shared>> -> memref<40x8xf32, #tpu.memory_space<vmem_shared>>
      tpu.enqueue_dma source(%arg12 : memref<40x8xf32, #tpu.memory_space<vmem>>) target(%dma_start3A_288 : memref<40x8xf32, #tpu.memory_space<vmem_shared>>) target_semaphore(%run_scoped3A_284 : memref<!tpu.dma_semaphore, #tpu.memory_space<semaphore_mem>>)
      %dma_wait3A = arith.constant 0 : i32
      %dma_wait3A_289 = tpu.memref_slice %arg19[%add3A_72, %dma_wait3A] : memref<10240x8xf32, #tpu.memory_space<vmem_shared>> -> memref<40x8xf32, #tpu.memory_space<vmem_shared>>
      %dma_wait3A_290 = arith.constant 0 : i32
      %dma_wait3A_291 = tpu.memref_slice %arg19[%add3A_72, %dma_wait3A_290] : memref<10240x8xf32, #tpu.memory_space<vmem_shared>> -> memref<40x8xf32, #tpu.memory_space<vmem_shared>>
      tpu.wait_dma2 semaphore(%run_scoped3A_284 : memref<!tpu.dma_semaphore, #tpu.memory_space<semaphore_mem>>) src(%arg12 : memref<40x8xf32, #tpu.memory_space<vmem>>) dst(%dma_wait3A_291 : memref<40x8xf32, #tpu.memory_space<vmem_shared>>)
      tpu.yield
    }) : () -> ()
    %mul3A_73 = arith.constant 640 : i32
    %mul3A_74 = arith.muli %arg1, %mul3A_73 : i32
    %add3A_75 = arith.constant 280 : i32
    %add3A_76 = arith.addi %mul3A_74, %add3A_75 : i32
    %run_scoped3A_77 = arith.constant 0 : i32
    "tpu.region"() ({
      %run_scoped3A_284 = tpu.sem_alloc : memref<!tpu.dma_semaphore, #tpu.memory_space<semaphore_mem>>
      %dma_start3A_285 = arith.constant 0 : i32
      %dma_start3A_286 = arith.constant 0 : i32
      %dma_start3A_287 = tpu.memref_slice %arg10[%run_scoped3A_77, %dma_start3A_285, %dma_start3A_286] : memref<2x40x128xf32, #tpu.memory_space<vmem>> -> memref<1x40x128xf32, #tpu.memory_space<vmem>>
      %dma_start3A_288 = tpu.memref_squeeze %dma_start3A_287 : memref<1x40x128xf32, #tpu.memory_space<vmem>> -> memref<40x128xf32, #tpu.memory_space<vmem>>
      %dma_start3A_289 = arith.constant 0 : i32
      %dma_start3A_290 = tpu.memref_slice %arg18[%add3A_76, %dma_start3A_289] : memref<10240x128xf32, #tpu.memory_space<vmem_shared>> -> memref<40x128xf32, #tpu.memory_space<vmem_shared>>
      %dma_start3A_291 = arith.constant 0 : i32
      %dma_start3A_292 = tpu.memref_slice %arg18[%add3A_76, %dma_start3A_291] : memref<10240x128xf32, #tpu.memory_space<vmem_shared>> -> memref<40x128xf32, #tpu.memory_space<vmem_shared>>
      %dma_start3A_293 = arith.constant 0 : i32
      %dma_start3A_294 = arith.constant 0 : i32
      %dma_start3A_295 = tpu.memref_slice %arg10[%run_scoped3A_77, %dma_start3A_293, %dma_start3A_294] : memref<2x40x128xf32, #tpu.memory_space<vmem>> -> memref<1x40x128xf32, #tpu.memory_space<vmem>>
      %dma_start3A_296 = tpu.memref_squeeze %dma_start3A_295 : memref<1x40x128xf32, #tpu.memory_space<vmem>> -> memref<40x128xf32, #tpu.memory_space<vmem>>
      tpu.enqueue_dma source(%dma_start3A_296 : memref<40x128xf32, #tpu.memory_space<vmem>>) target(%dma_start3A_292 : memref<40x128xf32, #tpu.memory_space<vmem_shared>>) target_semaphore(%run_scoped3A_284 : memref<!tpu.dma_semaphore, #tpu.memory_space<semaphore_mem>>)
      %dma_wait3A = arith.constant 0 : i32
      %dma_wait3A_297 = arith.constant 0 : i32
      %dma_wait3A_298 = tpu.memref_slice %arg10[%run_scoped3A_77, %dma_wait3A, %dma_wait3A_297] : memref<2x40x128xf32, #tpu.memory_space<vmem>> -> memref<1x40x128xf32, #tpu.memory_space<vmem>>
      %dma_wait3A_299 = tpu.memref_squeeze %dma_wait3A_298 : memref<1x40x128xf32, #tpu.memory_space<vmem>> -> memref<40x128xf32, #tpu.memory_space<vmem>>
      %dma_wait3A_300 = arith.constant 0 : i32
      %dma_wait3A_301 = tpu.memref_slice %arg18[%add3A_76, %dma_wait3A_300] : memref<10240x128xf32, #tpu.memory_space<vmem_shared>> -> memref<40x128xf32, #tpu.memory_space<vmem_shared>>
      %dma_wait3A_302 = arith.constant 0 : i32
      %dma_wait3A_303 = tpu.memref_slice %arg18[%add3A_76, %dma_wait3A_302] : memref<10240x128xf32, #tpu.memory_space<vmem_shared>> -> memref<40x128xf32, #tpu.memory_space<vmem_shared>>
      %dma_wait3A_304 = arith.constant 0 : i32
      %dma_wait3A_305 = arith.constant 0 : i32
      %dma_wait3A_306 = tpu.memref_slice %arg10[%run_scoped3A_77, %dma_wait3A_304, %dma_wait3A_305] : memref<2x40x128xf32, #tpu.memory_space<vmem>> -> memref<1x40x128xf32, #tpu.memory_space<vmem>>
      %dma_wait3A_307 = tpu.memref_squeeze %dma_wait3A_306 : memref<1x40x128xf32, #tpu.memory_space<vmem>> -> memref<40x128xf32, #tpu.memory_space<vmem>>
      tpu.wait_dma2 semaphore(%run_scoped3A_284 : memref<!tpu.dma_semaphore, #tpu.memory_space<semaphore_mem>>) src(%dma_wait3A_307 : memref<40x128xf32, #tpu.memory_space<vmem>>) dst(%dma_wait3A_303 : memref<40x128xf32, #tpu.memory_space<vmem_shared>>)
      tpu.yield
    }) : () -> ()
    %mul3A_78 = arith.constant 640 : i32
    %mul3A_79 = arith.muli %arg1, %mul3A_78 : i32
    %add3A_80 = arith.constant 280 : i32
    %add3A_81 = arith.addi %mul3A_79, %add3A_80 : i32
    "tpu.region"() ({
      %run_scoped3A_284 = tpu.sem_alloc : memref<!tpu.dma_semaphore, #tpu.memory_space<semaphore_mem>>
      %dma_start3A_285 = arith.constant 0 : i32
      %dma_start3A_286 = tpu.memref_slice %arg19[%add3A_81, %dma_start3A_285] : memref<10240x8xf32, #tpu.memory_space<vmem_shared>> -> memref<40x8xf32, #tpu.memory_space<vmem_shared>>
      %dma_start3A_287 = arith.constant 0 : i32
      %dma_start3A_288 = tpu.memref_slice %arg19[%add3A_81, %dma_start3A_287] : memref<10240x8xf32, #tpu.memory_space<vmem_shared>> -> memref<40x8xf32, #tpu.memory_space<vmem_shared>>
      tpu.enqueue_dma source(%arg12 : memref<40x8xf32, #tpu.memory_space<vmem>>) target(%dma_start3A_288 : memref<40x8xf32, #tpu.memory_space<vmem_shared>>) target_semaphore(%run_scoped3A_284 : memref<!tpu.dma_semaphore, #tpu.memory_space<semaphore_mem>>)
      %dma_wait3A = arith.constant 0 : i32
      %dma_wait3A_289 = tpu.memref_slice %arg19[%add3A_81, %dma_wait3A] : memref<10240x8xf32, #tpu.memory_space<vmem_shared>> -> memref<40x8xf32, #tpu.memory_space<vmem_shared>>
      %dma_wait3A_290 = arith.constant 0 : i32
      %dma_wait3A_291 = tpu.memref_slice %arg19[%add3A_81, %dma_wait3A_290] : memref<10240x8xf32, #tpu.memory_space<vmem_shared>> -> memref<40x8xf32, #tpu.memory_space<vmem_shared>>
      tpu.wait_dma2 semaphore(%run_scoped3A_284 : memref<!tpu.dma_semaphore, #tpu.memory_space<semaphore_mem>>) src(%arg12 : memref<40x8xf32, #tpu.memory_space<vmem>>) dst(%dma_wait3A_291 : memref<40x8xf32, #tpu.memory_space<vmem_shared>>)
      tpu.yield
    }) : () -> ()
    %mul3A_82 = arith.constant 640 : i32
    %mul3A_83 = arith.muli %arg1, %mul3A_82 : i32
    %add3A_84 = arith.constant 320 : i32
    %add3A_85 = arith.addi %mul3A_83, %add3A_84 : i32
    %run_scoped3A_86 = arith.constant 0 : i32
    "tpu.region"() ({
      %run_scoped3A_284 = tpu.sem_alloc : memref<!tpu.dma_semaphore, #tpu.memory_space<semaphore_mem>>
      %dma_start3A_285 = arith.constant 0 : i32
      %dma_start3A_286 = arith.constant 0 : i32
      %dma_start3A_287 = tpu.memref_slice %arg10[%run_scoped3A_86, %dma_start3A_285, %dma_start3A_286] : memref<2x40x128xf32, #tpu.memory_space<vmem>> -> memref<1x40x128xf32, #tpu.memory_space<vmem>>
      %dma_start3A_288 = tpu.memref_squeeze %dma_start3A_287 : memref<1x40x128xf32, #tpu.memory_space<vmem>> -> memref<40x128xf32, #tpu.memory_space<vmem>>
      %dma_start3A_289 = arith.constant 0 : i32
      %dma_start3A_290 = tpu.memref_slice %arg18[%add3A_85, %dma_start3A_289] : memref<10240x128xf32, #tpu.memory_space<vmem_shared>> -> memref<40x128xf32, #tpu.memory_space<vmem_shared>>
      %dma_start3A_291 = arith.constant 0 : i32
      %dma_start3A_292 = tpu.memref_slice %arg18[%add3A_85, %dma_start3A_291] : memref<10240x128xf32, #tpu.memory_space<vmem_shared>> -> memref<40x128xf32, #tpu.memory_space<vmem_shared>>
      %dma_start3A_293 = arith.constant 0 : i32
      %dma_start3A_294 = arith.constant 0 : i32
      %dma_start3A_295 = tpu.memref_slice %arg10[%run_scoped3A_86, %dma_start3A_293, %dma_start3A_294] : memref<2x40x128xf32, #tpu.memory_space<vmem>> -> memref<1x40x128xf32, #tpu.memory_space<vmem>>
      %dma_start3A_296 = tpu.memref_squeeze %dma_start3A_295 : memref<1x40x128xf32, #tpu.memory_space<vmem>> -> memref<40x128xf32, #tpu.memory_space<vmem>>
      tpu.enqueue_dma source(%dma_start3A_296 : memref<40x128xf32, #tpu.memory_space<vmem>>) target(%dma_start3A_292 : memref<40x128xf32, #tpu.memory_space<vmem_shared>>) target_semaphore(%run_scoped3A_284 : memref<!tpu.dma_semaphore, #tpu.memory_space<semaphore_mem>>)
      %dma_wait3A = arith.constant 0 : i32
      %dma_wait3A_297 = arith.constant 0 : i32
      %dma_wait3A_298 = tpu.memref_slice %arg10[%run_scoped3A_86, %dma_wait3A, %dma_wait3A_297] : memref<2x40x128xf32, #tpu.memory_space<vmem>> -> memref<1x40x128xf32, #tpu.memory_space<vmem>>
      %dma_wait3A_299 = tpu.memref_squeeze %dma_wait3A_298 : memref<1x40x128xf32, #tpu.memory_space<vmem>> -> memref<40x128xf32, #tpu.memory_space<vmem>>
      %dma_wait3A_300 = arith.constant 0 : i32
      %dma_wait3A_301 = tpu.memref_slice %arg18[%add3A_85, %dma_wait3A_300] : memref<10240x128xf32, #tpu.memory_space<vmem_shared>> -> memref<40x128xf32, #tpu.memory_space<vmem_shared>>
      %dma_wait3A_302 = arith.constant 0 : i32
      %dma_wait3A_303 = tpu.memref_slice %arg18[%add3A_85, %dma_wait3A_302] : memref<10240x128xf32, #tpu.memory_space<vmem_shared>> -> memref<40x128xf32, #tpu.memory_space<vmem_shared>>
      %dma_wait3A_304 = arith.constant 0 : i32
      %dma_wait3A_305 = arith.constant 0 : i32
      %dma_wait3A_306 = tpu.memref_slice %arg10[%run_scoped3A_86, %dma_wait3A_304, %dma_wait3A_305] : memref<2x40x128xf32, #tpu.memory_space<vmem>> -> memref<1x40x128xf32, #tpu.memory_space<vmem>>
      %dma_wait3A_307 = tpu.memref_squeeze %dma_wait3A_306 : memref<1x40x128xf32, #tpu.memory_space<vmem>> -> memref<40x128xf32, #tpu.memory_space<vmem>>
      tpu.wait_dma2 semaphore(%run_scoped3A_284 : memref<!tpu.dma_semaphore, #tpu.memory_space<semaphore_mem>>) src(%dma_wait3A_307 : memref<40x128xf32, #tpu.memory_space<vmem>>) dst(%dma_wait3A_303 : memref<40x128xf32, #tpu.memory_space<vmem_shared>>)
      tpu.yield
    }) : () -> ()
    %mul3A_87 = arith.constant 640 : i32
    %mul3A_88 = arith.muli %arg1, %mul3A_87 : i32
    %add3A_89 = arith.constant 320 : i32
    %add3A_90 = arith.addi %mul3A_88, %add3A_89 : i32
    "tpu.region"() ({
      %run_scoped3A_284 = tpu.sem_alloc : memref<!tpu.dma_semaphore, #tpu.memory_space<semaphore_mem>>
      %dma_start3A_285 = arith.constant 0 : i32
      %dma_start3A_286 = tpu.memref_slice %arg19[%add3A_90, %dma_start3A_285] : memref<10240x8xf32, #tpu.memory_space<vmem_shared>> -> memref<40x8xf32, #tpu.memory_space<vmem_shared>>
      %dma_start3A_287 = arith.constant 0 : i32
      %dma_start3A_288 = tpu.memref_slice %arg19[%add3A_90, %dma_start3A_287] : memref<10240x8xf32, #tpu.memory_space<vmem_shared>> -> memref<40x8xf32, #tpu.memory_space<vmem_shared>>
      tpu.enqueue_dma source(%arg12 : memref<40x8xf32, #tpu.memory_space<vmem>>) target(%dma_start3A_288 : memref<40x8xf32, #tpu.memory_space<vmem_shared>>) target_semaphore(%run_scoped3A_284 : memref<!tpu.dma_semaphore, #tpu.memory_space<semaphore_mem>>)
      %dma_wait3A = arith.constant 0 : i32
      %dma_wait3A_289 = tpu.memref_slice %arg19[%add3A_90, %dma_wait3A] : memref<10240x8xf32, #tpu.memory_space<vmem_shared>> -> memref<40x8xf32, #tpu.memory_space<vmem_shared>>
      %dma_wait3A_290 = arith.constant 0 : i32
      %dma_wait3A_291 = tpu.memref_slice %arg19[%add3A_90, %dma_wait3A_290] : memref<10240x8xf32, #tpu.memory_space<vmem_shared>> -> memref<40x8xf32, #tpu.memory_space<vmem_shared>>
      tpu.wait_dma2 semaphore(%run_scoped3A_284 : memref<!tpu.dma_semaphore, #tpu.memory_space<semaphore_mem>>) src(%arg12 : memref<40x8xf32, #tpu.memory_space<vmem>>) dst(%dma_wait3A_291 : memref<40x8xf32, #tpu.memory_space<vmem_shared>>)
      tpu.yield
    }) : () -> ()
    %mul3A_91 = arith.constant 640 : i32
    %mul3A_92 = arith.muli %arg1, %mul3A_91 : i32
    %add3A_93 = arith.constant 360 : i32
    %add3A_94 = arith.addi %mul3A_92, %add3A_93 : i32
    %run_scoped3A_95 = arith.constant 0 : i32
    "tpu.region"() ({
      %run_scoped3A_284 = tpu.sem_alloc : memref<!tpu.dma_semaphore, #tpu.memory_space<semaphore_mem>>
      %dma_start3A_285 = arith.constant 0 : i32
      %dma_start3A_286 = arith.constant 0 : i32
      %dma_start3A_287 = tpu.memref_slice %arg10[%run_scoped3A_95, %dma_start3A_285, %dma_start3A_286] : memref<2x40x128xf32, #tpu.memory_space<vmem>> -> memref<1x40x128xf32, #tpu.memory_space<vmem>>
      %dma_start3A_288 = tpu.memref_squeeze %dma_start3A_287 : memref<1x40x128xf32, #tpu.memory_space<vmem>> -> memref<40x128xf32, #tpu.memory_space<vmem>>
      %dma_start3A_289 = arith.constant 0 : i32
      %dma_start3A_290 = tpu.memref_slice %arg18[%add3A_94, %dma_start3A_289] : memref<10240x128xf32, #tpu.memory_space<vmem_shared>> -> memref<40x128xf32, #tpu.memory_space<vmem_shared>>
      %dma_start3A_291 = arith.constant 0 : i32
      %dma_start3A_292 = tpu.memref_slice %arg18[%add3A_94, %dma_start3A_291] : memref<10240x128xf32, #tpu.memory_space<vmem_shared>> -> memref<40x128xf32, #tpu.memory_space<vmem_shared>>
      %dma_start3A_293 = arith.constant 0 : i32
      %dma_start3A_294 = arith.constant 0 : i32
      %dma_start3A_295 = tpu.memref_slice %arg10[%run_scoped3A_95, %dma_start3A_293, %dma_start3A_294] : memref<2x40x128xf32, #tpu.memory_space<vmem>> -> memref<1x40x128xf32, #tpu.memory_space<vmem>>
      %dma_start3A_296 = tpu.memref_squeeze %dma_start3A_295 : memref<1x40x128xf32, #tpu.memory_space<vmem>> -> memref<40x128xf32, #tpu.memory_space<vmem>>
      tpu.enqueue_dma source(%dma_start3A_296 : memref<40x128xf32, #tpu.memory_space<vmem>>) target(%dma_start3A_292 : memref<40x128xf32, #tpu.memory_space<vmem_shared>>) target_semaphore(%run_scoped3A_284 : memref<!tpu.dma_semaphore, #tpu.memory_space<semaphore_mem>>)
      %dma_wait3A = arith.constant 0 : i32
      %dma_wait3A_297 = arith.constant 0 : i32
      %dma_wait3A_298 = tpu.memref_slice %arg10[%run_scoped3A_95, %dma_wait3A, %dma_wait3A_297] : memref<2x40x128xf32, #tpu.memory_space<vmem>> -> memref<1x40x128xf32, #tpu.memory_space<vmem>>
      %dma_wait3A_299 = tpu.memref_squeeze %dma_wait3A_298 : memref<1x40x128xf32, #tpu.memory_space<vmem>> -> memref<40x128xf32, #tpu.memory_space<vmem>>
      %dma_wait3A_300 = arith.constant 0 : i32
      %dma_wait3A_301 = tpu.memref_slice %arg18[%add3A_94, %dma_wait3A_300] : memref<10240x128xf32, #tpu.memory_space<vmem_shared>> -> memref<40x128xf32, #tpu.memory_space<vmem_shared>>
      %dma_wait3A_302 = arith.constant 0 : i32
      %dma_wait3A_303 = tpu.memref_slice %arg18[%add3A_94, %dma_wait3A_302] : memref<10240x128xf32, #tpu.memory_space<vmem_shared>> -> memref<40x128xf32, #tpu.memory_space<vmem_shared>>
      %dma_wait3A_304 = arith.constant 0 : i32
      %dma_wait3A_305 = arith.constant 0 : i32
      %dma_wait3A_306 = tpu.memref_slice %arg10[%run_scoped3A_95, %dma_wait3A_304, %dma_wait3A_305] : memref<2x40x128xf32, #tpu.memory_space<vmem>> -> memref<1x40x128xf32, #tpu.memory_space<vmem>>
      %dma_wait3A_307 = tpu.memref_squeeze %dma_wait3A_306 : memref<1x40x128xf32, #tpu.memory_space<vmem>> -> memref<40x128xf32, #tpu.memory_space<vmem>>
      tpu.wait_dma2 semaphore(%run_scoped3A_284 : memref<!tpu.dma_semaphore, #tpu.memory_space<semaphore_mem>>) src(%dma_wait3A_307 : memref<40x128xf32, #tpu.memory_space<vmem>>) dst(%dma_wait3A_303 : memref<40x128xf32, #tpu.memory_space<vmem_shared>>)
      tpu.yield
    }) : () -> ()
    %mul3A_96 = arith.constant 640 : i32
    %mul3A_97 = arith.muli %arg1, %mul3A_96 : i32
    %add3A_98 = arith.constant 360 : i32
    %add3A_99 = arith.addi %mul3A_97, %add3A_98 : i32
    "tpu.region"() ({
      %run_scoped3A_284 = tpu.sem_alloc : memref<!tpu.dma_semaphore, #tpu.memory_space<semaphore_mem>>
      %dma_start3A_285 = arith.constant 0 : i32
      %dma_start3A_286 = tpu.memref_slice %arg19[%add3A_99, %dma_start3A_285] : memref<10240x8xf32, #tpu.memory_space<vmem_shared>> -> memref<40x8xf32, #tpu.memory_space<vmem_shared>>
      %dma_start3A_287 = arith.constant 0 : i32
      %dma_start3A_288 = tpu.memref_slice %arg19[%add3A_99, %dma_start3A_287] : memref<10240x8xf32, #tpu.memory_space<vmem_shared>> -> memref<40x8xf32, #tpu.memory_space<vmem_shared>>
      tpu.enqueue_dma source(%arg12 : memref<40x8xf32, #tpu.memory_space<vmem>>) target(%dma_start3A_288 : memref<40x8xf32, #tpu.memory_space<vmem_shared>>) target_semaphore(%run_scoped3A_284 : memref<!tpu.dma_semaphore, #tpu.memory_space<semaphore_mem>>)
      %dma_wait3A = arith.constant 0 : i32
      %dma_wait3A_289 = tpu.memref_slice %arg19[%add3A_99, %dma_wait3A] : memref<10240x8xf32, #tpu.memory_space<vmem_shared>> -> memref<40x8xf32, #tpu.memory_space<vmem_shared>>
      %dma_wait3A_290 = arith.constant 0 : i32
      %dma_wait3A_291 = tpu.memref_slice %arg19[%add3A_99, %dma_wait3A_290] : memref<10240x8xf32, #tpu.memory_space<vmem_shared>> -> memref<40x8xf32, #tpu.memory_space<vmem_shared>>
      tpu.wait_dma2 semaphore(%run_scoped3A_284 : memref<!tpu.dma_semaphore, #tpu.memory_space<semaphore_mem>>) src(%arg12 : memref<40x8xf32, #tpu.memory_space<vmem>>) dst(%dma_wait3A_291 : memref<40x8xf32, #tpu.memory_space<vmem_shared>>)
      tpu.yield
    }) : () -> ()
    %mul3A_100 = arith.constant 640 : i32
    %mul3A_101 = arith.muli %arg1, %mul3A_100 : i32
    %add3A_102 = arith.constant 400 : i32
    %add3A_103 = arith.addi %mul3A_101, %add3A_102 : i32
    %run_scoped3A_104 = arith.constant 0 : i32
    "tpu.region"() ({
      %run_scoped3A_284 = tpu.sem_alloc : memref<!tpu.dma_semaphore, #tpu.memory_space<semaphore_mem>>
      %dma_start3A_285 = arith.constant 0 : i32
      %dma_start3A_286 = arith.constant 0 : i32
      %dma_start3A_287 = tpu.memref_slice %arg10[%run_scoped3A_104, %dma_start3A_285, %dma_start3A_286] : memref<2x40x128xf32, #tpu.memory_space<vmem>> -> memref<1x40x128xf32, #tpu.memory_space<vmem>>
      %dma_start3A_288 = tpu.memref_squeeze %dma_start3A_287 : memref<1x40x128xf32, #tpu.memory_space<vmem>> -> memref<40x128xf32, #tpu.memory_space<vmem>>
      %dma_start3A_289 = arith.constant 0 : i32
      %dma_start3A_290 = tpu.memref_slice %arg18[%add3A_103, %dma_start3A_289] : memref<10240x128xf32, #tpu.memory_space<vmem_shared>> -> memref<40x128xf32, #tpu.memory_space<vmem_shared>>
      %dma_start3A_291 = arith.constant 0 : i32
      %dma_start3A_292 = tpu.memref_slice %arg18[%add3A_103, %dma_start3A_291] : memref<10240x128xf32, #tpu.memory_space<vmem_shared>> -> memref<40x128xf32, #tpu.memory_space<vmem_shared>>
      %dma_start3A_293 = arith.constant 0 : i32
      %dma_start3A_294 = arith.constant 0 : i32
      %dma_start3A_295 = tpu.memref_slice %arg10[%run_scoped3A_104, %dma_start3A_293, %dma_start3A_294] : memref<2x40x128xf32, #tpu.memory_space<vmem>> -> memref<1x40x128xf32, #tpu.memory_space<vmem>>
      %dma_start3A_296 = tpu.memref_squeeze %dma_start3A_295 : memref<1x40x128xf32, #tpu.memory_space<vmem>> -> memref<40x128xf32, #tpu.memory_space<vmem>>
      tpu.enqueue_dma source(%dma_start3A_296 : memref<40x128xf32, #tpu.memory_space<vmem>>) target(%dma_start3A_292 : memref<40x128xf32, #tpu.memory_space<vmem_shared>>) target_semaphore(%run_scoped3A_284 : memref<!tpu.dma_semaphore, #tpu.memory_space<semaphore_mem>>)
      %dma_wait3A = arith.constant 0 : i32
      %dma_wait3A_297 = arith.constant 0 : i32
      %dma_wait3A_298 = tpu.memref_slice %arg10[%run_scoped3A_104, %dma_wait3A, %dma_wait3A_297] : memref<2x40x128xf32, #tpu.memory_space<vmem>> -> memref<1x40x128xf32, #tpu.memory_space<vmem>>
      %dma_wait3A_299 = tpu.memref_squeeze %dma_wait3A_298 : memref<1x40x128xf32, #tpu.memory_space<vmem>> -> memref<40x128xf32, #tpu.memory_space<vmem>>
      %dma_wait3A_300 = arith.constant 0 : i32
      %dma_wait3A_301 = tpu.memref_slice %arg18[%add3A_103, %dma_wait3A_300] : memref<10240x128xf32, #tpu.memory_space<vmem_shared>> -> memref<40x128xf32, #tpu.memory_space<vmem_shared>>
      %dma_wait3A_302 = arith.constant 0 : i32
      %dma_wait3A_303 = tpu.memref_slice %arg18[%add3A_103, %dma_wait3A_302] : memref<10240x128xf32, #tpu.memory_space<vmem_shared>> -> memref<40x128xf32, #tpu.memory_space<vmem_shared>>
      %dma_wait3A_304 = arith.constant 0 : i32
      %dma_wait3A_305 = arith.constant 0 : i32
      %dma_wait3A_306 = tpu.memref_slice %arg10[%run_scoped3A_104, %dma_wait3A_304, %dma_wait3A_305] : memref<2x40x128xf32, #tpu.memory_space<vmem>> -> memref<1x40x128xf32, #tpu.memory_space<vmem>>
      %dma_wait3A_307 = tpu.memref_squeeze %dma_wait3A_306 : memref<1x40x128xf32, #tpu.memory_space<vmem>> -> memref<40x128xf32, #tpu.memory_space<vmem>>
      tpu.wait_dma2 semaphore(%run_scoped3A_284 : memref<!tpu.dma_semaphore, #tpu.memory_space<semaphore_mem>>) src(%dma_wait3A_307 : memref<40x128xf32, #tpu.memory_space<vmem>>) dst(%dma_wait3A_303 : memref<40x128xf32, #tpu.memory_space<vmem_shared>>)
      tpu.yield
    }) : () -> ()
    %mul3A_105 = arith.constant 640 : i32
    %mul3A_106 = arith.muli %arg1, %mul3A_105 : i32
    %add3A_107 = arith.constant 400 : i32
    %add3A_108 = arith.addi %mul3A_106, %add3A_107 : i32
    "tpu.region"() ({
      %run_scoped3A_284 = tpu.sem_alloc : memref<!tpu.dma_semaphore, #tpu.memory_space<semaphore_mem>>
      %dma_start3A_285 = arith.constant 0 : i32
      %dma_start3A_286 = tpu.memref_slice %arg19[%add3A_108, %dma_start3A_285] : memref<10240x8xf32, #tpu.memory_space<vmem_shared>> -> memref<40x8xf32, #tpu.memory_space<vmem_shared>>
      %dma_start3A_287 = arith.constant 0 : i32
      %dma_start3A_288 = tpu.memref_slice %arg19[%add3A_108, %dma_start3A_287] : memref<10240x8xf32, #tpu.memory_space<vmem_shared>> -> memref<40x8xf32, #tpu.memory_space<vmem_shared>>
      tpu.enqueue_dma source(%arg12 : memref<40x8xf32, #tpu.memory_space<vmem>>) target(%dma_start3A_288 : memref<40x8xf32, #tpu.memory_space<vmem_shared>>) target_semaphore(%run_scoped3A_284 : memref<!tpu.dma_semaphore, #tpu.memory_space<semaphore_mem>>)
      %dma_wait3A = arith.constant 0 : i32
      %dma_wait3A_289 = tpu.memref_slice %arg19[%add3A_108, %dma_wait3A] : memref<10240x8xf32, #tpu.memory_space<vmem_shared>> -> memref<40x8xf32, #tpu.memory_space<vmem_shared>>
      %dma_wait3A_290 = arith.constant 0 : i32
      %dma_wait3A_291 = tpu.memref_slice %arg19[%add3A_108, %dma_wait3A_290] : memref<10240x8xf32, #tpu.memory_space<vmem_shared>> -> memref<40x8xf32, #tpu.memory_space<vmem_shared>>
      tpu.wait_dma2 semaphore(%run_scoped3A_284 : memref<!tpu.dma_semaphore, #tpu.memory_space<semaphore_mem>>) src(%arg12 : memref<40x8xf32, #tpu.memory_space<vmem>>) dst(%dma_wait3A_291 : memref<40x8xf32, #tpu.memory_space<vmem_shared>>)
      tpu.yield
    }) : () -> ()
    %mul3A_109 = arith.constant 640 : i32
    %mul3A_110 = arith.muli %arg1, %mul3A_109 : i32
    %add3A_111 = arith.constant 440 : i32
    %add3A_112 = arith.addi %mul3A_110, %add3A_111 : i32
    %run_scoped3A_113 = arith.constant 0 : i32
    "tpu.region"() ({
      %run_scoped3A_284 = tpu.sem_alloc : memref<!tpu.dma_semaphore, #tpu.memory_space<semaphore_mem>>
      %dma_start3A_285 = arith.constant 0 : i32
      %dma_start3A_286 = arith.constant 0 : i32
      %dma_start3A_287 = tpu.memref_slice %arg10[%run_scoped3A_113, %dma_start3A_285, %dma_start3A_286] : memref<2x40x128xf32, #tpu.memory_space<vmem>> -> memref<1x40x128xf32, #tpu.memory_space<vmem>>
      %dma_start3A_288 = tpu.memref_squeeze %dma_start3A_287 : memref<1x40x128xf32, #tpu.memory_space<vmem>> -> memref<40x128xf32, #tpu.memory_space<vmem>>
      %dma_start3A_289 = arith.constant 0 : i32
      %dma_start3A_290 = tpu.memref_slice %arg18[%add3A_112, %dma_start3A_289] : memref<10240x128xf32, #tpu.memory_space<vmem_shared>> -> memref<40x128xf32, #tpu.memory_space<vmem_shared>>
      %dma_start3A_291 = arith.constant 0 : i32
      %dma_start3A_292 = tpu.memref_slice %arg18[%add3A_112, %dma_start3A_291] : memref<10240x128xf32, #tpu.memory_space<vmem_shared>> -> memref<40x128xf32, #tpu.memory_space<vmem_shared>>
      %dma_start3A_293 = arith.constant 0 : i32
      %dma_start3A_294 = arith.constant 0 : i32
      %dma_start3A_295 = tpu.memref_slice %arg10[%run_scoped3A_113, %dma_start3A_293, %dma_start3A_294] : memref<2x40x128xf32, #tpu.memory_space<vmem>> -> memref<1x40x128xf32, #tpu.memory_space<vmem>>
      %dma_start3A_296 = tpu.memref_squeeze %dma_start3A_295 : memref<1x40x128xf32, #tpu.memory_space<vmem>> -> memref<40x128xf32, #tpu.memory_space<vmem>>
      tpu.enqueue_dma source(%dma_start3A_296 : memref<40x128xf32, #tpu.memory_space<vmem>>) target(%dma_start3A_292 : memref<40x128xf32, #tpu.memory_space<vmem_shared>>) target_semaphore(%run_scoped3A_284 : memref<!tpu.dma_semaphore, #tpu.memory_space<semaphore_mem>>)
      %dma_wait3A = arith.constant 0 : i32
      %dma_wait3A_297 = arith.constant 0 : i32
      %dma_wait3A_298 = tpu.memref_slice %arg10[%run_scoped3A_113, %dma_wait3A, %dma_wait3A_297] : memref<2x40x128xf32, #tpu.memory_space<vmem>> -> memref<1x40x128xf32, #tpu.memory_space<vmem>>
      %dma_wait3A_299 = tpu.memref_squeeze %dma_wait3A_298 : memref<1x40x128xf32, #tpu.memory_space<vmem>> -> memref<40x128xf32, #tpu.memory_space<vmem>>
      %dma_wait3A_300 = arith.constant 0 : i32
      %dma_wait3A_301 = tpu.memref_slice %arg18[%add3A_112, %dma_wait3A_300] : memref<10240x128xf32, #tpu.memory_space<vmem_shared>> -> memref<40x128xf32, #tpu.memory_space<vmem_shared>>
      %dma_wait3A_302 = arith.constant 0 : i32
      %dma_wait3A_303 = tpu.memref_slice %arg18[%add3A_112, %dma_wait3A_302] : memref<10240x128xf32, #tpu.memory_space<vmem_shared>> -> memref<40x128xf32, #tpu.memory_space<vmem_shared>>
      %dma_wait3A_304 = arith.constant 0 : i32
      %dma_wait3A_305 = arith.constant 0 : i32
      %dma_wait3A_306 = tpu.memref_slice %arg10[%run_scoped3A_113, %dma_wait3A_304, %dma_wait3A_305] : memref<2x40x128xf32, #tpu.memory_space<vmem>> -> memref<1x40x128xf32, #tpu.memory_space<vmem>>
      %dma_wait3A_307 = tpu.memref_squeeze %dma_wait3A_306 : memref<1x40x128xf32, #tpu.memory_space<vmem>> -> memref<40x128xf32, #tpu.memory_space<vmem>>
      tpu.wait_dma2 semaphore(%run_scoped3A_284 : memref<!tpu.dma_semaphore, #tpu.memory_space<semaphore_mem>>) src(%dma_wait3A_307 : memref<40x128xf32, #tpu.memory_space<vmem>>) dst(%dma_wait3A_303 : memref<40x128xf32, #tpu.memory_space<vmem_shared>>)
      tpu.yield
    }) : () -> ()
    %mul3A_114 = arith.constant 640 : i32
    %mul3A_115 = arith.muli %arg1, %mul3A_114 : i32
    %add3A_116 = arith.constant 440 : i32
    %add3A_117 = arith.addi %mul3A_115, %add3A_116 : i32
    "tpu.region"() ({
      %run_scoped3A_284 = tpu.sem_alloc : memref<!tpu.dma_semaphore, #tpu.memory_space<semaphore_mem>>
      %dma_start3A_285 = arith.constant 0 : i32
      %dma_start3A_286 = tpu.memref_slice %arg19[%add3A_117, %dma_start3A_285] : memref<10240x8xf32, #tpu.memory_space<vmem_shared>> -> memref<40x8xf32, #tpu.memory_space<vmem_shared>>
      %dma_start3A_287 = arith.constant 0 : i32
      %dma_start3A_288 = tpu.memref_slice %arg19[%add3A_117, %dma_start3A_287] : memref<10240x8xf32, #tpu.memory_space<vmem_shared>> -> memref<40x8xf32, #tpu.memory_space<vmem_shared>>
      tpu.enqueue_dma source(%arg12 : memref<40x8xf32, #tpu.memory_space<vmem>>) target(%dma_start3A_288 : memref<40x8xf32, #tpu.memory_space<vmem_shared>>) target_semaphore(%run_scoped3A_284 : memref<!tpu.dma_semaphore, #tpu.memory_space<semaphore_mem>>)
      %dma_wait3A = arith.constant 0 : i32
      %dma_wait3A_289 = tpu.memref_slice %arg19[%add3A_117, %dma_wait3A] : memref<10240x8xf32, #tpu.memory_space<vmem_shared>> -> memref<40x8xf32, #tpu.memory_space<vmem_shared>>
      %dma_wait3A_290 = arith.constant 0 : i32
      %dma_wait3A_291 = tpu.memref_slice %arg19[%add3A_117, %dma_wait3A_290] : memref<10240x8xf32, #tpu.memory_space<vmem_shared>> -> memref<40x8xf32, #tpu.memory_space<vmem_shared>>
      tpu.wait_dma2 semaphore(%run_scoped3A_284 : memref<!tpu.dma_semaphore, #tpu.memory_space<semaphore_mem>>) src(%arg12 : memref<40x8xf32, #tpu.memory_space<vmem>>) dst(%dma_wait3A_291 : memref<40x8xf32, #tpu.memory_space<vmem_shared>>)
      tpu.yield
    }) : () -> ()
    %mul3A_118 = arith.constant 640 : i32
    %mul3A_119 = arith.muli %arg1, %mul3A_118 : i32
    %add3A_120 = arith.constant 480 : i32
    %add3A_121 = arith.addi %mul3A_119, %add3A_120 : i32
    %run_scoped3A_122 = arith.constant 0 : i32
    "tpu.region"() ({
      %run_scoped3A_284 = tpu.sem_alloc : memref<!tpu.dma_semaphore, #tpu.memory_space<semaphore_mem>>
      %dma_start3A_285 = arith.constant 0 : i32
      %dma_start3A_286 = arith.constant 0 : i32
      %dma_start3A_287 = tpu.memref_slice %arg10[%run_scoped3A_122, %dma_start3A_285, %dma_start3A_286] : memref<2x40x128xf32, #tpu.memory_space<vmem>> -> memref<1x40x128xf32, #tpu.memory_space<vmem>>
      %dma_start3A_288 = tpu.memref_squeeze %dma_start3A_287 : memref<1x40x128xf32, #tpu.memory_space<vmem>> -> memref<40x128xf32, #tpu.memory_space<vmem>>
      %dma_start3A_289 = arith.constant 0 : i32
      %dma_start3A_290 = tpu.memref_slice %arg18[%add3A_121, %dma_start3A_289] : memref<10240x128xf32, #tpu.memory_space<vmem_shared>> -> memref<40x128xf32, #tpu.memory_space<vmem_shared>>
      %dma_start3A_291 = arith.constant 0 : i32
      %dma_start3A_292 = tpu.memref_slice %arg18[%add3A_121, %dma_start3A_291] : memref<10240x128xf32, #tpu.memory_space<vmem_shared>> -> memref<40x128xf32, #tpu.memory_space<vmem_shared>>
      %dma_start3A_293 = arith.constant 0 : i32
      %dma_start3A_294 = arith.constant 0 : i32
      %dma_start3A_295 = tpu.memref_slice %arg10[%run_scoped3A_122, %dma_start3A_293, %dma_start3A_294] : memref<2x40x128xf32, #tpu.memory_space<vmem>> -> memref<1x40x128xf32, #tpu.memory_space<vmem>>
      %dma_start3A_296 = tpu.memref_squeeze %dma_start3A_295 : memref<1x40x128xf32, #tpu.memory_space<vmem>> -> memref<40x128xf32, #tpu.memory_space<vmem>>
      tpu.enqueue_dma source(%dma_start3A_296 : memref<40x128xf32, #tpu.memory_space<vmem>>) target(%dma_start3A_292 : memref<40x128xf32, #tpu.memory_space<vmem_shared>>) target_semaphore(%run_scoped3A_284 : memref<!tpu.dma_semaphore, #tpu.memory_space<semaphore_mem>>)
      %dma_wait3A = arith.constant 0 : i32
      %dma_wait3A_297 = arith.constant 0 : i32
      %dma_wait3A_298 = tpu.memref_slice %arg10[%run_scoped3A_122, %dma_wait3A, %dma_wait3A_297] : memref<2x40x128xf32, #tpu.memory_space<vmem>> -> memref<1x40x128xf32, #tpu.memory_space<vmem>>
      %dma_wait3A_299 = tpu.memref_squeeze %dma_wait3A_298 : memref<1x40x128xf32, #tpu.memory_space<vmem>> -> memref<40x128xf32, #tpu.memory_space<vmem>>
      %dma_wait3A_300 = arith.constant 0 : i32
      %dma_wait3A_301 = tpu.memref_slice %arg18[%add3A_121, %dma_wait3A_300] : memref<10240x128xf32, #tpu.memory_space<vmem_shared>> -> memref<40x128xf32, #tpu.memory_space<vmem_shared>>
      %dma_wait3A_302 = arith.constant 0 : i32
      %dma_wait3A_303 = tpu.memref_slice %arg18[%add3A_121, %dma_wait3A_302] : memref<10240x128xf32, #tpu.memory_space<vmem_shared>> -> memref<40x128xf32, #tpu.memory_space<vmem_shared>>
      %dma_wait3A_304 = arith.constant 0 : i32
      %dma_wait3A_305 = arith.constant 0 : i32
      %dma_wait3A_306 = tpu.memref_slice %arg10[%run_scoped3A_122, %dma_wait3A_304, %dma_wait3A_305] : memref<2x40x128xf32, #tpu.memory_space<vmem>> -> memref<1x40x128xf32, #tpu.memory_space<vmem>>
      %dma_wait3A_307 = tpu.memref_squeeze %dma_wait3A_306 : memref<1x40x128xf32, #tpu.memory_space<vmem>> -> memref<40x128xf32, #tpu.memory_space<vmem>>
      tpu.wait_dma2 semaphore(%run_scoped3A_284 : memref<!tpu.dma_semaphore, #tpu.memory_space<semaphore_mem>>) src(%dma_wait3A_307 : memref<40x128xf32, #tpu.memory_space<vmem>>) dst(%dma_wait3A_303 : memref<40x128xf32, #tpu.memory_space<vmem_shared>>)
      tpu.yield
    }) : () -> ()
    %mul3A_123 = arith.constant 640 : i32
    %mul3A_124 = arith.muli %arg1, %mul3A_123 : i32
    %add3A_125 = arith.constant 480 : i32
    %add3A_126 = arith.addi %mul3A_124, %add3A_125 : i32
    "tpu.region"() ({
      %run_scoped3A_284 = tpu.sem_alloc : memref<!tpu.dma_semaphore, #tpu.memory_space<semaphore_mem>>
      %dma_start3A_285 = arith.constant 0 : i32
      %dma_start3A_286 = tpu.memref_slice %arg19[%add3A_126, %dma_start3A_285] : memref<10240x8xf32, #tpu.memory_space<vmem_shared>> -> memref<40x8xf32, #tpu.memory_space<vmem_shared>>
      %dma_start3A_287 = arith.constant 0 : i32
      %dma_start3A_288 = tpu.memref_slice %arg19[%add3A_126, %dma_start3A_287] : memref<10240x8xf32, #tpu.memory_space<vmem_shared>> -> memref<40x8xf32, #tpu.memory_space<vmem_shared>>
      tpu.enqueue_dma source(%arg12 : memref<40x8xf32, #tpu.memory_space<vmem>>) target(%dma_start3A_288 : memref<40x8xf32, #tpu.memory_space<vmem_shared>>) target_semaphore(%run_scoped3A_284 : memref<!tpu.dma_semaphore, #tpu.memory_space<semaphore_mem>>)
      %dma_wait3A = arith.constant 0 : i32
      %dma_wait3A_289 = tpu.memref_slice %arg19[%add3A_126, %dma_wait3A] : memref<10240x8xf32, #tpu.memory_space<vmem_shared>> -> memref<40x8xf32, #tpu.memory_space<vmem_shared>>
      %dma_wait3A_290 = arith.constant 0 : i32
      %dma_wait3A_291 = tpu.memref_slice %arg19[%add3A_126, %dma_wait3A_290] : memref<10240x8xf32, #tpu.memory_space<vmem_shared>> -> memref<40x8xf32, #tpu.memory_space<vmem_shared>>
      tpu.wait_dma2 semaphore(%run_scoped3A_284 : memref<!tpu.dma_semaphore, #tpu.memory_space<semaphore_mem>>) src(%arg12 : memref<40x8xf32, #tpu.memory_space<vmem>>) dst(%dma_wait3A_291 : memref<40x8xf32, #tpu.memory_space<vmem_shared>>)
      tpu.yield
    }) : () -> ()
    %mul3A_127 = arith.constant 640 : i32
    %mul3A_128 = arith.muli %arg1, %mul3A_127 : i32
    %add3A_129 = arith.constant 520 : i32
    %add3A_130 = arith.addi %mul3A_128, %add3A_129 : i32
    %run_scoped3A_131 = arith.constant 0 : i32
    "tpu.region"() ({
      %run_scoped3A_284 = tpu.sem_alloc : memref<!tpu.dma_semaphore, #tpu.memory_space<semaphore_mem>>
      %dma_start3A_285 = arith.constant 0 : i32
      %dma_start3A_286 = arith.constant 0 : i32
      %dma_start3A_287 = tpu.memref_slice %arg10[%run_scoped3A_131, %dma_start3A_285, %dma_start3A_286] : memref<2x40x128xf32, #tpu.memory_space<vmem>> -> memref<1x40x128xf32, #tpu.memory_space<vmem>>
      %dma_start3A_288 = tpu.memref_squeeze %dma_start3A_287 : memref<1x40x128xf32, #tpu.memory_space<vmem>> -> memref<40x128xf32, #tpu.memory_space<vmem>>
      %dma_start3A_289 = arith.constant 0 : i32
      %dma_start3A_290 = tpu.memref_slice %arg18[%add3A_130, %dma_start3A_289] : memref<10240x128xf32, #tpu.memory_space<vmem_shared>> -> memref<40x128xf32, #tpu.memory_space<vmem_shared>>
      %dma_start3A_291 = arith.constant 0 : i32
      %dma_start3A_292 = tpu.memref_slice %arg18[%add3A_130, %dma_start3A_291] : memref<10240x128xf32, #tpu.memory_space<vmem_shared>> -> memref<40x128xf32, #tpu.memory_space<vmem_shared>>
      %dma_start3A_293 = arith.constant 0 : i32
      %dma_start3A_294 = arith.constant 0 : i32
      %dma_start3A_295 = tpu.memref_slice %arg10[%run_scoped3A_131, %dma_start3A_293, %dma_start3A_294] : memref<2x40x128xf32, #tpu.memory_space<vmem>> -> memref<1x40x128xf32, #tpu.memory_space<vmem>>
      %dma_start3A_296 = tpu.memref_squeeze %dma_start3A_295 : memref<1x40x128xf32, #tpu.memory_space<vmem>> -> memref<40x128xf32, #tpu.memory_space<vmem>>
      tpu.enqueue_dma source(%dma_start3A_296 : memref<40x128xf32, #tpu.memory_space<vmem>>) target(%dma_start3A_292 : memref<40x128xf32, #tpu.memory_space<vmem_shared>>) target_semaphore(%run_scoped3A_284 : memref<!tpu.dma_semaphore, #tpu.memory_space<semaphore_mem>>)
      %dma_wait3A = arith.constant 0 : i32
      %dma_wait3A_297 = arith.constant 0 : i32
      %dma_wait3A_298 = tpu.memref_slice %arg10[%run_scoped3A_131, %dma_wait3A, %dma_wait3A_297] : memref<2x40x128xf32, #tpu.memory_space<vmem>> -> memref<1x40x128xf32, #tpu.memory_space<vmem>>
      %dma_wait3A_299 = tpu.memref_squeeze %dma_wait3A_298 : memref<1x40x128xf32, #tpu.memory_space<vmem>> -> memref<40x128xf32, #tpu.memory_space<vmem>>
      %dma_wait3A_300 = arith.constant 0 : i32
      %dma_wait3A_301 = tpu.memref_slice %arg18[%add3A_130, %dma_wait3A_300] : memref<10240x128xf32, #tpu.memory_space<vmem_shared>> -> memref<40x128xf32, #tpu.memory_space<vmem_shared>>
      %dma_wait3A_302 = arith.constant 0 : i32
      %dma_wait3A_303 = tpu.memref_slice %arg18[%add3A_130, %dma_wait3A_302] : memref<10240x128xf32, #tpu.memory_space<vmem_shared>> -> memref<40x128xf32, #tpu.memory_space<vmem_shared>>
      %dma_wait3A_304 = arith.constant 0 : i32
      %dma_wait3A_305 = arith.constant 0 : i32
      %dma_wait3A_306 = tpu.memref_slice %arg10[%run_scoped3A_131, %dma_wait3A_304, %dma_wait3A_305] : memref<2x40x128xf32, #tpu.memory_space<vmem>> -> memref<1x40x128xf32, #tpu.memory_space<vmem>>
      %dma_wait3A_307 = tpu.memref_squeeze %dma_wait3A_306 : memref<1x40x128xf32, #tpu.memory_space<vmem>> -> memref<40x128xf32, #tpu.memory_space<vmem>>
      tpu.wait_dma2 semaphore(%run_scoped3A_284 : memref<!tpu.dma_semaphore, #tpu.memory_space<semaphore_mem>>) src(%dma_wait3A_307 : memref<40x128xf32, #tpu.memory_space<vmem>>) dst(%dma_wait3A_303 : memref<40x128xf32, #tpu.memory_space<vmem_shared>>)
      tpu.yield
    }) : () -> ()
    %mul3A_132 = arith.constant 640 : i32
    %mul3A_133 = arith.muli %arg1, %mul3A_132 : i32
    %add3A_134 = arith.constant 520 : i32
    %add3A_135 = arith.addi %mul3A_133, %add3A_134 : i32
    "tpu.region"() ({
      %run_scoped3A_284 = tpu.sem_alloc : memref<!tpu.dma_semaphore, #tpu.memory_space<semaphore_mem>>
      %dma_start3A_285 = arith.constant 0 : i32
      %dma_start3A_286 = tpu.memref_slice %arg19[%add3A_135, %dma_start3A_285] : memref<10240x8xf32, #tpu.memory_space<vmem_shared>> -> memref<40x8xf32, #tpu.memory_space<vmem_shared>>
      %dma_start3A_287 = arith.constant 0 : i32
      %dma_start3A_288 = tpu.memref_slice %arg19[%add3A_135, %dma_start3A_287] : memref<10240x8xf32, #tpu.memory_space<vmem_shared>> -> memref<40x8xf32, #tpu.memory_space<vmem_shared>>
      tpu.enqueue_dma source(%arg12 : memref<40x8xf32, #tpu.memory_space<vmem>>) target(%dma_start3A_288 : memref<40x8xf32, #tpu.memory_space<vmem_shared>>) target_semaphore(%run_scoped3A_284 : memref<!tpu.dma_semaphore, #tpu.memory_space<semaphore_mem>>)
      %dma_wait3A = arith.constant 0 : i32
      %dma_wait3A_289 = tpu.memref_slice %arg19[%add3A_135, %dma_wait3A] : memref<10240x8xf32, #tpu.memory_space<vmem_shared>> -> memref<40x8xf32, #tpu.memory_space<vmem_shared>>
      %dma_wait3A_290 = arith.constant 0 : i32
      %dma_wait3A_291 = tpu.memref_slice %arg19[%add3A_135, %dma_wait3A_290] : memref<10240x8xf32, #tpu.memory_space<vmem_shared>> -> memref<40x8xf32, #tpu.memory_space<vmem_shared>>
      tpu.wait_dma2 semaphore(%run_scoped3A_284 : memref<!tpu.dma_semaphore, #tpu.memory_space<semaphore_mem>>) src(%arg12 : memref<40x8xf32, #tpu.memory_space<vmem>>) dst(%dma_wait3A_291 : memref<40x8xf32, #tpu.memory_space<vmem_shared>>)
      tpu.yield
    }) : () -> ()
    %mul3A_136 = arith.constant 640 : i32
    %mul3A_137 = arith.muli %arg1, %mul3A_136 : i32
    %add3A_138 = arith.constant 560 : i32
    %add3A_139 = arith.addi %mul3A_137, %add3A_138 : i32
    %run_scoped3A_140 = arith.constant 0 : i32
    "tpu.region"() ({
      %run_scoped3A_284 = tpu.sem_alloc : memref<!tpu.dma_semaphore, #tpu.memory_space<semaphore_mem>>
      %dma_start3A_285 = arith.constant 0 : i32
      %dma_start3A_286 = arith.constant 0 : i32
      %dma_start3A_287 = tpu.memref_slice %arg10[%run_scoped3A_140, %dma_start3A_285, %dma_start3A_286] : memref<2x40x128xf32, #tpu.memory_space<vmem>> -> memref<1x40x128xf32, #tpu.memory_space<vmem>>
      %dma_start3A_288 = tpu.memref_squeeze %dma_start3A_287 : memref<1x40x128xf32, #tpu.memory_space<vmem>> -> memref<40x128xf32, #tpu.memory_space<vmem>>
      %dma_start3A_289 = arith.constant 0 : i32
      %dma_start3A_290 = tpu.memref_slice %arg18[%add3A_139, %dma_start3A_289] : memref<10240x128xf32, #tpu.memory_space<vmem_shared>> -> memref<40x128xf32, #tpu.memory_space<vmem_shared>>
      %dma_start3A_291 = arith.constant 0 : i32
      %dma_start3A_292 = tpu.memref_slice %arg18[%add3A_139, %dma_start3A_291] : memref<10240x128xf32, #tpu.memory_space<vmem_shared>> -> memref<40x128xf32, #tpu.memory_space<vmem_shared>>
      %dma_start3A_293 = arith.constant 0 : i32
      %dma_start3A_294 = arith.constant 0 : i32
      %dma_start3A_295 = tpu.memref_slice %arg10[%run_scoped3A_140, %dma_start3A_293, %dma_start3A_294] : memref<2x40x128xf32, #tpu.memory_space<vmem>> -> memref<1x40x128xf32, #tpu.memory_space<vmem>>
      %dma_start3A_296 = tpu.memref_squeeze %dma_start3A_295 : memref<1x40x128xf32, #tpu.memory_space<vmem>> -> memref<40x128xf32, #tpu.memory_space<vmem>>
      tpu.enqueue_dma source(%dma_start3A_296 : memref<40x128xf32, #tpu.memory_space<vmem>>) target(%dma_start3A_292 : memref<40x128xf32, #tpu.memory_space<vmem_shared>>) target_semaphore(%run_scoped3A_284 : memref<!tpu.dma_semaphore, #tpu.memory_space<semaphore_mem>>)
      %dma_wait3A = arith.constant 0 : i32
      %dma_wait3A_297 = arith.constant 0 : i32
      %dma_wait3A_298 = tpu.memref_slice %arg10[%run_scoped3A_140, %dma_wait3A, %dma_wait3A_297] : memref<2x40x128xf32, #tpu.memory_space<vmem>> -> memref<1x40x128xf32, #tpu.memory_space<vmem>>
      %dma_wait3A_299 = tpu.memref_squeeze %dma_wait3A_298 : memref<1x40x128xf32, #tpu.memory_space<vmem>> -> memref<40x128xf32, #tpu.memory_space<vmem>>
      %dma_wait3A_300 = arith.constant 0 : i32
      %dma_wait3A_301 = tpu.memref_slice %arg18[%add3A_139, %dma_wait3A_300] : memref<10240x128xf32, #tpu.memory_space<vmem_shared>> -> memref<40x128xf32, #tpu.memory_space<vmem_shared>>
      %dma_wait3A_302 = arith.constant 0 : i32
      %dma_wait3A_303 = tpu.memref_slice %arg18[%add3A_139, %dma_wait3A_302] : memref<10240x128xf32, #tpu.memory_space<vmem_shared>> -> memref<40x128xf32, #tpu.memory_space<vmem_shared>>
      %dma_wait3A_304 = arith.constant 0 : i32
      %dma_wait3A_305 = arith.constant 0 : i32
      %dma_wait3A_306 = tpu.memref_slice %arg10[%run_scoped3A_140, %dma_wait3A_304, %dma_wait3A_305] : memref<2x40x128xf32, #tpu.memory_space<vmem>> -> memref<1x40x128xf32, #tpu.memory_space<vmem>>
      %dma_wait3A_307 = tpu.memref_squeeze %dma_wait3A_306 : memref<1x40x128xf32, #tpu.memory_space<vmem>> -> memref<40x128xf32, #tpu.memory_space<vmem>>
      tpu.wait_dma2 semaphore(%run_scoped3A_284 : memref<!tpu.dma_semaphore, #tpu.memory_space<semaphore_mem>>) src(%dma_wait3A_307 : memref<40x128xf32, #tpu.memory_space<vmem>>) dst(%dma_wait3A_303 : memref<40x128xf32, #tpu.memory_space<vmem_shared>>)
      tpu.yield
    }) : () -> ()
    %mul3A_141 = arith.constant 640 : i32
    %mul3A_142 = arith.muli %arg1, %mul3A_141 : i32
    %add3A_143 = arith.constant 560 : i32
    %add3A_144 = arith.addi %mul3A_142, %add3A_143 : i32
    "tpu.region"() ({
      %run_scoped3A_284 = tpu.sem_alloc : memref<!tpu.dma_semaphore, #tpu.memory_space<semaphore_mem>>
      %dma_start3A_285 = arith.constant 0 : i32
      %dma_start3A_286 = tpu.memref_slice %arg19[%add3A_144, %dma_start3A_285] : memref<10240x8xf32, #tpu.memory_space<vmem_shared>> -> memref<40x8xf32, #tpu.memory_space<vmem_shared>>
      %dma_start3A_287 = arith.constant 0 : i32
      %dma_start3A_288 = tpu.memref_slice %arg19[%add3A_144, %dma_start3A_287] : memref<10240x8xf32, #tpu.memory_space<vmem_shared>> -> memref<40x8xf32, #tpu.memory_space<vmem_shared>>
      tpu.enqueue_dma source(%arg12 : memref<40x8xf32, #tpu.memory_space<vmem>>) target(%dma_start3A_288 : memref<40x8xf32, #tpu.memory_space<vmem_shared>>) target_semaphore(%run_scoped3A_284 : memref<!tpu.dma_semaphore, #tpu.memory_space<semaphore_mem>>)
      %dma_wait3A = arith.constant 0 : i32
      %dma_wait3A_289 = tpu.memref_slice %arg19[%add3A_144, %dma_wait3A] : memref<10240x8xf32, #tpu.memory_space<vmem_shared>> -> memref<40x8xf32, #tpu.memory_space<vmem_shared>>
      %dma_wait3A_290 = arith.constant 0 : i32
      %dma_wait3A_291 = tpu.memref_slice %arg19[%add3A_144, %dma_wait3A_290] : memref<10240x8xf32, #tpu.memory_space<vmem_shared>> -> memref<40x8xf32, #tpu.memory_space<vmem_shared>>
      tpu.wait_dma2 semaphore(%run_scoped3A_284 : memref<!tpu.dma_semaphore, #tpu.memory_space<semaphore_mem>>) src(%arg12 : memref<40x8xf32, #tpu.memory_space<vmem>>) dst(%dma_wait3A_291 : memref<40x8xf32, #tpu.memory_space<vmem_shared>>)
      tpu.yield
    }) : () -> ()
    %mul3A_145 = arith.constant 640 : i32
    %mul3A_146 = arith.muli %arg1, %mul3A_145 : i32
    %add3A_147 = arith.constant 600 : i32
    %add3A_148 = arith.addi %mul3A_146, %add3A_147 : i32
    %run_scoped3A_149 = arith.constant 0 : i32
    "tpu.region"() ({
      %run_scoped3A_284 = tpu.sem_alloc : memref<!tpu.dma_semaphore, #tpu.memory_space<semaphore_mem>>
      %dma_start3A_285 = arith.constant 0 : i32
      %dma_start3A_286 = arith.constant 0 : i32
      %dma_start3A_287 = tpu.memref_slice %arg10[%run_scoped3A_149, %dma_start3A_285, %dma_start3A_286] : memref<2x40x128xf32, #tpu.memory_space<vmem>> -> memref<1x40x128xf32, #tpu.memory_space<vmem>>
      %dma_start3A_288 = tpu.memref_squeeze %dma_start3A_287 : memref<1x40x128xf32, #tpu.memory_space<vmem>> -> memref<40x128xf32, #tpu.memory_space<vmem>>
      %dma_start3A_289 = arith.constant 0 : i32
      %dma_start3A_290 = tpu.memref_slice %arg18[%add3A_148, %dma_start3A_289] : memref<10240x128xf32, #tpu.memory_space<vmem_shared>> -> memref<40x128xf32, #tpu.memory_space<vmem_shared>>
      %dma_start3A_291 = arith.constant 0 : i32
      %dma_start3A_292 = tpu.memref_slice %arg18[%add3A_148, %dma_start3A_291] : memref<10240x128xf32, #tpu.memory_space<vmem_shared>> -> memref<40x128xf32, #tpu.memory_space<vmem_shared>>
      %dma_start3A_293 = arith.constant 0 : i32
      %dma_start3A_294 = arith.constant 0 : i32
      %dma_start3A_295 = tpu.memref_slice %arg10[%run_scoped3A_149, %dma_start3A_293, %dma_start3A_294] : memref<2x40x128xf32, #tpu.memory_space<vmem>> -> memref<1x40x128xf32, #tpu.memory_space<vmem>>
      %dma_start3A_296 = tpu.memref_squeeze %dma_start3A_295 : memref<1x40x128xf32, #tpu.memory_space<vmem>> -> memref<40x128xf32, #tpu.memory_space<vmem>>
      tpu.enqueue_dma source(%dma_start3A_296 : memref<40x128xf32, #tpu.memory_space<vmem>>) target(%dma_start3A_292 : memref<40x128xf32, #tpu.memory_space<vmem_shared>>) target_semaphore(%run_scoped3A_284 : memref<!tpu.dma_semaphore, #tpu.memory_space<semaphore_mem>>)
      %dma_wait3A = arith.constant 0 : i32
      %dma_wait3A_297 = arith.constant 0 : i32
      %dma_wait3A_298 = tpu.memref_slice %arg10[%run_scoped3A_149, %dma_wait3A, %dma_wait3A_297] : memref<2x40x128xf32, #tpu.memory_space<vmem>> -> memref<1x40x128xf32, #tpu.memory_space<vmem>>
      %dma_wait3A_299 = tpu.memref_squeeze %dma_wait3A_298 : memref<1x40x128xf32, #tpu.memory_space<vmem>> -> memref<40x128xf32, #tpu.memory_space<vmem>>
      %dma_wait3A_300 = arith.constant 0 : i32
      %dma_wait3A_301 = tpu.memref_slice %arg18[%add3A_148, %dma_wait3A_300] : memref<10240x128xf32, #tpu.memory_space<vmem_shared>> -> memref<40x128xf32, #tpu.memory_space<vmem_shared>>
      %dma_wait3A_302 = arith.constant 0 : i32
      %dma_wait3A_303 = tpu.memref_slice %arg18[%add3A_148, %dma_wait3A_302] : memref<10240x128xf32, #tpu.memory_space<vmem_shared>> -> memref<40x128xf32, #tpu.memory_space<vmem_shared>>
      %dma_wait3A_304 = arith.constant 0 : i32
      %dma_wait3A_305 = arith.constant 0 : i32
      %dma_wait3A_306 = tpu.memref_slice %arg10[%run_scoped3A_149, %dma_wait3A_304, %dma_wait3A_305] : memref<2x40x128xf32, #tpu.memory_space<vmem>> -> memref<1x40x128xf32, #tpu.memory_space<vmem>>
      %dma_wait3A_307 = tpu.memref_squeeze %dma_wait3A_306 : memref<1x40x128xf32, #tpu.memory_space<vmem>> -> memref<40x128xf32, #tpu.memory_space<vmem>>
      tpu.wait_dma2 semaphore(%run_scoped3A_284 : memref<!tpu.dma_semaphore, #tpu.memory_space<semaphore_mem>>) src(%dma_wait3A_307 : memref<40x128xf32, #tpu.memory_space<vmem>>) dst(%dma_wait3A_303 : memref<40x128xf32, #tpu.memory_space<vmem_shared>>)
      tpu.yield
    }) : () -> ()
    %mul3A_150 = arith.constant 640 : i32
    %mul3A_151 = arith.muli %arg1, %mul3A_150 : i32
    %add3A_152 = arith.constant 600 : i32
    %add3A_153 = arith.addi %mul3A_151, %add3A_152 : i32
    "tpu.region"() ({
      %run_scoped3A_284 = tpu.sem_alloc : memref<!tpu.dma_semaphore, #tpu.memory_space<semaphore_mem>>
      %dma_start3A_285 = arith.constant 0 : i32
      %dma_start3A_286 = tpu.memref_slice %arg19[%add3A_153, %dma_start3A_285] : memref<10240x8xf32, #tpu.memory_space<vmem_shared>> -> memref<40x8xf32, #tpu.memory_space<vmem_shared>>
      %dma_start3A_287 = arith.constant 0 : i32
      %dma_start3A_288 = tpu.memref_slice %arg19[%add3A_153, %dma_start3A_287] : memref<10240x8xf32, #tpu.memory_space<vmem_shared>> -> memref<40x8xf32, #tpu.memory_space<vmem_shared>>
      tpu.enqueue_dma source(%arg12 : memref<40x8xf32, #tpu.memory_space<vmem>>) target(%dma_start3A_288 : memref<40x8xf32, #tpu.memory_space<vmem_shared>>) target_semaphore(%run_scoped3A_284 : memref<!tpu.dma_semaphore, #tpu.memory_space<semaphore_mem>>)
      %dma_wait3A = arith.constant 0 : i32
      %dma_wait3A_289 = tpu.memref_slice %arg19[%add3A_153, %dma_wait3A] : memref<10240x8xf32, #tpu.memory_space<vmem_shared>> -> memref<40x8xf32, #tpu.memory_space<vmem_shared>>
      %dma_wait3A_290 = arith.constant 0 : i32
      %dma_wait3A_291 = tpu.memref_slice %arg19[%add3A_153, %dma_wait3A_290] : memref<10240x8xf32, #tpu.memory_space<vmem_shared>> -> memref<40x8xf32, #tpu.memory_space<vmem_shared>>
      tpu.wait_dma2 semaphore(%run_scoped3A_284 : memref<!tpu.dma_semaphore, #tpu.memory_space<semaphore_mem>>) src(%arg12 : memref<40x8xf32, #tpu.memory_space<vmem>>) dst(%dma_wait3A_291 : memref<40x8xf32, #tpu.memory_space<vmem_shared>>)
      tpu.yield
    }) : () -> ()
    %mul3A_154 = arith.constant 160000 : i32
    %mul3A_155 = arith.muli %arg0, %mul3A_154 : i32
    %mul3A_156 = arith.constant 10000 : i32
    %mul3A_157 = arith.muli %arg1, %mul3A_156 : i32
    %add3A_158 = arith.addi %mul3A_155, %mul3A_157 : i32
    "tpu.region"() ({
      %run_scoped3A_284 = tpu.sem_alloc : memref<!tpu.dma_semaphore, #tpu.memory_space<semaphore_mem>>
      %dma_start3A_285 = tpu.memref_slice %arg4[%add3A_158] : memref<320000xi32, #tpu.memory_space<hbm>> -> memref<10000xi32, #tpu.memory_space<hbm>>
      %dma_start3A_286 = tpu.memref_slice %arg4[%add3A_158] : memref<320000xi32, #tpu.memory_space<hbm>> -> memref<10000xi32, #tpu.memory_space<hbm>>
      tpu.enqueue_dma source(%dma_start3A_286 : memref<10000xi32, #tpu.memory_space<hbm>>) target(%arg8 : memref<10000xi32, #tpu.memory_space<vmem>>) target_semaphore(%run_scoped3A_284 : memref<!tpu.dma_semaphore, #tpu.memory_space<semaphore_mem>>)
      %dma_wait3A = tpu.memref_slice %arg4[%add3A_158] : memref<320000xi32, #tpu.memory_space<hbm>> -> memref<10000xi32, #tpu.memory_space<hbm>>
      %dma_wait3A_287 = tpu.memref_slice %arg4[%add3A_158] : memref<320000xi32, #tpu.memory_space<hbm>> -> memref<10000xi32, #tpu.memory_space<hbm>>
      tpu.wait_dma2 semaphore(%run_scoped3A_284 : memref<!tpu.dma_semaphore, #tpu.memory_space<semaphore_mem>>) src(%dma_wait3A_287 : memref<10000xi32, #tpu.memory_space<hbm>>) dst(%arg8 : memref<10000xi32, #tpu.memory_space<vmem>>)
      tpu.yield
    }) : () -> ()
    "tpu.region"() ({
      %run_scoped3A_284 = tpu.sem_alloc : memref<!tpu.dma_semaphore, #tpu.memory_space<semaphore_mem>>
      %dma_start3A_285 = arith.constant 0 : i32
      %dma_start3A_286 = arith.constant 0 : i32
      %dma_start3A_287 = tpu.memref_slice %arg5[%arg0, %arg1, %dma_start3A_285, %dma_start3A_286] : memref<2x16x250x40xi32, #tpu.memory_space<hbm>> -> memref<1x1x250x40xi32, #tpu.memory_space<hbm>>
      %dma_start3A_288 = tpu.memref_squeeze %dma_start3A_287 : memref<1x1x250x40xi32, #tpu.memory_space<hbm>> -> memref<250x40xi32, #tpu.memory_space<hbm>>
      %dma_start3A_289 = arith.constant 0 : i32
      %dma_start3A_290 = arith.constant 0 : i32
      %dma_start3A_291 = tpu.memref_slice %arg5[%arg0, %arg1, %dma_start3A_289, %dma_start3A_290] : memref<2x16x250x40xi32, #tpu.memory_space<hbm>> -> memref<1x1x250x40xi32, #tpu.memory_space<hbm>>
      %dma_start3A_292 = tpu.memref_squeeze %dma_start3A_291 : memref<1x1x250x40xi32, #tpu.memory_space<hbm>> -> memref<250x40xi32, #tpu.memory_space<hbm>>
      tpu.enqueue_dma source(%dma_start3A_292 : memref<250x40xi32, #tpu.memory_space<hbm>>) target(%arg9 : memref<250x40xi32, #tpu.memory_space<vmem>>) target_semaphore(%run_scoped3A_284 : memref<!tpu.dma_semaphore, #tpu.memory_space<semaphore_mem>>)
      %dma_wait3A = arith.constant 0 : i32
      %dma_wait3A_293 = arith.constant 0 : i32
      %dma_wait3A_294 = tpu.memref_slice %arg5[%arg0, %arg1, %dma_wait3A, %dma_wait3A_293] : memref<2x16x250x40xi32, #tpu.memory_space<hbm>> -> memref<1x1x250x40xi32, #tpu.memory_space<hbm>>
      %dma_wait3A_295 = tpu.memref_squeeze %dma_wait3A_294 : memref<1x1x250x40xi32, #tpu.memory_space<hbm>> -> memref<250x40xi32, #tpu.memory_space<hbm>>
      %dma_wait3A_296 = arith.constant 0 : i32
      %dma_wait3A_297 = arith.constant 0 : i32
      %dma_wait3A_298 = tpu.memref_slice %arg5[%arg0, %arg1, %dma_wait3A_296, %dma_wait3A_297] : memref<2x16x250x40xi32, #tpu.memory_space<hbm>> -> memref<1x1x250x40xi32, #tpu.memory_space<hbm>>
      %dma_wait3A_299 = tpu.memref_squeeze %dma_wait3A_298 : memref<1x1x250x40xi32, #tpu.memory_space<hbm>> -> memref<250x40xi32, #tpu.memory_space<hbm>>
      tpu.wait_dma2 semaphore(%run_scoped3A_284 : memref<!tpu.dma_semaphore, #tpu.memory_space<semaphore_mem>>) src(%dma_wait3A_299 : memref<250x40xi32, #tpu.memory_space<hbm>>) dst(%arg9 : memref<250x40xi32, #tpu.memory_space<vmem>>)
      tpu.yield
    }) : () -> ()
    %barrier3A = arith.constant 0 : index
    tpu.barrier barrier_id(%barrier3A)
    %dma_start3A = arith.constant 0 : i32
    %dma_start3A_159 = arith.constant 0 : i32
    %dma_start3A_160 = arith.constant 0 : i32
    %dma_start3A_161 = tpu.memref_slice %arg10[%dma_start3A, %dma_start3A_159, %dma_start3A_160] : memref<2x40x128xf32, #tpu.memory_space<vmem>> -> memref<1x40x128xf32, #tpu.memory_space<vmem>>
    %dma_start3A_162 = tpu.memref_squeeze %dma_start3A_161 : memref<1x40x128xf32, #tpu.memory_space<vmem>> -> memref<40x128xf32, #tpu.memory_space<vmem>>
    %dma_start3A_163 = arith.constant 0 : i32
    %dma_start3A_164 = tpu.memref_slice %arg8[%dma_start3A_163] : memref<10000xi32, #tpu.memory_space<vmem>> -> memref<40xi32, #tpu.memory_space<vmem>>
    %dma_start3A_165 = arith.constant 0 : i32
    %dma_start3A_166 = arith.constant 0 : i32
    %dma_start3A_167 = tpu.memref_slice %arg2[%dma_start3A_165, %dma_start3A_166] : memref<10000x128xf32, #tpu.memory_space<hbm>> -> memref<10000x128xf32, #tpu.memory_space<hbm>>
    tpu.enqueue_indirect_dma source(%dma_start3A_167 : memref<10000x128xf32, #tpu.memory_space<hbm>>) target(%dma_start3A_162 : memref<40x128xf32, #tpu.memory_space<vmem>>) offsets(%dma_start3A_164 : memref<40xi32, #tpu.memory_space<vmem>>) semaphore(%arg14 : memref<!tpu.dma_semaphore, #tpu.memory_space<semaphore_mem>>)
    %add3A_168 = arith.constant 0 : i32
    %add3A_169 = arith.addi %add3A_158, %add3A_168 : i32
    %dma_start3A_170 = arith.constant 0 : i32
    %dma_start3A_171 = arith.constant 0 : i32
    %dma_start3A_172 = arith.constant 0 : i32
    %dma_start3A_173 = tpu.memref_slice %arg11[%dma_start3A_170, %dma_start3A_171, %dma_start3A_172] : memref<2x40x128xf32, #tpu.memory_space<vmem>> -> memref<1x40x128xf32, #tpu.memory_space<vmem>>
    %dma_start3A_174 = tpu.memref_squeeze %dma_start3A_173 : memref<1x40x128xf32, #tpu.memory_space<vmem>> -> memref<40x128xf32, #tpu.memory_space<vmem>>
    %dma_start3A_175 = arith.constant 0 : i32
    %dma_start3A_176 = tpu.memref_slice %arg3[%add3A_169, %dma_start3A_175] : memref<320000x128xf32, #tpu.memory_space<hbm>> -> memref<40x128xf32, #tpu.memory_space<hbm>>
    %dma_start3A_177 = arith.constant 0 : i32
    %dma_start3A_178 = arith.constant 0 : i32
    %dma_start3A_179 = tpu.memref_slice %arg11[%dma_start3A_170, %dma_start3A_177, %dma_start3A_178] : memref<2x40x128xf32, #tpu.memory_space<vmem>> -> memref<1x40x128xf32, #tpu.memory_space<vmem>>
    %dma_start3A_180 = tpu.memref_squeeze %dma_start3A_179 : memref<1x40x128xf32, #tpu.memory_space<vmem>> -> memref<40x128xf32, #tpu.memory_space<vmem>>
    %dma_start3A_181 = arith.constant 0 : i32
    %dma_start3A_182 = tpu.memref_slice %arg3[%add3A_169, %dma_start3A_181] : memref<320000x128xf32, #tpu.memory_space<hbm>> -> memref<40x128xf32, #tpu.memory_space<hbm>>
    tpu.enqueue_dma source(%dma_start3A_182 : memref<40x128xf32, #tpu.memory_space<hbm>>) target(%dma_start3A_180 : memref<40x128xf32, #tpu.memory_space<vmem>>) target_semaphore(%arg16 : memref<!tpu.dma_semaphore, #tpu.memory_space<semaphore_mem>>)
    %dma_start3A_183 = arith.constant 1 : i32
    %dma_start3A_184 = arith.constant 0 : i32
    %dma_start3A_185 = arith.constant 0 : i32
    %dma_start3A_186 = tpu.memref_slice %arg10[%dma_start3A_183, %dma_start3A_184, %dma_start3A_185] : memref<2x40x128xf32, #tpu.memory_space<vmem>> -> memref<1x40x128xf32, #tpu.memory_space<vmem>>
    %dma_start3A_187 = tpu.memref_squeeze %dma_start3A_186 : memref<1x40x128xf32, #tpu.memory_space<vmem>> -> memref<40x128xf32, #tpu.memory_space<vmem>>
    %dma_start3A_188 = arith.constant 40 : i32
    %dma_start3A_189 = tpu.memref_slice %arg8[%dma_start3A_188] : memref<10000xi32, #tpu.memory_space<vmem>> -> memref<40xi32, #tpu.memory_space<vmem>>
    %dma_start3A_190 = arith.constant 0 : i32
    %dma_start3A_191 = arith.constant 0 : i32
    %dma_start3A_192 = tpu.memref_slice %arg2[%dma_start3A_190, %dma_start3A_191] : memref<10000x128xf32, #tpu.memory_space<hbm>> -> memref<10000x128xf32, #tpu.memory_space<hbm>>
    tpu.enqueue_indirect_dma source(%dma_start3A_192 : memref<10000x128xf32, #tpu.memory_space<hbm>>) target(%dma_start3A_187 : memref<40x128xf32, #tpu.memory_space<vmem>>) offsets(%dma_start3A_189 : memref<40xi32, #tpu.memory_space<vmem>>) semaphore(%arg15 : memref<!tpu.dma_semaphore, #tpu.memory_space<semaphore_mem>>)
    %add3A_193 = arith.constant 40 : i32
    %add3A_194 = arith.addi %add3A_158, %add3A_193 : i32
    %dma_start3A_195 = arith.constant 1 : i32
    %dma_start3A_196 = arith.constant 0 : i32
    %dma_start3A_197 = arith.constant 0 : i32
    %dma_start3A_198 = tpu.memref_slice %arg11[%dma_start3A_195, %dma_start3A_196, %dma_start3A_197] : memref<2x40x128xf32, #tpu.memory_space<vmem>> -> memref<1x40x128xf32, #tpu.memory_space<vmem>>
    %dma_start3A_199 = tpu.memref_squeeze %dma_start3A_198 : memref<1x40x128xf32, #tpu.memory_space<vmem>> -> memref<40x128xf32, #tpu.memory_space<vmem>>
    %dma_start3A_200 = arith.constant 0 : i32
    %dma_start3A_201 = tpu.memref_slice %arg3[%add3A_194, %dma_start3A_200] : memref<320000x128xf32, #tpu.memory_space<hbm>> -> memref<40x128xf32, #tpu.memory_space<hbm>>
    %dma_start3A_202 = arith.constant 0 : i32
    %dma_start3A_203 = arith.constant 0 : i32
    %dma_start3A_204 = tpu.memref_slice %arg11[%dma_start3A_195, %dma_start3A_202, %dma_start3A_203] : memref<2x40x128xf32, #tpu.memory_space<vmem>> -> memref<1x40x128xf32, #tpu.memory_space<vmem>>
    %dma_start3A_205 = tpu.memref_squeeze %dma_start3A_204 : memref<1x40x128xf32, #tpu.memory_space<vmem>> -> memref<40x128xf32, #tpu.memory_space<vmem>>
    %dma_start3A_206 = arith.constant 0 : i32
    %dma_start3A_207 = tpu.memref_slice %arg3[%add3A_194, %dma_start3A_206] : memref<320000x128xf32, #tpu.memory_space<hbm>> -> memref<40x128xf32, #tpu.memory_space<hbm>>
    tpu.enqueue_dma source(%dma_start3A_207 : memref<40x128xf32, #tpu.memory_space<hbm>>) target(%dma_start3A_205 : memref<40x128xf32, #tpu.memory_space<vmem>>) target_semaphore(%arg17 : memref<!tpu.dma_semaphore, #tpu.memory_space<semaphore_mem>>)
    %scan3A_208 = arith.constant 0 : i32
    %scan3A_209 = arith.constant 0 : i32
    %scan3A_210 = arith.constant 125 : i32
    %scan3A_211 = arith.addi %scan3A_209, %scan3A_210 : i32
    %scan3A_212 = arith.constant 1 : i32
    %scan3A_213 = scf.for %scan3A_284 = %scan3A_209 to %scan3A_211 step %scan3A_212 iter_args(%scan3A_285 = %scan3A_208) -> (i32)  : i32 {
      %mul3A_286 = arith.constant 2 : i32
      %mul3A_287 = arith.muli %mul3A_286, %scan3A_284 : i32
      %add3A_288 = arith.constant 0 : i32
      %add3A_289 = arith.addi %mul3A_287, %add3A_288 : i32
      %dma_wait3A = arith.constant 0 : i32
      %dma_wait3A_290 = arith.constant 0 : i32
      %dma_wait3A_291 = arith.constant 0 : i32
      %dma_wait3A_292 = tpu.memref_slice %arg10[%dma_wait3A, %dma_wait3A_290, %dma_wait3A_291] : memref<2x40x128xf32, #tpu.memory_space<vmem>> -> memref<1x40x128xf32, #tpu.memory_space<vmem>>
      %dma_wait3A_293 = tpu.memref_squeeze %dma_wait3A_292 : memref<1x40x128xf32, #tpu.memory_space<vmem>> -> memref<40x128xf32, #tpu.memory_space<vmem>>
      %dma_wait3A_294 = arith.constant 0 : i32
      %dma_wait3A_295 = arith.constant 0 : i32
      %dma_wait3A_296 = tpu.memref_slice %arg2[%dma_wait3A_294, %dma_wait3A_295] : memref<10000x128xf32, #tpu.memory_space<hbm>> -> memref<40x128xf32, #tpu.memory_space<hbm>>
      %dma_wait3A_297 = arith.constant 0 : i32
      %dma_wait3A_298 = arith.constant 0 : i32
      %dma_wait3A_299 = tpu.memref_slice %arg10[%dma_wait3A, %dma_wait3A_297, %dma_wait3A_298] : memref<2x40x128xf32, #tpu.memory_space<vmem>> -> memref<1x40x128xf32, #tpu.memory_space<vmem>>
      %dma_wait3A_300 = tpu.memref_squeeze %dma_wait3A_299 : memref<1x40x128xf32, #tpu.memory_space<vmem>> -> memref<40x128xf32, #tpu.memory_space<vmem>>
      %dma_wait3A_301 = arith.constant 0 : i32
      %dma_wait3A_302 = arith.constant 0 : i32
      %dma_wait3A_303 = tpu.memref_slice %arg2[%dma_wait3A_301, %dma_wait3A_302] : memref<10000x128xf32, #tpu.memory_space<hbm>> -> memref<40x128xf32, #tpu.memory_space<hbm>>
      tpu.wait_dma2 semaphore(%arg14 : memref<!tpu.dma_semaphore, #tpu.memory_space<semaphore_mem>>) src(%dma_wait3A_303 : memref<40x128xf32, #tpu.memory_space<hbm>>) dst(%dma_wait3A_300 : memref<40x128xf32, #tpu.memory_space<vmem>>)
      %dma_wait3A_304 = arith.constant 0 : i32
      %dma_wait3A_305 = arith.constant 0 : i32
      %dma_wait3A_306 = arith.constant 0 : i32
      %dma_wait3A_307 = tpu.memref_slice %arg11[%dma_wait3A_304, %dma_wait3A_305, %dma_wait3A_306] : memref<2x40x128xf32, #tpu.memory_space<vmem>> -> memref<1x40x128xf32, #tpu.memory_space<vmem>>
      %dma_wait3A_308 = tpu.memref_squeeze %dma_wait3A_307 : memref<1x40x128xf32, #tpu.memory_space<vmem>> -> memref<40x128xf32, #tpu.memory_space<vmem>>
      %dma_wait3A_309 = arith.constant 0 : i32
      %dma_wait3A_310 = arith.constant 0 : i32
      %dma_wait3A_311 = tpu.memref_slice %arg3[%dma_wait3A_309, %dma_wait3A_310] : memref<320000x128xf32, #tpu.memory_space<hbm>> -> memref<40x128xf32, #tpu.memory_space<hbm>>
      %dma_wait3A_312 = arith.constant 0 : i32
      %dma_wait3A_313 = arith.constant 0 : i32
      %dma_wait3A_314 = tpu.memref_slice %arg11[%dma_wait3A_304, %dma_wait3A_312, %dma_wait3A_313] : memref<2x40x128xf32, #tpu.memory_space<vmem>> -> memref<1x40x128xf32, #tpu.memory_space<vmem>>
      %dma_wait3A_315 = tpu.memref_squeeze %dma_wait3A_314 : memref<1x40x128xf32, #tpu.memory_space<vmem>> -> memref<40x128xf32, #tpu.memory_space<vmem>>
      %dma_wait3A_316 = arith.constant 0 : i32
      %dma_wait3A_317 = arith.constant 0 : i32
      %dma_wait3A_318 = tpu.memref_slice %arg3[%dma_wait3A_316, %dma_wait3A_317] : memref<320000x128xf32, #tpu.memory_space<hbm>> -> memref<40x128xf32, #tpu.memory_space<hbm>>
      tpu.wait_dma2 semaphore(%arg16 : memref<!tpu.dma_semaphore, #tpu.memory_space<semaphore_mem>>) src(%dma_wait3A_318 : memref<40x128xf32, #tpu.memory_space<hbm>>) dst(%dma_wait3A_315 : memref<40x128xf32, #tpu.memory_space<vmem>>)
      %scan3A_319 = arith.constant 0 : i32
      %scan3A_320 = arith.constant 0 : i32
      %scan3A_321 = arith.constant 20 : i32
      %scan3A_322 = arith.addi %scan3A_320, %scan3A_321 : i32
      %scan3A_323 = arith.constant 1 : i32
      %scan3A_324 = scf.for %scan3A_381 = %scan3A_320 to %scan3A_322 step %scan3A_323 iter_args(%scan3A_382 = %scan3A_319) -> (i32)  : i32 {
        %mul3A_383 = arith.constant 2 : i32
        %mul3A_384 = arith.muli %mul3A_383, %scan3A_381 : i32
        %add3A_385 = arith.constant 0 : i32
        %add3A_386 = arith.addi %mul3A_384, %add3A_385 : i32
        %get3A = arith.constant 0 : i32
        %get3A_387 = arith.index_cast %get3A : i32 to index
        %get3A_388 = arith.index_cast %add3A_386 : i32 to index
        %get3A_389 = arith.constant 0 : index
        %get3A_390 = tpu.vector_load %arg10[%get3A_387, %get3A_388, %get3A_389] {strides = array<i32>} : memref<2x40x128xf32, #tpu.memory_space<vmem>>, vector<1x1x16xf32>,
        %get3A_391 = vector.shape_cast %get3A_390 : vector<1x1x16xf32> to vector<16xf32>
        %mul3A_392 = arith.constant 2 : i32
        %mul3A_393 = arith.muli %scan3A_381, %mul3A_392 : i32
        %add3A_394 = arith.constant 0 : i32
        %add3A_395 = arith.addi %mul3A_393, %add3A_394 : i32
        %get3A_396 = arith.constant 0 : i32
        %get3A_397 = arith.index_cast %get3A_396 : i32 to index
        %get3A_398 = arith.index_cast %add3A_395 : i32 to index
        %get3A_399 = arith.constant 0 : index
        %get3A_400 = tpu.vector_load %arg11[%get3A_397, %get3A_398, %get3A_399] {strides = array<i32>} : memref<2x40x128xf32, #tpu.memory_space<vmem>>, vector<1x1x16xf32>,
        %get3A_401 = vector.shape_cast %get3A_400 : vector<1x1x16xf32> to vector<16xf32>
        %add3A_402 = arith.addf %get3A_391, %get3A_401 : vector<16xf32>
        %max3A = arith.constant 0.000000e+00 : f32
        %max3A_403 = vector.broadcast %max3A : f32 to vector<16xf32>
        %max3A_404 = arith.maximumf %add3A_402, %max3A_403 : vector<16xf32>
        %swap3A = arith.constant 0 : i32
        %swap3A_405 = arith.index_cast %swap3A : i32 to index
        %swap3A_406 = arith.index_cast %add3A_386 : i32 to index
        %swap3A_407 = arith.constant 0 : index
        %swap3A_408 = tpu.vector_load %arg10[%swap3A_405, %swap3A_406, %swap3A_407] {strides = array<i32>} : memref<2x40x128xf32, #tpu.memory_space<vmem>>, vector<1x1x16xf32>,
        %swap3A_409 = vector.shape_cast %swap3A_408 : vector<1x1x16xf32> to vector<16xf32>
        %swap3A_410 = vector.shape_cast %max3A_404 : vector<16xf32> to vector<1x1x16xf32>
        tpu.vector_store %arg10[%swap3A_405, %swap3A_406, %swap3A_407], %swap3A_410 {strides = array<i32>} : memref<2x40x128xf32, #tpu.memory_space<vmem>>, vector<1x1x16xf32>,
        %get3A_411 = arith.constant 0 : i32
        %get3A_412 = arith.index_cast %get3A_411 : i32 to index
        %get3A_413 = arith.index_cast %add3A_386 : i32 to index
        %get3A_414 = arith.constant 16 : index
        %get3A_415 = tpu.vector_load %arg10[%get3A_412, %get3A_413, %get3A_414] {strides = array<i32>} : memref<2x40x128xf32, #tpu.memory_space<vmem>>, vector<1x1x16xf32>,
        %get3A_416 = vector.shape_cast %get3A_415 : vector<1x1x16xf32> to vector<16xf32>
        %mul3A_417 = arith.constant 2 : i32
        %mul3A_418 = arith.muli %scan3A_381, %mul3A_417 : i32
        %add3A_419 = arith.constant 0 : i32
        %add3A_420 = arith.addi %mul3A_418, %add3A_419 : i32
        %get3A_421 = arith.constant 0 : i32
        %get3A_422 = arith.index_cast %get3A_421 : i32 to index
        %get3A_423 = arith.index_cast %add3A_420 : i32 to index
        %get3A_424 = arith.constant 16 : index
        %get3A_425 = tpu.vector_load %arg11[%get3A_422, %get3A_423, %get3A_424] {strides = array<i32>} : memref<2x40x128xf32, #tpu.memory_space<vmem>>, vector<1x1x16xf32>,
        %get3A_426 = vector.shape_cast %get3A_425 : vector<1x1x16xf32> to vector<16xf32>
        %add3A_427 = arith.addf %get3A_416, %get3A_426 : vector<16xf32>
        %max3A_428 = arith.constant 0.000000e+00 : f32
        %max3A_429 = vector.broadcast %max3A_428 : f32 to vector<16xf32>
        %max3A_430 = arith.maximumf %add3A_427, %max3A_429 : vector<16xf32>
        %swap3A_431 = arith.constant 0 : i32
        %swap3A_432 = arith.index_cast %swap3A_431 : i32 to index
        %swap3A_433 = arith.index_cast %add3A_386 : i32 to index
        %swap3A_434 = arith.constant 16 : index
        %swap3A_435 = tpu.vector_load %arg10[%swap3A_432, %swap3A_433, %swap3A_434] {strides = array<i32>} : memref<2x40x128xf32, #tpu.memory_space<vmem>>, vector<1x1x16xf32>,
        %swap3A_436 = vector.shape_cast %swap3A_435 : vector<1x1x16xf32> to vector<16xf32>
        %swap3A_437 = vector.shape_cast %max3A_430 : vector<16xf32> to vector<1x1x16xf32>
        tpu.vector_store %arg10[%swap3A_432, %swap3A_433, %swap3A_434], %swap3A_437 {strides = array<i32>} : memref<2x40x128xf32, #tpu.memory_space<vmem>>, vector<1x1x16xf32>,
        %get3A_438 = arith.constant 0 : i32
        %get3A_439 = arith.index_cast %get3A_438 : i32 to index
        %get3A_440 = arith.index_cast %add3A_386 : i32 to index
        %get3A_441 = arith.constant 32 : index
        %get3A_442 = tpu.vector_load %arg10[%get3A_439, %get3A_440, %get3A_441] {strides = array<i32>} : memref<2x40x128xf32, #tpu.memory_space<vmem>>, vector<1x1x16xf32>,
        %get3A_443 = vector.shape_cast %get3A_442 : vector<1x1x16xf32> to vector<16xf32>
        %mul3A_444 = arith.constant 2 : i32
        %mul3A_445 = arith.muli %scan3A_381, %mul3A_444 : i32
        %add3A_446 = arith.constant 0 : i32
        %add3A_447 = arith.addi %mul3A_445, %add3A_446 : i32
        %get3A_448 = arith.constant 0 : i32
        %get3A_449 = arith.index_cast %get3A_448 : i32 to index
        %get3A_450 = arith.index_cast %add3A_447 : i32 to index
        %get3A_451 = arith.constant 32 : index
        %get3A_452 = tpu.vector_load %arg11[%get3A_449, %get3A_450, %get3A_451] {strides = array<i32>} : memref<2x40x128xf32, #tpu.memory_space<vmem>>, vector<1x1x16xf32>,
        %get3A_453 = vector.shape_cast %get3A_452 : vector<1x1x16xf32> to vector<16xf32>
        %add3A_454 = arith.addf %get3A_443, %get3A_453 : vector<16xf32>
        %max3A_455 = arith.constant 0.000000e+00 : f32
        %max3A_456 = vector.broadcast %max3A_455 : f32 to vector<16xf32>
        %max3A_457 = arith.maximumf %add3A_454, %max3A_456 : vector<16xf32>
        %swap3A_458 = arith.constant 0 : i32
        %swap3A_459 = arith.index_cast %swap3A_458 : i32 to index
        %swap3A_460 = arith.index_cast %add3A_386 : i32 to index
        %swap3A_461 = arith.constant 32 : index
        %swap3A_462 = tpu.vector_load %arg10[%swap3A_459, %swap3A_460, %swap3A_461] {strides = array<i32>} : memref<2x40x128xf32, #tpu.memory_space<vmem>>, vector<1x1x16xf32>,
        %swap3A_463 = vector.shape_cast %swap3A_462 : vector<1x1x16xf32> to vector<16xf32>
        %swap3A_464 = vector.shape_cast %max3A_457 : vector<16xf32> to vector<1x1x16xf32>
        tpu.vector_store %arg10[%swap3A_459, %swap3A_460, %swap3A_461], %swap3A_464 {strides = array<i32>} : memref<2x40x128xf32, #tpu.memory_space<vmem>>, vector<1x1x16xf32>,
        %get3A_465 = arith.constant 0 : i32
        %get3A_466 = arith.index_cast %get3A_465 : i32 to index
        %get3A_467 = arith.index_cast %add3A_386 : i32 to index
        %get3A_468 = arith.constant 48 : index
        %get3A_469 = tpu.vector_load %arg10[%get3A_466, %get3A_467, %get3A_468] {strides = array<i32>} : memref<2x40x128xf32, #tpu.memory_space<vmem>>, vector<1x1x16xf32>,
        %get3A_470 = vector.shape_cast %get3A_469 : vector<1x1x16xf32> to vector<16xf32>
        %mul3A_471 = arith.constant 2 : i32
        %mul3A_472 = arith.muli %scan3A_381, %mul3A_471 : i32
        %add3A_473 = arith.constant 0 : i32
        %add3A_474 = arith.addi %mul3A_472, %add3A_473 : i32
        %get3A_475 = arith.constant 0 : i32
        %get3A_476 = arith.index_cast %get3A_475 : i32 to index
        %get3A_477 = arith.index_cast %add3A_474 : i32 to index
        %get3A_478 = arith.constant 48 : index
        %get3A_479 = tpu.vector_load %arg11[%get3A_476, %get3A_477, %get3A_478] {strides = array<i32>} : memref<2x40x128xf32, #tpu.memory_space<vmem>>, vector<1x1x16xf32>,
        %get3A_480 = vector.shape_cast %get3A_479 : vector<1x1x16xf32> to vector<16xf32>
        %add3A_481 = arith.addf %get3A_470, %get3A_480 : vector<16xf32>
        %max3A_482 = arith.constant 0.000000e+00 : f32
        %max3A_483 = vector.broadcast %max3A_482 : f32 to vector<16xf32>
        %max3A_484 = arith.maximumf %add3A_481, %max3A_483 : vector<16xf32>
        %swap3A_485 = arith.constant 0 : i32
        %swap3A_486 = arith.index_cast %swap3A_485 : i32 to index
        %swap3A_487 = arith.index_cast %add3A_386 : i32 to index
        %swap3A_488 = arith.constant 48 : index
        %swap3A_489 = tpu.vector_load %arg10[%swap3A_486, %swap3A_487, %swap3A_488] {strides = array<i32>} : memref<2x40x128xf32, #tpu.memory_space<vmem>>, vector<1x1x16xf32>,
        %swap3A_490 = vector.shape_cast %swap3A_489 : vector<1x1x16xf32> to vector<16xf32>
        %swap3A_491 = vector.shape_cast %max3A_484 : vector<16xf32> to vector<1x1x16xf32>
        tpu.vector_store %arg10[%swap3A_486, %swap3A_487, %swap3A_488], %swap3A_491 {strides = array<i32>} : memref<2x40x128xf32, #tpu.memory_space<vmem>>, vector<1x1x16xf32>,
        %get3A_492 = arith.constant 0 : i32
        %get3A_493 = arith.index_cast %get3A_492 : i32 to index
        %get3A_494 = arith.index_cast %add3A_386 : i32 to index
        %get3A_495 = arith.constant 64 : index
        %get3A_496 = tpu.vector_load %arg10[%get3A_493, %get3A_494, %get3A_495] {strides = array<i32>} : memref<2x40x128xf32, #tpu.memory_space<vmem>>, vector<1x1x16xf32>,
        %get3A_497 = vector.shape_cast %get3A_496 : vector<1x1x16xf32> to vector<16xf32>
        %mul3A_498 = arith.constant 2 : i32
        %mul3A_499 = arith.muli %scan3A_381, %mul3A_498 : i32
        %add3A_500 = arith.constant 0 : i32
        %add3A_501 = arith.addi %mul3A_499, %add3A_500 : i32
        %get3A_502 = arith.constant 0 : i32
        %get3A_503 = arith.index_cast %get3A_502 : i32 to index
        %get3A_504 = arith.index_cast %add3A_501 : i32 to index
        %get3A_505 = arith.constant 64 : index
        %get3A_506 = tpu.vector_load %arg11[%get3A_503, %get3A_504, %get3A_505] {strides = array<i32>} : memref<2x40x128xf32, #tpu.memory_space<vmem>>, vector<1x1x16xf32>,
        %get3A_507 = vector.shape_cast %get3A_506 : vector<1x1x16xf32> to vector<16xf32>
        %add3A_508 = arith.addf %get3A_497, %get3A_507 : vector<16xf32>
        %max3A_509 = arith.constant 0.000000e+00 : f32
        %max3A_510 = vector.broadcast %max3A_509 : f32 to vector<16xf32>
        %max3A_511 = arith.maximumf %add3A_508, %max3A_510 : vector<16xf32>
        %swap3A_512 = arith.constant 0 : i32
        %swap3A_513 = arith.index_cast %swap3A_512 : i32 to index
        %swap3A_514 = arith.index_cast %add3A_386 : i32 to index
        %swap3A_515 = arith.constant 64 : index
        %swap3A_516 = tpu.vector_load %arg10[%swap3A_513, %swap3A_514, %swap3A_515] {strides = array<i32>} : memref<2x40x128xf32, #tpu.memory_space<vmem>>, vector<1x1x16xf32>,
        %swap3A_517 = vector.shape_cast %swap3A_516 : vector<1x1x16xf32> to vector<16xf32>
        %swap3A_518 = vector.shape_cast %max3A_511 : vector<16xf32> to vector<1x1x16xf32>
        tpu.vector_store %arg10[%swap3A_513, %swap3A_514, %swap3A_515], %swap3A_518 {strides = array<i32>} : memref<2x40x128xf32, #tpu.memory_space<vmem>>, vector<1x1x16xf32>,
        %get3A_519 = arith.constant 0 : i32
        %get3A_520 = arith.index_cast %get3A_519 : i32 to index
        %get3A_521 = arith.index_cast %add3A_386 : i32 to index
        %get3A_522 = arith.constant 80 : index
        %get3A_523 = tpu.vector_load %arg10[%get3A_520, %get3A_521, %get3A_522] {strides = array<i32>} : memref<2x40x128xf32, #tpu.memory_space<vmem>>, vector<1x1x16xf32>,
        %get3A_524 = vector.shape_cast %get3A_523 : vector<1x1x16xf32> to vector<16xf32>
        %mul3A_525 = arith.constant 2 : i32
        %mul3A_526 = arith.muli %scan3A_381, %mul3A_525 : i32
        %add3A_527 = arith.constant 0 : i32
        %add3A_528 = arith.addi %mul3A_526, %add3A_527 : i32
        %get3A_529 = arith.constant 0 : i32
        %get3A_530 = arith.index_cast %get3A_529 : i32 to index
        %get3A_531 = arith.index_cast %add3A_528 : i32 to index
        %get3A_532 = arith.constant 80 : index
        %get3A_533 = tpu.vector_load %arg11[%get3A_530, %get3A_531, %get3A_532] {strides = array<i32>} : memref<2x40x128xf32, #tpu.memory_space<vmem>>, vector<1x1x16xf32>,
        %get3A_534 = vector.shape_cast %get3A_533 : vector<1x1x16xf32> to vector<16xf32>
        %add3A_535 = arith.addf %get3A_524, %get3A_534 : vector<16xf32>
        %max3A_536 = arith.constant 0.000000e+00 : f32
        %max3A_537 = vector.broadcast %max3A_536 : f32 to vector<16xf32>
        %max3A_538 = arith.maximumf %add3A_535, %max3A_537 : vector<16xf32>
        %swap3A_539 = arith.constant 0 : i32
        %swap3A_540 = arith.index_cast %swap3A_539 : i32 to index
        %swap3A_541 = arith.index_cast %add3A_386 : i32 to index
        %swap3A_542 = arith.constant 80 : index
        %swap3A_543 = tpu.vector_load %arg10[%swap3A_540, %swap3A_541, %swap3A_542] {strides = array<i32>} : memref<2x40x128xf32, #tpu.memory_space<vmem>>, vector<1x1x16xf32>,
        %swap3A_544 = vector.shape_cast %swap3A_543 : vector<1x1x16xf32> to vector<16xf32>
        %swap3A_545 = vector.shape_cast %max3A_538 : vector<16xf32> to vector<1x1x16xf32>
        tpu.vector_store %arg10[%swap3A_540, %swap3A_541, %swap3A_542], %swap3A_545 {strides = array<i32>} : memref<2x40x128xf32, #tpu.memory_space<vmem>>, vector<1x1x16xf32>,
        %get3A_546 = arith.constant 0 : i32
        %get3A_547 = arith.index_cast %get3A_546 : i32 to index
        %get3A_548 = arith.index_cast %add3A_386 : i32 to index
        %get3A_549 = arith.constant 96 : index
        %get3A_550 = tpu.vector_load %arg10[%get3A_547, %get3A_548, %get3A_549] {strides = array<i32>} : memref<2x40x128xf32, #tpu.memory_space<vmem>>, vector<1x1x16xf32>,
        %get3A_551 = vector.shape_cast %get3A_550 : vector<1x1x16xf32> to vector<16xf32>
        %mul3A_552 = arith.constant 2 : i32
        %mul3A_553 = arith.muli %scan3A_381, %mul3A_552 : i32
        %add3A_554 = arith.constant 0 : i32
        %add3A_555 = arith.addi %mul3A_553, %add3A_554 : i32
        %get3A_556 = arith.constant 0 : i32
        %get3A_557 = arith.index_cast %get3A_556 : i32 to index
        %get3A_558 = arith.index_cast %add3A_555 : i32 to index
        %get3A_559 = arith.constant 96 : index
        %get3A_560 = tpu.vector_load %arg11[%get3A_557, %get3A_558, %get3A_559] {strides = array<i32>} : memref<2x40x128xf32, #tpu.memory_space<vmem>>, vector<1x1x16xf32>,
        %get3A_561 = vector.shape_cast %get3A_560 : vector<1x1x16xf32> to vector<16xf32>
        %add3A_562 = arith.addf %get3A_551, %get3A_561 : vector<16xf32>
        %max3A_563 = arith.constant 0.000000e+00 : f32
        %max3A_564 = vector.broadcast %max3A_563 : f32 to vector<16xf32>
        %max3A_565 = arith.maximumf %add3A_562, %max3A_564 : vector<16xf32>
        %swap3A_566 = arith.constant 0 : i32
        %swap3A_567 = arith.index_cast %swap3A_566 : i32 to index
        %swap3A_568 = arith.index_cast %add3A_386 : i32 to index
        %swap3A_569 = arith.constant 96 : index
        %swap3A_570 = tpu.vector_load %arg10[%swap3A_567, %swap3A_568, %swap3A_569] {strides = array<i32>} : memref<2x40x128xf32, #tpu.memory_space<vmem>>, vector<1x1x16xf32>,
        %swap3A_571 = vector.shape_cast %swap3A_570 : vector<1x1x16xf32> to vector<16xf32>
        %swap3A_572 = vector.shape_cast %max3A_565 : vector<16xf32> to vector<1x1x16xf32>
        tpu.vector_store %arg10[%swap3A_567, %swap3A_568, %swap3A_569], %swap3A_572 {strides = array<i32>} : memref<2x40x128xf32, #tpu.memory_space<vmem>>, vector<1x1x16xf32>,
        %get3A_573 = arith.constant 0 : i32
        %get3A_574 = arith.index_cast %get3A_573 : i32 to index
        %get3A_575 = arith.index_cast %add3A_386 : i32 to index
        %get3A_576 = arith.constant 112 : index
        %get3A_577 = tpu.vector_load %arg10[%get3A_574, %get3A_575, %get3A_576] {strides = array<i32>} : memref<2x40x128xf32, #tpu.memory_space<vmem>>, vector<1x1x16xf32>,
        %get3A_578 = vector.shape_cast %get3A_577 : vector<1x1x16xf32> to vector<16xf32>
        %mul3A_579 = arith.constant 2 : i32
        %mul3A_580 = arith.muli %scan3A_381, %mul3A_579 : i32
        %add3A_581 = arith.constant 0 : i32
        %add3A_582 = arith.addi %mul3A_580, %add3A_581 : i32
        %get3A_583 = arith.constant 0 : i32
        %get3A_584 = arith.index_cast %get3A_583 : i32 to index
        %get3A_585 = arith.index_cast %add3A_582 : i32 to index
        %get3A_586 = arith.constant 112 : index
        %get3A_587 = tpu.vector_load %arg11[%get3A_584, %get3A_585, %get3A_586] {strides = array<i32>} : memref<2x40x128xf32, #tpu.memory_space<vmem>>, vector<1x1x16xf32>,
        %get3A_588 = vector.shape_cast %get3A_587 : vector<1x1x16xf32> to vector<16xf32>
        %add3A_589 = arith.addf %get3A_578, %get3A_588 : vector<16xf32>
        %max3A_590 = arith.constant 0.000000e+00 : f32
        %max3A_591 = vector.broadcast %max3A_590 : f32 to vector<16xf32>
        %max3A_592 = arith.maximumf %add3A_589, %max3A_591 : vector<16xf32>
        %swap3A_593 = arith.constant 0 : i32
        %swap3A_594 = arith.index_cast %swap3A_593 : i32 to index
        %swap3A_595 = arith.index_cast %add3A_386 : i32 to index
        %swap3A_596 = arith.constant 112 : index
        %swap3A_597 = tpu.vector_load %arg10[%swap3A_594, %swap3A_595, %swap3A_596] {strides = array<i32>} : memref<2x40x128xf32, #tpu.memory_space<vmem>>, vector<1x1x16xf32>,
        %swap3A_598 = vector.shape_cast %swap3A_597 : vector<1x1x16xf32> to vector<16xf32>
        %swap3A_599 = vector.shape_cast %max3A_592 : vector<16xf32> to vector<1x1x16xf32>
        tpu.vector_store %arg10[%swap3A_594, %swap3A_595, %swap3A_596], %swap3A_599 {strides = array<i32>} : memref<2x40x128xf32, #tpu.memory_space<vmem>>, vector<1x1x16xf32>,
        %mul3A_600 = arith.constant 2 : i32
        %mul3A_601 = arith.muli %mul3A_600, %scan3A_381 : i32
        %add3A_602 = arith.constant 1 : i32
        %add3A_603 = arith.addi %mul3A_601, %add3A_602 : i32
        %get3A_604 = arith.constant 0 : i32
        %get3A_605 = arith.index_cast %get3A_604 : i32 to index
        %get3A_606 = arith.index_cast %add3A_603 : i32 to index
        %get3A_607 = arith.constant 0 : index
        %get3A_608 = tpu.vector_load %arg10[%get3A_605, %get3A_606, %get3A_607] {strides = array<i32>} : memref<2x40x128xf32, #tpu.memory_space<vmem>>, vector<1x1x16xf32>,
        %get3A_609 = vector.shape_cast %get3A_608 : vector<1x1x16xf32> to vector<16xf32>
        %mul3A_610 = arith.constant 2 : i32
        %mul3A_611 = arith.muli %scan3A_381, %mul3A_610 : i32
        %add3A_612 = arith.constant 1 : i32
        %add3A_613 = arith.addi %mul3A_611, %add3A_612 : i32
        %get3A_614 = arith.constant 0 : i32
        %get3A_615 = arith.index_cast %get3A_614 : i32 to index
        %get3A_616 = arith.index_cast %add3A_613 : i32 to index
        %get3A_617 = arith.constant 0 : index
        %get3A_618 = tpu.vector_load %arg11[%get3A_615, %get3A_616, %get3A_617] {strides = array<i32>} : memref<2x40x128xf32, #tpu.memory_space<vmem>>, vector<1x1x16xf32>,
        %get3A_619 = vector.shape_cast %get3A_618 : vector<1x1x16xf32> to vector<16xf32>
        %add3A_620 = arith.addf %get3A_609, %get3A_619 : vector<16xf32>
        %max3A_621 = arith.constant 0.000000e+00 : f32
        %max3A_622 = vector.broadcast %max3A_621 : f32 to vector<16xf32>
        %max3A_623 = arith.maximumf %add3A_620, %max3A_622 : vector<16xf32>
        %swap3A_624 = arith.constant 0 : i32
        %swap3A_625 = arith.index_cast %swap3A_624 : i32 to index
        %swap3A_626 = arith.index_cast %add3A_603 : i32 to index
        %swap3A_627 = arith.constant 0 : index
        %swap3A_628 = tpu.vector_load %arg10[%swap3A_625, %swap3A_626, %swap3A_627] {strides = array<i32>} : memref<2x40x128xf32, #tpu.memory_space<vmem>>, vector<1x1x16xf32>,
        %swap3A_629 = vector.shape_cast %swap3A_628 : vector<1x1x16xf32> to vector<16xf32>
        %swap3A_630 = vector.shape_cast %max3A_623 : vector<16xf32> to vector<1x1x16xf32>
        tpu.vector_store %arg10[%swap3A_625, %swap3A_626, %swap3A_627], %swap3A_630 {strides = array<i32>} : memref<2x40x128xf32, #tpu.memory_space<vmem>>, vector<1x1x16xf32>,
        %get3A_631 = arith.constant 0 : i32
        %get3A_632 = arith.index_cast %get3A_631 : i32 to index
        %get3A_633 = arith.index_cast %add3A_603 : i32 to index
        %get3A_634 = arith.constant 16 : index
        %get3A_635 = tpu.vector_load %arg10[%get3A_632, %get3A_633, %get3A_634] {strides = array<i32>} : memref<2x40x128xf32, #tpu.memory_space<vmem>>, vector<1x1x16xf32>,
        %get3A_636 = vector.shape_cast %get3A_635 : vector<1x1x16xf32> to vector<16xf32>
        %mul3A_637 = arith.constant 2 : i32
        %mul3A_638 = arith.muli %scan3A_381, %mul3A_637 : i32
        %add3A_639 = arith.constant 1 : i32
        %add3A_640 = arith.addi %mul3A_638, %add3A_639 : i32
        %get3A_641 = arith.constant 0 : i32
        %get3A_642 = arith.index_cast %get3A_641 : i32 to index
        %get3A_643 = arith.index_cast %add3A_640 : i32 to index
        %get3A_644 = arith.constant 16 : index
        %get3A_645 = tpu.vector_load %arg11[%get3A_642, %get3A_643, %get3A_644] {strides = array<i32>} : memref<2x40x128xf32, #tpu.memory_space<vmem>>, vector<1x1x16xf32>,
        %get3A_646 = vector.shape_cast %get3A_645 : vector<1x1x16xf32> to vector<16xf32>
        %add3A_647 = arith.addf %get3A_636, %get3A_646 : vector<16xf32>
        %max3A_648 = arith.constant 0.000000e+00 : f32
        %max3A_649 = vector.broadcast %max3A_648 : f32 to vector<16xf32>
        %max3A_650 = arith.maximumf %add3A_647, %max3A_649 : vector<16xf32>
        %swap3A_651 = arith.constant 0 : i32
        %swap3A_652 = arith.index_cast %swap3A_651 : i32 to index
        %swap3A_653 = arith.index_cast %add3A_603 : i32 to index
        %swap3A_654 = arith.constant 16 : index
        %swap3A_655 = tpu.vector_load %arg10[%swap3A_652, %swap3A_653, %swap3A_654] {strides = array<i32>} : memref<2x40x128xf32, #tpu.memory_space<vmem>>, vector<1x1x16xf32>,
        %swap3A_656 = vector.shape_cast %swap3A_655 : vector<1x1x16xf32> to vector<16xf32>
        %swap3A_657 = vector.shape_cast %max3A_650 : vector<16xf32> to vector<1x1x16xf32>
        tpu.vector_store %arg10[%swap3A_652, %swap3A_653, %swap3A_654], %swap3A_657 {strides = array<i32>} : memref<2x40x128xf32, #tpu.memory_space<vmem>>, vector<1x1x16xf32>,
        %get3A_658 = arith.constant 0 : i32
        %get3A_659 = arith.index_cast %get3A_658 : i32 to index
        %get3A_660 = arith.index_cast %add3A_603 : i32 to index
        %get3A_661 = arith.constant 32 : index
        %get3A_662 = tpu.vector_load %arg10[%get3A_659, %get3A_660, %get3A_661] {strides = array<i32>} : memref<2x40x128xf32, #tpu.memory_space<vmem>>, vector<1x1x16xf32>,
        %get3A_663 = vector.shape_cast %get3A_662 : vector<1x1x16xf32> to vector<16xf32>
        %mul3A_664 = arith.constant 2 : i32
        %mul3A_665 = arith.muli %scan3A_381, %mul3A_664 : i32
        %add3A_666 = arith.constant 1 : i32
        %add3A_667 = arith.addi %mul3A_665, %add3A_666 : i32
        %get3A_668 = arith.constant 0 : i32
        %get3A_669 = arith.index_cast %get3A_668 : i32 to index
        %get3A_670 = arith.index_cast %add3A_667 : i32 to index
        %get3A_671 = arith.constant 32 : index
        %get3A_672 = tpu.vector_load %arg11[%get3A_669, %get3A_670, %get3A_671] {strides = array<i32>} : memref<2x40x128xf32, #tpu.memory_space<vmem>>, vector<1x1x16xf32>,
        %get3A_673 = vector.shape_cast %get3A_672 : vector<1x1x16xf32> to vector<16xf32>
        %add3A_674 = arith.addf %get3A_663, %get3A_673 : vector<16xf32>
        %max3A_675 = arith.constant 0.000000e+00 : f32
        %max3A_676 = vector.broadcast %max3A_675 : f32 to vector<16xf32>
        %max3A_677 = arith.maximumf %add3A_674, %max3A_676 : vector<16xf32>
        %swap3A_678 = arith.constant 0 : i32
        %swap3A_679 = arith.index_cast %swap3A_678 : i32 to index
        %swap3A_680 = arith.index_cast %add3A_603 : i32 to index
        %swap3A_681 = arith.constant 32 : index
        %swap3A_682 = tpu.vector_load %arg10[%swap3A_679, %swap3A_680, %swap3A_681] {strides = array<i32>} : memref<2x40x128xf32, #tpu.memory_space<vmem>>, vector<1x1x16xf32>,
        %swap3A_683 = vector.shape_cast %swap3A_682 : vector<1x1x16xf32> to vector<16xf32>
        %swap3A_684 = vector.shape_cast %max3A_677 : vector<16xf32> to vector<1x1x16xf32>
        tpu.vector_store %arg10[%swap3A_679, %swap3A_680, %swap3A_681], %swap3A_684 {strides = array<i32>} : memref<2x40x128xf32, #tpu.memory_space<vmem>>, vector<1x1x16xf32>,
        %get3A_685 = arith.constant 0 : i32
        %get3A_686 = arith.index_cast %get3A_685 : i32 to index
        %get3A_687 = arith.index_cast %add3A_603 : i32 to index
        %get3A_688 = arith.constant 48 : index
        %get3A_689 = tpu.vector_load %arg10[%get3A_686, %get3A_687, %get3A_688] {strides = array<i32>} : memref<2x40x128xf32, #tpu.memory_space<vmem>>, vector<1x1x16xf32>,
        %get3A_690 = vector.shape_cast %get3A_689 : vector<1x1x16xf32> to vector<16xf32>
        %mul3A_691 = arith.constant 2 : i32
        %mul3A_692 = arith.muli %scan3A_381, %mul3A_691 : i32
        %add3A_693 = arith.constant 1 : i32
        %add3A_694 = arith.addi %mul3A_692, %add3A_693 : i32
        %get3A_695 = arith.constant 0 : i32
        %get3A_696 = arith.index_cast %get3A_695 : i32 to index
        %get3A_697 = arith.index_cast %add3A_694 : i32 to index
        %get3A_698 = arith.constant 48 : index
        %get3A_699 = tpu.vector_load %arg11[%get3A_696, %get3A_697, %get3A_698] {strides = array<i32>} : memref<2x40x128xf32, #tpu.memory_space<vmem>>, vector<1x1x16xf32>,
        %get3A_700 = vector.shape_cast %get3A_699 : vector<1x1x16xf32> to vector<16xf32>
        %add3A_701 = arith.addf %get3A_690, %get3A_700 : vector<16xf32>
        %max3A_702 = arith.constant 0.000000e+00 : f32
        %max3A_703 = vector.broadcast %max3A_702 : f32 to vector<16xf32>
        %max3A_704 = arith.maximumf %add3A_701, %max3A_703 : vector<16xf32>
        %swap3A_705 = arith.constant 0 : i32
        %swap3A_706 = arith.index_cast %swap3A_705 : i32 to index
        %swap3A_707 = arith.index_cast %add3A_603 : i32 to index
        %swap3A_708 = arith.constant 48 : index
        %swap3A_709 = tpu.vector_load %arg10[%swap3A_706, %swap3A_707, %swap3A_708] {strides = array<i32>} : memref<2x40x128xf32, #tpu.memory_space<vmem>>, vector<1x1x16xf32>,
        %swap3A_710 = vector.shape_cast %swap3A_709 : vector<1x1x16xf32> to vector<16xf32>
        %swap3A_711 = vector.shape_cast %max3A_704 : vector<16xf32> to vector<1x1x16xf32>
        tpu.vector_store %arg10[%swap3A_706, %swap3A_707, %swap3A_708], %swap3A_711 {strides = array<i32>} : memref<2x40x128xf32, #tpu.memory_space<vmem>>, vector<1x1x16xf32>,
        %get3A_712 = arith.constant 0 : i32
        %get3A_713 = arith.index_cast %get3A_712 : i32 to index
        %get3A_714 = arith.index_cast %add3A_603 : i32 to index
        %get3A_715 = arith.constant 64 : index
        %get3A_716 = tpu.vector_load %arg10[%get3A_713, %get3A_714, %get3A_715] {strides = array<i32>} : memref<2x40x128xf32, #tpu.memory_space<vmem>>, vector<1x1x16xf32>,
        %get3A_717 = vector.shape_cast %get3A_716 : vector<1x1x16xf32> to vector<16xf32>
        %mul3A_718 = arith.constant 2 : i32
        %mul3A_719 = arith.muli %scan3A_381, %mul3A_718 : i32
        %add3A_720 = arith.constant 1 : i32
        %add3A_721 = arith.addi %mul3A_719, %add3A_720 : i32
        %get3A_722 = arith.constant 0 : i32
        %get3A_723 = arith.index_cast %get3A_722 : i32 to index
        %get3A_724 = arith.index_cast %add3A_721 : i32 to index
        %get3A_725 = arith.constant 64 : index
        %get3A_726 = tpu.vector_load %arg11[%get3A_723, %get3A_724, %get3A_725] {strides = array<i32>} : memref<2x40x128xf32, #tpu.memory_space<vmem>>, vector<1x1x16xf32>,
        %get3A_727 = vector.shape_cast %get3A_726 : vector<1x1x16xf32> to vector<16xf32>
        %add3A_728 = arith.addf %get3A_717, %get3A_727 : vector<16xf32>
        %max3A_729 = arith.constant 0.000000e+00 : f32
        %max3A_730 = vector.broadcast %max3A_729 : f32 to vector<16xf32>
        %max3A_731 = arith.maximumf %add3A_728, %max3A_730 : vector<16xf32>
        %swap3A_732 = arith.constant 0 : i32
        %swap3A_733 = arith.index_cast %swap3A_732 : i32 to index
        %swap3A_734 = arith.index_cast %add3A_603 : i32 to index
        %swap3A_735 = arith.constant 64 : index
        %swap3A_736 = tpu.vector_load %arg10[%swap3A_733, %swap3A_734, %swap3A_735] {strides = array<i32>} : memref<2x40x128xf32, #tpu.memory_space<vmem>>, vector<1x1x16xf32>,
        %swap3A_737 = vector.shape_cast %swap3A_736 : vector<1x1x16xf32> to vector<16xf32>
        %swap3A_738 = vector.shape_cast %max3A_731 : vector<16xf32> to vector<1x1x16xf32>
        tpu.vector_store %arg10[%swap3A_733, %swap3A_734, %swap3A_735], %swap3A_738 {strides = array<i32>} : memref<2x40x128xf32, #tpu.memory_space<vmem>>, vector<1x1x16xf32>,
        %get3A_739 = arith.constant 0 : i32
        %get3A_740 = arith.index_cast %get3A_739 : i32 to index
        %get3A_741 = arith.index_cast %add3A_603 : i32 to index
        %get3A_742 = arith.constant 80 : index
        %get3A_743 = tpu.vector_load %arg10[%get3A_740, %get3A_741, %get3A_742] {strides = array<i32>} : memref<2x40x128xf32, #tpu.memory_space<vmem>>, vector<1x1x16xf32>,
        %get3A_744 = vector.shape_cast %get3A_743 : vector<1x1x16xf32> to vector<16xf32>
        %mul3A_745 = arith.constant 2 : i32
        %mul3A_746 = arith.muli %scan3A_381, %mul3A_745 : i32
        %add3A_747 = arith.constant 1 : i32
        %add3A_748 = arith.addi %mul3A_746, %add3A_747 : i32
        %get3A_749 = arith.constant 0 : i32
        %get3A_750 = arith.index_cast %get3A_749 : i32 to index
        %get3A_751 = arith.index_cast %add3A_748 : i32 to index
        %get3A_752 = arith.constant 80 : index
        %get3A_753 = tpu.vector_load %arg11[%get3A_750, %get3A_751, %get3A_752] {strides = array<i32>} : memref<2x40x128xf32, #tpu.memory_space<vmem>>, vector<1x1x16xf32>,
        %get3A_754 = vector.shape_cast %get3A_753 : vector<1x1x16xf32> to vector<16xf32>
        %add3A_755 = arith.addf %get3A_744, %get3A_754 : vector<16xf32>
        %max3A_756 = arith.constant 0.000000e+00 : f32
        %max3A_757 = vector.broadcast %max3A_756 : f32 to vector<16xf32>
        %max3A_758 = arith.maximumf %add3A_755, %max3A_757 : vector<16xf32>
        %swap3A_759 = arith.constant 0 : i32
        %swap3A_760 = arith.index_cast %swap3A_759 : i32 to index
        %swap3A_761 = arith.index_cast %add3A_603 : i32 to index
        %swap3A_762 = arith.constant 80 : index
        %swap3A_763 = tpu.vector_load %arg10[%swap3A_760, %swap3A_761, %swap3A_762] {strides = array<i32>} : memref<2x40x128xf32, #tpu.memory_space<vmem>>, vector<1x1x16xf32>,
        %swap3A_764 = vector.shape_cast %swap3A_763 : vector<1x1x16xf32> to vector<16xf32>
        %swap3A_765 = vector.shape_cast %max3A_758 : vector<16xf32> to vector<1x1x16xf32>
        tpu.vector_store %arg10[%swap3A_760, %swap3A_761, %swap3A_762], %swap3A_765 {strides = array<i32>} : memref<2x40x128xf32, #tpu.memory_space<vmem>>, vector<1x1x16xf32>,
        %get3A_766 = arith.constant 0 : i32
        %get3A_767 = arith.index_cast %get3A_766 : i32 to index
        %get3A_768 = arith.index_cast %add3A_603 : i32 to index
        %get3A_769 = arith.constant 96 : index
        %get3A_770 = tpu.vector_load %arg10[%get3A_767, %get3A_768, %get3A_769] {strides = array<i32>} : memref<2x40x128xf32, #tpu.memory_space<vmem>>, vector<1x1x16xf32>,
        %get3A_771 = vector.shape_cast %get3A_770 : vector<1x1x16xf32> to vector<16xf32>
        %mul3A_772 = arith.constant 2 : i32
        %mul3A_773 = arith.muli %scan3A_381, %mul3A_772 : i32
        %add3A_774 = arith.constant 1 : i32
        %add3A_775 = arith.addi %mul3A_773, %add3A_774 : i32
        %get3A_776 = arith.constant 0 : i32
        %get3A_777 = arith.index_cast %get3A_776 : i32 to index
        %get3A_778 = arith.index_cast %add3A_775 : i32 to index
        %get3A_779 = arith.constant 96 : index
        %get3A_780 = tpu.vector_load %arg11[%get3A_777, %get3A_778, %get3A_779] {strides = array<i32>} : memref<2x40x128xf32, #tpu.memory_space<vmem>>, vector<1x1x16xf32>,
        %get3A_781 = vector.shape_cast %get3A_780 : vector<1x1x16xf32> to vector<16xf32>
        %add3A_782 = arith.addf %get3A_771, %get3A_781 : vector<16xf32>
        %max3A_783 = arith.constant 0.000000e+00 : f32
        %max3A_784 = vector.broadcast %max3A_783 : f32 to vector<16xf32>
        %max3A_785 = arith.maximumf %add3A_782, %max3A_784 : vector<16xf32>
        %swap3A_786 = arith.constant 0 : i32
        %swap3A_787 = arith.index_cast %swap3A_786 : i32 to index
        %swap3A_788 = arith.index_cast %add3A_603 : i32 to index
        %swap3A_789 = arith.constant 96 : index
        %swap3A_790 = tpu.vector_load %arg10[%swap3A_787, %swap3A_788, %swap3A_789] {strides = array<i32>} : memref<2x40x128xf32, #tpu.memory_space<vmem>>, vector<1x1x16xf32>,
        %swap3A_791 = vector.shape_cast %swap3A_790 : vector<1x1x16xf32> to vector<16xf32>
        %swap3A_792 = vector.shape_cast %max3A_785 : vector<16xf32> to vector<1x1x16xf32>
        tpu.vector_store %arg10[%swap3A_787, %swap3A_788, %swap3A_789], %swap3A_792 {strides = array<i32>} : memref<2x40x128xf32, #tpu.memory_space<vmem>>, vector<1x1x16xf32>,
        %get3A_793 = arith.constant 0 : i32
        %get3A_794 = arith.index_cast %get3A_793 : i32 to index
        %get3A_795 = arith.index_cast %add3A_603 : i32 to index
        %get3A_796 = arith.constant 112 : index
        %get3A_797 = tpu.vector_load %arg10[%get3A_794, %get3A_795, %get3A_796] {strides = array<i32>} : memref<2x40x128xf32, #tpu.memory_space<vmem>>, vector<1x1x16xf32>,
        %get3A_798 = vector.shape_cast %get3A_797 : vector<1x1x16xf32> to vector<16xf32>
        %mul3A_799 = arith.constant 2 : i32
        %mul3A_800 = arith.muli %scan3A_381, %mul3A_799 : i32
        %add3A_801 = arith.constant 1 : i32
        %add3A_802 = arith.addi %mul3A_800, %add3A_801 : i32
        %get3A_803 = arith.constant 0 : i32
        %get3A_804 = arith.index_cast %get3A_803 : i32 to index
        %get3A_805 = arith.index_cast %add3A_802 : i32 to index
        %get3A_806 = arith.constant 112 : index
        %get3A_807 = tpu.vector_load %arg11[%get3A_804, %get3A_805, %get3A_806] {strides = array<i32>} : memref<2x40x128xf32, #tpu.memory_space<vmem>>, vector<1x1x16xf32>,
        %get3A_808 = vector.shape_cast %get3A_807 : vector<1x1x16xf32> to vector<16xf32>
        %add3A_809 = arith.addf %get3A_798, %get3A_808 : vector<16xf32>
        %max3A_810 = arith.constant 0.000000e+00 : f32
        %max3A_811 = vector.broadcast %max3A_810 : f32 to vector<16xf32>
        %max3A_812 = arith.maximumf %add3A_809, %max3A_811 : vector<16xf32>
        %swap3A_813 = arith.constant 0 : i32
        %swap3A_814 = arith.index_cast %swap3A_813 : i32 to index
        %swap3A_815 = arith.index_cast %add3A_603 : i32 to index
        %swap3A_816 = arith.constant 112 : index
        %swap3A_817 = tpu.vector_load %arg10[%swap3A_814, %swap3A_815, %swap3A_816] {strides = array<i32>} : memref<2x40x128xf32, #tpu.memory_space<vmem>>, vector<1x1x16xf32>,
        %swap3A_818 = vector.shape_cast %swap3A_817 : vector<1x1x16xf32> to vector<16xf32>
        %swap3A_819 = vector.shape_cast %max3A_812 : vector<16xf32> to vector<1x1x16xf32>
        tpu.vector_store %arg10[%swap3A_814, %swap3A_815, %swap3A_816], %swap3A_819 {strides = array<i32>} : memref<2x40x128xf32, #tpu.memory_space<vmem>>, vector<1x1x16xf32>,
        %scan3A_820 = arith.constant 0 : i32
        scf.yield %scan3A_820 : i32
      }
      %scan3A_325 = arith.constant 20 : i32
      %run_scoped3A_326 = arith.constant 0 : i32
      "tpu.region"() ({
        %run_scoped3A_381 = tpu.sem_alloc : memref<!tpu.dma_semaphore, #tpu.memory_space<semaphore_mem>>
        %dma_start3A_382 = arith.constant 0 : i32
        %dma_start3A_383 = arith.constant 0 : i32
        %dma_start3A_384 = tpu.memref_slice %arg10[%run_scoped3A_326, %dma_start3A_382, %dma_start3A_383] : memref<2x40x128xf32, #tpu.memory_space<vmem>> -> memref<1x40x128xf32, #tpu.memory_space<vmem>>
        %dma_start3A_385 = tpu.memref_squeeze %dma_start3A_384 : memref<1x40x128xf32, #tpu.memory_space<vmem>> -> memref<40x128xf32, #tpu.memory_space<vmem>>
        %dma_start3A_386 = arith.constant 0 : i32
        %dma_start3A_387 = tpu.memref_slice %arg9[%add3A_289, %dma_start3A_386] : memref<250x40xi32, #tpu.memory_space<vmem>> -> memref<1x40xi32, #tpu.memory_space<vmem>>
        %dma_start3A_388 = tpu.memref_squeeze %dma_start3A_387 : memref<1x40xi32, #tpu.memory_space<vmem>> -> memref<40xi32, #tpu.memory_space<vmem>>
        %dma_start3A_389 = arith.constant 0 : i32
        %dma_start3A_390 = arith.constant 0 : i32
        %dma_start3A_391 = tpu.memref_slice %arg18[%dma_start3A_389, %dma_start3A_390] : memref<10240x128xf32, #tpu.memory_space<vmem_shared>> -> memref<10240x128xf32, #tpu.memory_space<vmem_shared>>
        tpu.enqueue_indirect_dma source(%dma_start3A_385 : memref<40x128xf32, #tpu.memory_space<vmem>>) target(%dma_start3A_391 : memref<10240x128xf32, #tpu.memory_space<vmem_shared>>) offsets(%dma_start3A_388 : memref<40xi32, #tpu.memory_space<vmem>>) semaphore(%run_scoped3A_381 : memref<!tpu.dma_semaphore, #tpu.memory_space<semaphore_mem>>) {add = true}
        %dma_wait3A_392 = arith.constant 0 : i32
        %dma_wait3A_393 = arith.constant 0 : i32
        %dma_wait3A_394 = tpu.memref_slice %arg10[%run_scoped3A_326, %dma_wait3A_392, %dma_wait3A_393] : memref<2x40x128xf32, #tpu.memory_space<vmem>> -> memref<1x40x128xf32, #tpu.memory_space<vmem>>
        %dma_wait3A_395 = tpu.memref_squeeze %dma_wait3A_394 : memref<1x40x128xf32, #tpu.memory_space<vmem>> -> memref<40x128xf32, #tpu.memory_space<vmem>>
        %dma_wait3A_396 = arith.constant 0 : i32
        %dma_wait3A_397 = tpu.memref_slice %arg9[%add3A_289, %dma_wait3A_396] : memref<250x40xi32, #tpu.memory_space<vmem>> -> memref<1x40xi32, #tpu.memory_space<vmem>>
        %dma_wait3A_398 = tpu.memref_squeeze %dma_wait3A_397 : memref<1x40xi32, #tpu.memory_space<vmem>> -> memref<40xi32, #tpu.memory_space<vmem>>
        %dma_wait3A_399 = arith.constant 0 : i32
        %dma_wait3A_400 = arith.constant 0 : i32
        %dma_wait3A_401 = tpu.memref_slice %arg18[%dma_wait3A_399, %dma_wait3A_400] : memref<10240x128xf32, #tpu.memory_space<vmem_shared>> -> memref<10240x128xf32, #tpu.memory_space<vmem_shared>>
        tpu.wait_indirect_dma semaphore(%run_scoped3A_381 : memref<!tpu.dma_semaphore, #tpu.memory_space<semaphore_mem>>) src(%dma_wait3A_395 : memref<40x128xf32, #tpu.memory_space<vmem>>) dst(%dma_wait3A_401 : memref<10240x128xf32, #tpu.memory_space<vmem_shared>>)
        tpu.yield
      }) : () -> ()
      "tpu.region"() ({
        %run_scoped3A_381 = tpu.sem_alloc : memref<!tpu.dma_semaphore, #tpu.memory_space<semaphore_mem>>
        %dma_start3A_382 = arith.constant 0 : i32
        %dma_start3A_383 = tpu.memref_slice %arg9[%add3A_289, %dma_start3A_382] : memref<250x40xi32, #tpu.memory_space<vmem>> -> memref<1x40xi32, #tpu.memory_space<vmem>>
        %dma_start3A_384 = tpu.memref_squeeze %dma_start3A_383 : memref<1x40xi32, #tpu.memory_space<vmem>> -> memref<40xi32, #tpu.memory_space<vmem>>
        %dma_start3A_385 = arith.constant 0 : i32
        %dma_start3A_386 = arith.constant 0 : i32
        %dma_start3A_387 = tpu.memref_slice %arg19[%dma_start3A_385, %dma_start3A_386] : memref<10240x8xf32, #tpu.memory_space<vmem_shared>> -> memref<10240x8xf32, #tpu.memory_space<vmem_shared>>
        tpu.enqueue_indirect_dma source(%arg13 : memref<40x8xf32, #tpu.memory_space<vmem>>) target(%dma_start3A_387 : memref<10240x8xf32, #tpu.memory_space<vmem_shared>>) offsets(%dma_start3A_384 : memref<40xi32, #tpu.memory_space<vmem>>) semaphore(%run_scoped3A_381 : memref<!tpu.dma_semaphore, #tpu.memory_space<semaphore_mem>>) {add = true}
        %dma_wait3A_388 = arith.constant 0 : i32
        %dma_wait3A_389 = tpu.memref_slice %arg9[%add3A_289, %dma_wait3A_388] : memref<250x40xi32, #tpu.memory_space<vmem>> -> memref<1x40xi32, #tpu.memory_space<vmem>>
        %dma_wait3A_390 = tpu.memref_squeeze %dma_wait3A_389 : memref<1x40xi32, #tpu.memory_space<vmem>> -> memref<40xi32, #tpu.memory_space<vmem>>
        %dma_wait3A_391 = arith.constant 0 : i32
        %dma_wait3A_392 = arith.constant 0 : i32
        %dma_wait3A_393 = tpu.memref_slice %arg19[%dma_wait3A_391, %dma_wait3A_392] : memref<10240x8xf32, #tpu.memory_space<vmem_shared>> -> memref<10240x8xf32, #tpu.memory_space<vmem_shared>>
        tpu.wait_indirect_dma semaphore(%run_scoped3A_381 : memref<!tpu.dma_semaphore, #tpu.memory_space<semaphore_mem>>) src(%arg13 : memref<40x8xf32, #tpu.memory_space<vmem>>) dst(%dma_wait3A_393 : memref<10240x8xf32, #tpu.memory_space<vmem_shared>>)
        tpu.yield
      }) : () -> ()
      %add3A_327 = arith.constant 2 : i32
      %add3A_328 = arith.addi %add3A_289, %add3A_327 : i32
      %lt3A = arith.constant 250 : i32
      %lt3A_329 = arith.cmpi slt, %add3A_328, %lt3A : i32
      %convert_element_type3A = arith.extui %lt3A_329 : i1 to i32
      %cond3A = arith.constant 0 : i32
      %cond3A_330 = arith.cmpi ne, %convert_element_type3A, %cond3A : i32
      scf.if %cond3A_330 {
        %add3A_381 = arith.constant 2 : i32
        %add3A_382 = arith.addi %add3A_289, %add3A_381 : i32
        %mul3A_383 = arith.constant 40 : i32
        %mul3A_384 = arith.muli %add3A_382, %mul3A_383 : i32
        %dma_start3A_385 = arith.constant 0 : i32
        %dma_start3A_386 = arith.constant 0 : i32
        %dma_start3A_387 = arith.constant 0 : i32
        %dma_start3A_388 = tpu.memref_slice %arg10[%dma_start3A_385, %dma_start3A_386, %dma_start3A_387] : memref<2x40x128xf32, #tpu.memory_space<vmem>> -> memref<1x40x128xf32, #tpu.memory_space<vmem>>
        %dma_start3A_389 = tpu.memref_squeeze %dma_start3A_388 : memref<1x40x128xf32, #tpu.memory_space<vmem>> -> memref<40x128xf32, #tpu.memory_space<vmem>>
        %dma_start3A_390 = tpu.memref_slice %arg8[%mul3A_384] : memref<10000xi32, #tpu.memory_space<vmem>> -> memref<40xi32, #tpu.memory_space<vmem>>
        %dma_start3A_391 = arith.constant 0 : i32
        %dma_start3A_392 = arith.constant 0 : i32
        %dma_start3A_393 = tpu.memref_slice %arg2[%dma_start3A_391, %dma_start3A_392] : memref<10000x128xf32, #tpu.memory_space<hbm>> -> memref<10000x128xf32, #tpu.memory_space<hbm>>
        tpu.enqueue_indirect_dma source(%dma_start3A_393 : memref<10000x128xf32, #tpu.memory_space<hbm>>) target(%dma_start3A_389 : memref<40x128xf32, #tpu.memory_space<vmem>>) offsets(%dma_start3A_390 : memref<40xi32, #tpu.memory_space<vmem>>) semaphore(%arg14 : memref<!tpu.dma_semaphore, #tpu.memory_space<semaphore_mem>>)
        %mul3A_394 = arith.constant 40 : i32
        %mul3A_395 = arith.muli %add3A_382, %mul3A_394 : i32
        %add3A_396 = arith.addi %add3A_158, %mul3A_395 : i32
        %dma_start3A_397 = arith.constant 0 : i32
        %dma_start3A_398 = arith.constant 0 : i32
        %dma_start3A_399 = arith.constant 0 : i32
        %dma_start3A_400 = tpu.memref_slice %arg11[%dma_start3A_397, %dma_start3A_398, %dma_start3A_399] : memref<2x40x128xf32, #tpu.memory_space<vmem>> -> memref<1x40x128xf32, #tpu.memory_space<vmem>>
        %dma_start3A_401 = tpu.memref_squeeze %dma_start3A_400 : memref<1x40x128xf32, #tpu.memory_space<vmem>> -> memref<40x128xf32, #tpu.memory_space<vmem>>
        %dma_start3A_402 = arith.constant 0 : i32
        %dma_start3A_403 = tpu.memref_slice %arg3[%add3A_396, %dma_start3A_402] : memref<320000x128xf32, #tpu.memory_space<hbm>> -> memref<40x128xf32, #tpu.memory_space<hbm>>
        %dma_start3A_404 = arith.constant 0 : i32
        %dma_start3A_405 = arith.constant 0 : i32
        %dma_start3A_406 = tpu.memref_slice %arg11[%dma_start3A_397, %dma_start3A_404, %dma_start3A_405] : memref<2x40x128xf32, #tpu.memory_space<vmem>> -> memref<1x40x128xf32, #tpu.memory_space<vmem>>
        %dma_start3A_407 = tpu.memref_squeeze %dma_start3A_406 : memref<1x40x128xf32, #tpu.memory_space<vmem>> -> memref<40x128xf32, #tpu.memory_space<vmem>>
        %dma_start3A_408 = arith.constant 0 : i32
        %dma_start3A_409 = tpu.memref_slice %arg3[%add3A_396, %dma_start3A_408] : memref<320000x128xf32, #tpu.memory_space<hbm>> -> memref<40x128xf32, #tpu.memory_space<hbm>>
        tpu.enqueue_dma source(%dma_start3A_409 : memref<40x128xf32, #tpu.memory_space<hbm>>) target(%dma_start3A_407 : memref<40x128xf32, #tpu.memory_space<vmem>>) target_semaphore(%arg16 : memref<!tpu.dma_semaphore, #tpu.memory_space<semaphore_mem>>)
      } else {
      }
      %mul3A_331 = arith.constant 2 : i32
      %mul3A_332 = arith.muli %mul3A_331, %scan3A_284 : i32
      %add3A_333 = arith.constant 1 : i32
      %add3A_334 = arith.addi %mul3A_332, %add3A_333 : i32
      %dma_wait3A_335 = arith.constant 1 : i32
      %dma_wait3A_336 = arith.constant 0 : i32
      %dma_wait3A_337 = arith.constant 0 : i32
      %dma_wait3A_338 = tpu.memref_slice %arg10[%dma_wait3A_335, %dma_wait3A_336, %dma_wait3A_337] : memref<2x40x128xf32, #tpu.memory_space<vmem>> -> memref<1x40x128xf32, #tpu.memory_space<vmem>>
      %dma_wait3A_339 = tpu.memref_squeeze %dma_wait3A_338 : memref<1x40x128xf32, #tpu.memory_space<vmem>> -> memref<40x128xf32, #tpu.memory_space<vmem>>
      %dma_wait3A_340 = arith.constant 0 : i32
      %dma_wait3A_341 = arith.constant 0 : i32
      %dma_wait3A_342 = tpu.memref_slice %arg2[%dma_wait3A_340, %dma_wait3A_341] : memref<10000x128xf32, #tpu.memory_space<hbm>> -> memref<40x128xf32, #tpu.memory_space<hbm>>
      %dma_wait3A_343 = arith.constant 0 : i32
      %dma_wait3A_344 = arith.constant 0 : i32
      %dma_wait3A_345 = tpu.memref_slice %arg10[%dma_wait3A_335, %dma_wait3A_343, %dma_wait3A_344] : memref<2x40x128xf32, #tpu.memory_space<vmem>> -> memref<1x40x128xf32, #tpu.memory_space<vmem>>
      %dma_wait3A_346 = tpu.memref_squeeze %dma_wait3A_345 : memref<1x40x128xf32, #tpu.memory_space<vmem>> -> memref<40x128xf32, #tpu.memory_space<vmem>>
      %dma_wait3A_347 = arith.constant 0 : i32
      %dma_wait3A_348 = arith.constant 0 : i32
      %dma_wait3A_349 = tpu.memref_slice %arg2[%dma_wait3A_347, %dma_wait3A_348] : memref<10000x128xf32, #tpu.memory_space<hbm>> -> memref<40x128xf32, #tpu.memory_space<hbm>>
      tpu.wait_dma2 semaphore(%arg15 : memref<!tpu.dma_semaphore, #tpu.memory_space<semaphore_mem>>) src(%dma_wait3A_349 : memref<40x128xf32, #tpu.memory_space<hbm>>) dst(%dma_wait3A_346 : memref<40x128xf32, #tpu.memory_space<vmem>>)
      %dma_wait3A_350 = arith.constant 1 : i32
      %dma_wait3A_351 = arith.constant 0 : i32
      %dma_wait3A_352 = arith.constant 0 : i32
      %dma_wait3A_353 = tpu.memref_slice %arg11[%dma_wait3A_350, %dma_wait3A_351, %dma_wait3A_352] : memref<2x40x128xf32, #tpu.memory_space<vmem>> -> memref<1x40x128xf32, #tpu.memory_space<vmem>>
      %dma_wait3A_354 = tpu.memref_squeeze %dma_wait3A_353 : memref<1x40x128xf32, #tpu.memory_space<vmem>> -> memref<40x128xf32, #tpu.memory_space<vmem>>
      %dma_wait3A_355 = arith.constant 0 : i32
      %dma_wait3A_356 = arith.constant 0 : i32
      %dma_wait3A_357 = tpu.memref_slice %arg3[%dma_wait3A_355, %dma_wait3A_356] : memref<320000x128xf32, #tpu.memory_space<hbm>> -> memref<40x128xf32, #tpu.memory_space<hbm>>
      %dma_wait3A_358 = arith.constant 0 : i32
      %dma_wait3A_359 = arith.constant 0 : i32
      %dma_wait3A_360 = tpu.memref_slice %arg11[%dma_wait3A_350, %dma_wait3A_358, %dma_wait3A_359] : memref<2x40x128xf32, #tpu.memory_space<vmem>> -> memref<1x40x128xf32, #tpu.memory_space<vmem>>
      %dma_wait3A_361 = tpu.memref_squeeze %dma_wait3A_360 : memref<1x40x128xf32, #tpu.memory_space<vmem>> -> memref<40x128xf32, #tpu.memory_space<vmem>>
      %dma_wait3A_362 = arith.constant 0 : i32
      %dma_wait3A_363 = arith.constant 0 : i32
      %dma_wait3A_364 = tpu.memref_slice %arg3[%dma_wait3A_362, %dma_wait3A_363] : memref<320000x128xf32, #tpu.memory_space<hbm>> -> memref<40x128xf32, #tpu.memory_space<hbm>>
      tpu.wait_dma2 semaphore(%arg17 : memref<!tpu.dma_semaphore, #tpu.memory_space<semaphore_mem>>) src(%dma_wait3A_364 : memref<40x128xf32, #tpu.memory_space<hbm>>) dst(%dma_wait3A_361 : memref<40x128xf32, #tpu.memory_space<vmem>>)
      %scan3A_365 = arith.constant 0 : i32
      %scan3A_366 = arith.constant 0 : i32
      %scan3A_367 = arith.constant 20 : i32
      %scan3A_368 = arith.addi %scan3A_366, %scan3A_367 : i32
      %scan3A_369 = arith.constant 1 : i32
      %scan3A_370 = scf.for %scan3A_381 = %scan3A_366 to %scan3A_368 step %scan3A_369 iter_args(%scan3A_382 = %scan3A_365) -> (i32)  : i32 {
        %mul3A_383 = arith.constant 2 : i32
        %mul3A_384 = arith.muli %mul3A_383, %scan3A_381 : i32
        %add3A_385 = arith.constant 0 : i32
        %add3A_386 = arith.addi %mul3A_384, %add3A_385 : i32
        %get3A = arith.constant 1 : i32
        %get3A_387 = arith.index_cast %get3A : i32 to index
        %get3A_388 = arith.index_cast %add3A_386 : i32 to index
        %get3A_389 = arith.constant 0 : index
        %get3A_390 = tpu.vector_load %arg10[%get3A_387, %get3A_388, %get3A_389] {strides = array<i32>} : memref<2x40x128xf32, #tpu.memory_space<vmem>>, vector<1x1x16xf32>,
        %get3A_391 = vector.shape_cast %get3A_390 : vector<1x1x16xf32> to vector<16xf32>
        %mul3A_392 = arith.constant 2 : i32
        %mul3A_393 = arith.muli %scan3A_381, %mul3A_392 : i32
        %add3A_394 = arith.constant 0 : i32
        %add3A_395 = arith.addi %mul3A_393, %add3A_394 : i32
        %get3A_396 = arith.constant 1 : i32
        %get3A_397 = arith.index_cast %get3A_396 : i32 to index
        %get3A_398 = arith.index_cast %add3A_395 : i32 to index
        %get3A_399 = arith.constant 0 : index
        %get3A_400 = tpu.vector_load %arg11[%get3A_397, %get3A_398, %get3A_399] {strides = array<i32>} : memref<2x40x128xf32, #tpu.memory_space<vmem>>, vector<1x1x16xf32>,
        %get3A_401 = vector.shape_cast %get3A_400 : vector<1x1x16xf32> to vector<16xf32>
        %add3A_402 = arith.addf %get3A_391, %get3A_401 : vector<16xf32>
        %max3A = arith.constant 0.000000e+00 : f32
        %max3A_403 = vector.broadcast %max3A : f32 to vector<16xf32>
        %max3A_404 = arith.maximumf %add3A_402, %max3A_403 : vector<16xf32>
        %swap3A = arith.constant 1 : i32
        %swap3A_405 = arith.index_cast %swap3A : i32 to index
        %swap3A_406 = arith.index_cast %add3A_386 : i32 to index
        %swap3A_407 = arith.constant 0 : index
        %swap3A_408 = tpu.vector_load %arg10[%swap3A_405, %swap3A_406, %swap3A_407] {strides = array<i32>} : memref<2x40x128xf32, #tpu.memory_space<vmem>>, vector<1x1x16xf32>,
        %swap3A_409 = vector.shape_cast %swap3A_408 : vector<1x1x16xf32> to vector<16xf32>
        %swap3A_410 = vector.shape_cast %max3A_404 : vector<16xf32> to vector<1x1x16xf32>
        tpu.vector_store %arg10[%swap3A_405, %swap3A_406, %swap3A_407], %swap3A_410 {strides = array<i32>} : memref<2x40x128xf32, #tpu.memory_space<vmem>>, vector<1x1x16xf32>,
        %get3A_411 = arith.constant 1 : i32
        %get3A_412 = arith.index_cast %get3A_411 : i32 to index
        %get3A_413 = arith.index_cast %add3A_386 : i32 to index
        %get3A_414 = arith.constant 16 : index
        %get3A_415 = tpu.vector_load %arg10[%get3A_412, %get3A_413, %get3A_414] {strides = array<i32>} : memref<2x40x128xf32, #tpu.memory_space<vmem>>, vector<1x1x16xf32>,
        %get3A_416 = vector.shape_cast %get3A_415 : vector<1x1x16xf32> to vector<16xf32>
        %mul3A_417 = arith.constant 2 : i32
        %mul3A_418 = arith.muli %scan3A_381, %mul3A_417 : i32
        %add3A_419 = arith.constant 0 : i32
        %add3A_420 = arith.addi %mul3A_418, %add3A_419 : i32
        %get3A_421 = arith.constant 1 : i32
        %get3A_422 = arith.index_cast %get3A_421 : i32 to index
        %get3A_423 = arith.index_cast %add3A_420 : i32 to index
        %get3A_424 = arith.constant 16 : index
        %get3A_425 = tpu.vector_load %arg11[%get3A_422, %get3A_423, %get3A_424] {strides = array<i32>} : memref<2x40x128xf32, #tpu.memory_space<vmem>>, vector<1x1x16xf32>,
        %get3A_426 = vector.shape_cast %get3A_425 : vector<1x1x16xf32> to vector<16xf32>
        %add3A_427 = arith.addf %get3A_416, %get3A_426 : vector<16xf32>
        %max3A_428 = arith.constant 0.000000e+00 : f32
        %max3A_429 = vector.broadcast %max3A_428 : f32 to vector<16xf32>
        %max3A_430 = arith.maximumf %add3A_427, %max3A_429 : vector<16xf32>
        %swap3A_431 = arith.constant 1 : i32
        %swap3A_432 = arith.index_cast %swap3A_431 : i32 to index
        %swap3A_433 = arith.index_cast %add3A_386 : i32 to index
        %swap3A_434 = arith.constant 16 : index
        %swap3A_435 = tpu.vector_load %arg10[%swap3A_432, %swap3A_433, %swap3A_434] {strides = array<i32>} : memref<2x40x128xf32, #tpu.memory_space<vmem>>, vector<1x1x16xf32>,
        %swap3A_436 = vector.shape_cast %swap3A_435 : vector<1x1x16xf32> to vector<16xf32>
        %swap3A_437 = vector.shape_cast %max3A_430 : vector<16xf32> to vector<1x1x16xf32>
        tpu.vector_store %arg10[%swap3A_432, %swap3A_433, %swap3A_434], %swap3A_437 {strides = array<i32>} : memref<2x40x128xf32, #tpu.memory_space<vmem>>, vector<1x1x16xf32>,
        %get3A_438 = arith.constant 1 : i32
        %get3A_439 = arith.index_cast %get3A_438 : i32 to index
        %get3A_440 = arith.index_cast %add3A_386 : i32 to index
        %get3A_441 = arith.constant 32 : index
        %get3A_442 = tpu.vector_load %arg10[%get3A_439, %get3A_440, %get3A_441] {strides = array<i32>} : memref<2x40x128xf32, #tpu.memory_space<vmem>>, vector<1x1x16xf32>,
        %get3A_443 = vector.shape_cast %get3A_442 : vector<1x1x16xf32> to vector<16xf32>
        %mul3A_444 = arith.constant 2 : i32
        %mul3A_445 = arith.muli %scan3A_381, %mul3A_444 : i32
        %add3A_446 = arith.constant 0 : i32
        %add3A_447 = arith.addi %mul3A_445, %add3A_446 : i32
        %get3A_448 = arith.constant 1 : i32
        %get3A_449 = arith.index_cast %get3A_448 : i32 to index
        %get3A_450 = arith.index_cast %add3A_447 : i32 to index
        %get3A_451 = arith.constant 32 : index
        %get3A_452 = tpu.vector_load %arg11[%get3A_449, %get3A_450, %get3A_451] {strides = array<i32>} : memref<2x40x128xf32, #tpu.memory_space<vmem>>, vector<1x1x16xf32>,
        %get3A_453 = vector.shape_cast %get3A_452 : vector<1x1x16xf32> to vector<16xf32>
        %add3A_454 = arith.addf %get3A_443, %get3A_453 : vector<16xf32>
        %max3A_455 = arith.constant 0.000000e+00 : f32
        %max3A_456 = vector.broadcast %max3A_455 : f32 to vector<16xf32>
        %max3A_457 = arith.maximumf %add3A_454, %max3A_456 : vector<16xf32>
        %swap3A_458 = arith.constant 1 : i32
        %swap3A_459 = arith.index_cast %swap3A_458 : i32 to index
        %swap3A_460 = arith.index_cast %add3A_386 : i32 to index
        %swap3A_461 = arith.constant 32 : index
        %swap3A_462 = tpu.vector_load %arg10[%swap3A_459, %swap3A_460, %swap3A_461] {strides = array<i32>} : memref<2x40x128xf32, #tpu.memory_space<vmem>>, vector<1x1x16xf32>,
        %swap3A_463 = vector.shape_cast %swap3A_462 : vector<1x1x16xf32> to vector<16xf32>
        %swap3A_464 = vector.shape_cast %max3A_457 : vector<16xf32> to vector<1x1x16xf32>
        tpu.vector_store %arg10[%swap3A_459, %swap3A_460, %swap3A_461], %swap3A_464 {strides = array<i32>} : memref<2x40x128xf32, #tpu.memory_space<vmem>>, vector<1x1x16xf32>,
        %get3A_465 = arith.constant 1 : i32
        %get3A_466 = arith.index_cast %get3A_465 : i32 to index
        %get3A_467 = arith.index_cast %add3A_386 : i32 to index
        %get3A_468 = arith.constant 48 : index
        %get3A_469 = tpu.vector_load %arg10[%get3A_466, %get3A_467, %get3A_468] {strides = array<i32>} : memref<2x40x128xf32, #tpu.memory_space<vmem>>, vector<1x1x16xf32>,
        %get3A_470 = vector.shape_cast %get3A_469 : vector<1x1x16xf32> to vector<16xf32>
        %mul3A_471 = arith.constant 2 : i32
        %mul3A_472 = arith.muli %scan3A_381, %mul3A_471 : i32
        %add3A_473 = arith.constant 0 : i32
        %add3A_474 = arith.addi %mul3A_472, %add3A_473 : i32
        %get3A_475 = arith.constant 1 : i32
        %get3A_476 = arith.index_cast %get3A_475 : i32 to index
        %get3A_477 = arith.index_cast %add3A_474 : i32 to index
        %get3A_478 = arith.constant 48 : index
        %get3A_479 = tpu.vector_load %arg11[%get3A_476, %get3A_477, %get3A_478] {strides = array<i32>} : memref<2x40x128xf32, #tpu.memory_space<vmem>>, vector<1x1x16xf32>,
        %get3A_480 = vector.shape_cast %get3A_479 : vector<1x1x16xf32> to vector<16xf32>
        %add3A_481 = arith.addf %get3A_470, %get3A_480 : vector<16xf32>
        %max3A_482 = arith.constant 0.000000e+00 : f32
        %max3A_483 = vector.broadcast %max3A_482 : f32 to vector<16xf32>
        %max3A_484 = arith.maximumf %add3A_481, %max3A_483 : vector<16xf32>
        %swap3A_485 = arith.constant 1 : i32
        %swap3A_486 = arith.index_cast %swap3A_485 : i32 to index
        %swap3A_487 = arith.index_cast %add3A_386 : i32 to index
        %swap3A_488 = arith.constant 48 : index
        %swap3A_489 = tpu.vector_load %arg10[%swap3A_486, %swap3A_487, %swap3A_488] {strides = array<i32>} : memref<2x40x128xf32, #tpu.memory_space<vmem>>, vector<1x1x16xf32>,
        %swap3A_490 = vector.shape_cast %swap3A_489 : vector<1x1x16xf32> to vector<16xf32>
        %swap3A_491 = vector.shape_cast %max3A_484 : vector<16xf32> to vector<1x1x16xf32>
        tpu.vector_store %arg10[%swap3A_486, %swap3A_487, %swap3A_488], %swap3A_491 {strides = array<i32>} : memref<2x40x128xf32, #tpu.memory_space<vmem>>, vector<1x1x16xf32>,
        %get3A_492 = arith.constant 1 : i32
        %get3A_493 = arith.index_cast %get3A_492 : i32 to index
        %get3A_494 = arith.index_cast %add3A_386 : i32 to index
        %get3A_495 = arith.constant 64 : index
        %get3A_496 = tpu.vector_load %arg10[%get3A_493, %get3A_494, %get3A_495] {strides = array<i32>} : memref<2x40x128xf32, #tpu.memory_space<vmem>>, vector<1x1x16xf32>,
        %get3A_497 = vector.shape_cast %get3A_496 : vector<1x1x16xf32> to vector<16xf32>
        %mul3A_498 = arith.constant 2 : i32
        %mul3A_499 = arith.muli %scan3A_381, %mul3A_498 : i32
        %add3A_500 = arith.constant 0 : i32
        %add3A_501 = arith.addi %mul3A_499, %add3A_500 : i32
        %get3A_502 = arith.constant 1 : i32
        %get3A_503 = arith.index_cast %get3A_502 : i32 to index
        %get3A_504 = arith.index_cast %add3A_501 : i32 to index
        %get3A_505 = arith.constant 64 : index
        %get3A_506 = tpu.vector_load %arg11[%get3A_503, %get3A_504, %get3A_505] {strides = array<i32>} : memref<2x40x128xf32, #tpu.memory_space<vmem>>, vector<1x1x16xf32>,
        %get3A_507 = vector.shape_cast %get3A_506 : vector<1x1x16xf32> to vector<16xf32>
        %add3A_508 = arith.addf %get3A_497, %get3A_507 : vector<16xf32>
        %max3A_509 = arith.constant 0.000000e+00 : f32
        %max3A_510 = vector.broadcast %max3A_509 : f32 to vector<16xf32>
        %max3A_511 = arith.maximumf %add3A_508, %max3A_510 : vector<16xf32>
        %swap3A_512 = arith.constant 1 : i32
        %swap3A_513 = arith.index_cast %swap3A_512 : i32 to index
        %swap3A_514 = arith.index_cast %add3A_386 : i32 to index
        %swap3A_515 = arith.constant 64 : index
        %swap3A_516 = tpu.vector_load %arg10[%swap3A_513, %swap3A_514, %swap3A_515] {strides = array<i32>} : memref<2x40x128xf32, #tpu.memory_space<vmem>>, vector<1x1x16xf32>,
        %swap3A_517 = vector.shape_cast %swap3A_516 : vector<1x1x16xf32> to vector<16xf32>
        %swap3A_518 = vector.shape_cast %max3A_511 : vector<16xf32> to vector<1x1x16xf32>
        tpu.vector_store %arg10[%swap3A_513, %swap3A_514, %swap3A_515], %swap3A_518 {strides = array<i32>} : memref<2x40x128xf32, #tpu.memory_space<vmem>>, vector<1x1x16xf32>,
        %get3A_519 = arith.constant 1 : i32
        %get3A_520 = arith.index_cast %get3A_519 : i32 to index
        %get3A_521 = arith.index_cast %add3A_386 : i32 to index
        %get3A_522 = arith.constant 80 : index
        %get3A_523 = tpu.vector_load %arg10[%get3A_520, %get3A_521, %get3A_522] {strides = array<i32>} : memref<2x40x128xf32, #tpu.memory_space<vmem>>, vector<1x1x16xf32>,
        %get3A_524 = vector.shape_cast %get3A_523 : vector<1x1x16xf32> to vector<16xf32>
        %mul3A_525 = arith.constant 2 : i32
        %mul3A_526 = arith.muli %scan3A_381, %mul3A_525 : i32
        %add3A_527 = arith.constant 0 : i32
        %add3A_528 = arith.addi %mul3A_526, %add3A_527 : i32
        %get3A_529 = arith.constant 1 : i32
        %get3A_530 = arith.index_cast %get3A_529 : i32 to index
        %get3A_531 = arith.index_cast %add3A_528 : i32 to index
        %get3A_532 = arith.constant 80 : index
        %get3A_533 = tpu.vector_load %arg11[%get3A_530, %get3A_531, %get3A_532] {strides = array<i32>} : memref<2x40x128xf32, #tpu.memory_space<vmem>>, vector<1x1x16xf32>,
        %get3A_534 = vector.shape_cast %get3A_533 : vector<1x1x16xf32> to vector<16xf32>
        %add3A_535 = arith.addf %get3A_524, %get3A_534 : vector<16xf32>
        %max3A_536 = arith.constant 0.000000e+00 : f32
        %max3A_537 = vector.broadcast %max3A_536 : f32 to vector<16xf32>
        %max3A_538 = arith.maximumf %add3A_535, %max3A_537 : vector<16xf32>
        %swap3A_539 = arith.constant 1 : i32
        %swap3A_540 = arith.index_cast %swap3A_539 : i32 to index
        %swap3A_541 = arith.index_cast %add3A_386 : i32 to index
        %swap3A_542 = arith.constant 80 : index
        %swap3A_543 = tpu.vector_load %arg10[%swap3A_540, %swap3A_541, %swap3A_542] {strides = array<i32>} : memref<2x40x128xf32, #tpu.memory_space<vmem>>, vector<1x1x16xf32>,
        %swap3A_544 = vector.shape_cast %swap3A_543 : vector<1x1x16xf32> to vector<16xf32>
        %swap3A_545 = vector.shape_cast %max3A_538 : vector<16xf32> to vector<1x1x16xf32>
        tpu.vector_store %arg10[%swap3A_540, %swap3A_541, %swap3A_542], %swap3A_545 {strides = array<i32>} : memref<2x40x128xf32, #tpu.memory_space<vmem>>, vector<1x1x16xf32>,
        %get3A_546 = arith.constant 1 : i32
        %get3A_547 = arith.index_cast %get3A_546 : i32 to index
        %get3A_548 = arith.index_cast %add3A_386 : i32 to index
        %get3A_549 = arith.constant 96 : index
        %get3A_550 = tpu.vector_load %arg10[%get3A_547, %get3A_548, %get3A_549] {strides = array<i32>} : memref<2x40x128xf32, #tpu.memory_space<vmem>>, vector<1x1x16xf32>,
        %get3A_551 = vector.shape_cast %get3A_550 : vector<1x1x16xf32> to vector<16xf32>
        %mul3A_552 = arith.constant 2 : i32
        %mul3A_553 = arith.muli %scan3A_381, %mul3A_552 : i32
        %add3A_554 = arith.constant 0 : i32
        %add3A_555 = arith.addi %mul3A_553, %add3A_554 : i32
        %get3A_556 = arith.constant 1 : i32
        %get3A_557 = arith.index_cast %get3A_556 : i32 to index
        %get3A_558 = arith.index_cast %add3A_555 : i32 to index
        %get3A_559 = arith.constant 96 : index
        %get3A_560 = tpu.vector_load %arg11[%get3A_557, %get3A_558, %get3A_559] {strides = array<i32>} : memref<2x40x128xf32, #tpu.memory_space<vmem>>, vector<1x1x16xf32>,
        %get3A_561 = vector.shape_cast %get3A_560 : vector<1x1x16xf32> to vector<16xf32>
        %add3A_562 = arith.addf %get3A_551, %get3A_561 : vector<16xf32>
        %max3A_563 = arith.constant 0.000000e+00 : f32
        %max3A_564 = vector.broadcast %max3A_563 : f32 to vector<16xf32>
        %max3A_565 = arith.maximumf %add3A_562, %max3A_564 : vector<16xf32>
        %swap3A_566 = arith.constant 1 : i32
        %swap3A_567 = arith.index_cast %swap3A_566 : i32 to index
        %swap3A_568 = arith.index_cast %add3A_386 : i32 to index
        %swap3A_569 = arith.constant 96 : index
        %swap3A_570 = tpu.vector_load %arg10[%swap3A_567, %swap3A_568, %swap3A_569] {strides = array<i32>} : memref<2x40x128xf32, #tpu.memory_space<vmem>>, vector<1x1x16xf32>,
        %swap3A_571 = vector.shape_cast %swap3A_570 : vector<1x1x16xf32> to vector<16xf32>
        %swap3A_572 = vector.shape_cast %max3A_565 : vector<16xf32> to vector<1x1x16xf32>
        tpu.vector_store %arg10[%swap3A_567, %swap3A_568, %swap3A_569], %swap3A_572 {strides = array<i32>} : memref<2x40x128xf32, #tpu.memory_space<vmem>>, vector<1x1x16xf32>,
        %get3A_573 = arith.constant 1 : i32
        %get3A_574 = arith.index_cast %get3A_573 : i32 to index
        %get3A_575 = arith.index_cast %add3A_386 : i32 to index
        %get3A_576 = arith.constant 112 : index
        %get3A_577 = tpu.vector_load %arg10[%get3A_574, %get3A_575, %get3A_576] {strides = array<i32>} : memref<2x40x128xf32, #tpu.memory_space<vmem>>, vector<1x1x16xf32>,
        %get3A_578 = vector.shape_cast %get3A_577 : vector<1x1x16xf32> to vector<16xf32>
        %mul3A_579 = arith.constant 2 : i32
        %mul3A_580 = arith.muli %scan3A_381, %mul3A_579 : i32
        %add3A_581 = arith.constant 0 : i32
        %add3A_582 = arith.addi %mul3A_580, %add3A_581 : i32
        %get3A_583 = arith.constant 1 : i32
        %get3A_584 = arith.index_cast %get3A_583 : i32 to index
        %get3A_585 = arith.index_cast %add3A_582 : i32 to index
        %get3A_586 = arith.constant 112 : index
        %get3A_587 = tpu.vector_load %arg11[%get3A_584, %get3A_585, %get3A_586] {strides = array<i32>} : memref<2x40x128xf32, #tpu.memory_space<vmem>>, vector<1x1x16xf32>,
        %get3A_588 = vector.shape_cast %get3A_587 : vector<1x1x16xf32> to vector<16xf32>
        %add3A_589 = arith.addf %get3A_578, %get3A_588 : vector<16xf32>
        %max3A_590 = arith.constant 0.000000e+00 : f32
        %max3A_591 = vector.broadcast %max3A_590 : f32 to vector<16xf32>
        %max3A_592 = arith.maximumf %add3A_589, %max3A_591 : vector<16xf32>
        %swap3A_593 = arith.constant 1 : i32
        %swap3A_594 = arith.index_cast %swap3A_593 : i32 to index
        %swap3A_595 = arith.index_cast %add3A_386 : i32 to index
        %swap3A_596 = arith.constant 112 : index
        %swap3A_597 = tpu.vector_load %arg10[%swap3A_594, %swap3A_595, %swap3A_596] {strides = array<i32>} : memref<2x40x128xf32, #tpu.memory_space<vmem>>, vector<1x1x16xf32>,
        %swap3A_598 = vector.shape_cast %swap3A_597 : vector<1x1x16xf32> to vector<16xf32>
        %swap3A_599 = vector.shape_cast %max3A_592 : vector<16xf32> to vector<1x1x16xf32>
        tpu.vector_store %arg10[%swap3A_594, %swap3A_595, %swap3A_596], %swap3A_599 {strides = array<i32>} : memref<2x40x128xf32, #tpu.memory_space<vmem>>, vector<1x1x16xf32>,
        %mul3A_600 = arith.constant 2 : i32
        %mul3A_601 = arith.muli %mul3A_600, %scan3A_381 : i32
        %add3A_602 = arith.constant 1 : i32
        %add3A_603 = arith.addi %mul3A_601, %add3A_602 : i32
        %get3A_604 = arith.constant 1 : i32
        %get3A_605 = arith.index_cast %get3A_604 : i32 to index
        %get3A_606 = arith.index_cast %add3A_603 : i32 to index
        %get3A_607 = arith.constant 0 : index
        %get3A_608 = tpu.vector_load %arg10[%get3A_605, %get3A_606, %get3A_607] {strides = array<i32>} : memref<2x40x128xf32, #tpu.memory_space<vmem>>, vector<1x1x16xf32>,
        %get3A_609 = vector.shape_cast %get3A_608 : vector<1x1x16xf32> to vector<16xf32>
        %mul3A_610 = arith.constant 2 : i32
        %mul3A_611 = arith.muli %scan3A_381, %mul3A_610 : i32
        %add3A_612 = arith.constant 1 : i32
        %add3A_613 = arith.addi %mul3A_611, %add3A_612 : i32
        %get3A_614 = arith.constant 1 : i32
        %get3A_615 = arith.index_cast %get3A_614 : i32 to index
        %get3A_616 = arith.index_cast %add3A_613 : i32 to index
        %get3A_617 = arith.constant 0 : index
        %get3A_618 = tpu.vector_load %arg11[%get3A_615, %get3A_616, %get3A_617] {strides = array<i32>} : memref<2x40x128xf32, #tpu.memory_space<vmem>>, vector<1x1x16xf32>,
        %get3A_619 = vector.shape_cast %get3A_618 : vector<1x1x16xf32> to vector<16xf32>
        %add3A_620 = arith.addf %get3A_609, %get3A_619 : vector<16xf32>
        %max3A_621 = arith.constant 0.000000e+00 : f32
        %max3A_622 = vector.broadcast %max3A_621 : f32 to vector<16xf32>
        %max3A_623 = arith.maximumf %add3A_620, %max3A_622 : vector<16xf32>
        %swap3A_624 = arith.constant 1 : i32
        %swap3A_625 = arith.index_cast %swap3A_624 : i32 to index
        %swap3A_626 = arith.index_cast %add3A_603 : i32 to index
        %swap3A_627 = arith.constant 0 : index
        %swap3A_628 = tpu.vector_load %arg10[%swap3A_625, %swap3A_626, %swap3A_627] {strides = array<i32>} : memref<2x40x128xf32, #tpu.memory_space<vmem>>, vector<1x1x16xf32>,
        %swap3A_629 = vector.shape_cast %swap3A_628 : vector<1x1x16xf32> to vector<16xf32>
        %swap3A_630 = vector.shape_cast %max3A_623 : vector<16xf32> to vector<1x1x16xf32>
        tpu.vector_store %arg10[%swap3A_625, %swap3A_626, %swap3A_627], %swap3A_630 {strides = array<i32>} : memref<2x40x128xf32, #tpu.memory_space<vmem>>, vector<1x1x16xf32>,
        %get3A_631 = arith.constant 1 : i32
        %get3A_632 = arith.index_cast %get3A_631 : i32 to index
        %get3A_633 = arith.index_cast %add3A_603 : i32 to index
        %get3A_634 = arith.constant 16 : index
        %get3A_635 = tpu.vector_load %arg10[%get3A_632, %get3A_633, %get3A_634] {strides = array<i32>} : memref<2x40x128xf32, #tpu.memory_space<vmem>>, vector<1x1x16xf32>,
        %get3A_636 = vector.shape_cast %get3A_635 : vector<1x1x16xf32> to vector<16xf32>
        %mul3A_637 = arith.constant 2 : i32
        %mul3A_638 = arith.muli %scan3A_381, %mul3A_637 : i32
        %add3A_639 = arith.constant 1 : i32
        %add3A_640 = arith.addi %mul3A_638, %add3A_639 : i32
        %get3A_641 = arith.constant 1 : i32
        %get3A_642 = arith.index_cast %get3A_641 : i32 to index
        %get3A_643 = arith.index_cast %add3A_640 : i32 to index
        %get3A_644 = arith.constant 16 : index
        %get3A_645 = tpu.vector_load %arg11[%get3A_642, %get3A_643, %get3A_644] {strides = array<i32>} : memref<2x40x128xf32, #tpu.memory_space<vmem>>, vector<1x1x16xf32>,
        %get3A_646 = vector.shape_cast %get3A_645 : vector<1x1x16xf32> to vector<16xf32>
        %add3A_647 = arith.addf %get3A_636, %get3A_646 : vector<16xf32>
        %max3A_648 = arith.constant 0.000000e+00 : f32
        %max3A_649 = vector.broadcast %max3A_648 : f32 to vector<16xf32>
        %max3A_650 = arith.maximumf %add3A_647, %max3A_649 : vector<16xf32>
        %swap3A_651 = arith.constant 1 : i32
        %swap3A_652 = arith.index_cast %swap3A_651 : i32 to index
        %swap3A_653 = arith.index_cast %add3A_603 : i32 to index
        %swap3A_654 = arith.constant 16 : index
        %swap3A_655 = tpu.vector_load %arg10[%swap3A_652, %swap3A_653, %swap3A_654] {strides = array<i32>} : memref<2x40x128xf32, #tpu.memory_space<vmem>>, vector<1x1x16xf32>,
        %swap3A_656 = vector.shape_cast %swap3A_655 : vector<1x1x16xf32> to vector<16xf32>
        %swap3A_657 = vector.shape_cast %max3A_650 : vector<16xf32> to vector<1x1x16xf32>
        tpu.vector_store %arg10[%swap3A_652, %swap3A_653, %swap3A_654], %swap3A_657 {strides = array<i32>} : memref<2x40x128xf32, #tpu.memory_space<vmem>>, vector<1x1x16xf32>,
        %get3A_658 = arith.constant 1 : i32
        %get3A_659 = arith.index_cast %get3A_658 : i32 to index
        %get3A_660 = arith.index_cast %add3A_603 : i32 to index
        %get3A_661 = arith.constant 32 : index
        %get3A_662 = tpu.vector_load %arg10[%get3A_659, %get3A_660, %get3A_661] {strides = array<i32>} : memref<2x40x128xf32, #tpu.memory_space<vmem>>, vector<1x1x16xf32>,
        %get3A_663 = vector.shape_cast %get3A_662 : vector<1x1x16xf32> to vector<16xf32>
        %mul3A_664 = arith.constant 2 : i32
        %mul3A_665 = arith.muli %scan3A_381, %mul3A_664 : i32
        %add3A_666 = arith.constant 1 : i32
        %add3A_667 = arith.addi %mul3A_665, %add3A_666 : i32
        %get3A_668 = arith.constant 1 : i32
        %get3A_669 = arith.index_cast %get3A_668 : i32 to index
        %get3A_670 = arith.index_cast %add3A_667 : i32 to index
        %get3A_671 = arith.constant 32 : index
        %get3A_672 = tpu.vector_load %arg11[%get3A_669, %get3A_670, %get3A_671] {strides = array<i32>} : memref<2x40x128xf32, #tpu.memory_space<vmem>>, vector<1x1x16xf32>,
        %get3A_673 = vector.shape_cast %get3A_672 : vector<1x1x16xf32> to vector<16xf32>
        %add3A_674 = arith.addf %get3A_663, %get3A_673 : vector<16xf32>
        %max3A_675 = arith.constant 0.000000e+00 : f32
        %max3A_676 = vector.broadcast %max3A_675 : f32 to vector<16xf32>
        %max3A_677 = arith.maximumf %add3A_674, %max3A_676 : vector<16xf32>
        %swap3A_678 = arith.constant 1 : i32
        %swap3A_679 = arith.index_cast %swap3A_678 : i32 to index
        %swap3A_680 = arith.index_cast %add3A_603 : i32 to index
        %swap3A_681 = arith.constant 32 : index
        %swap3A_682 = tpu.vector_load %arg10[%swap3A_679, %swap3A_680, %swap3A_681] {strides = array<i32>} : memref<2x40x128xf32, #tpu.memory_space<vmem>>, vector<1x1x16xf32>,
        %swap3A_683 = vector.shape_cast %swap3A_682 : vector<1x1x16xf32> to vector<16xf32>
        %swap3A_684 = vector.shape_cast %max3A_677 : vector<16xf32> to vector<1x1x16xf32>
        tpu.vector_store %arg10[%swap3A_679, %swap3A_680, %swap3A_681], %swap3A_684 {strides = array<i32>} : memref<2x40x128xf32, #tpu.memory_space<vmem>>, vector<1x1x16xf32>,
        %get3A_685 = arith.constant 1 : i32
        %get3A_686 = arith.index_cast %get3A_685 : i32 to index
        %get3A_687 = arith.index_cast %add3A_603 : i32 to index
        %get3A_688 = arith.constant 48 : index
        %get3A_689 = tpu.vector_load %arg10[%get3A_686, %get3A_687, %get3A_688] {strides = array<i32>} : memref<2x40x128xf32, #tpu.memory_space<vmem>>, vector<1x1x16xf32>,
        %get3A_690 = vector.shape_cast %get3A_689 : vector<1x1x16xf32> to vector<16xf32>
        %mul3A_691 = arith.constant 2 : i32
        %mul3A_692 = arith.muli %scan3A_381, %mul3A_691 : i32
        %add3A_693 = arith.constant 1 : i32
        %add3A_694 = arith.addi %mul3A_692, %add3A_693 : i32
        %get3A_695 = arith.constant 1 : i32
        %get3A_696 = arith.index_cast %get3A_695 : i32 to index
        %get3A_697 = arith.index_cast %add3A_694 : i32 to index
        %get3A_698 = arith.constant 48 : index
        %get3A_699 = tpu.vector_load %arg11[%get3A_696, %get3A_697, %get3A_698] {strides = array<i32>} : memref<2x40x128xf32, #tpu.memory_space<vmem>>, vector<1x1x16xf32>,
        %get3A_700 = vector.shape_cast %get3A_699 : vector<1x1x16xf32> to vector<16xf32>
        %add3A_701 = arith.addf %get3A_690, %get3A_700 : vector<16xf32>
        %max3A_702 = arith.constant 0.000000e+00 : f32
        %max3A_703 = vector.broadcast %max3A_702 : f32 to vector<16xf32>
        %max3A_704 = arith.maximumf %add3A_701, %max3A_703 : vector<16xf32>
        %swap3A_705 = arith.constant 1 : i32
        %swap3A_706 = arith.index_cast %swap3A_705 : i32 to index
        %swap3A_707 = arith.index_cast %add3A_603 : i32 to index
        %swap3A_708 = arith.constant 48 : index
        %swap3A_709 = tpu.vector_load %arg10[%swap3A_706, %swap3A_707, %swap3A_708] {strides = array<i32>} : memref<2x40x128xf32, #tpu.memory_space<vmem>>, vector<1x1x16xf32>,
        %swap3A_710 = vector.shape_cast %swap3A_709 : vector<1x1x16xf32> to vector<16xf32>
        %swap3A_711 = vector.shape_cast %max3A_704 : vector<16xf32> to vector<1x1x16xf32>
        tpu.vector_store %arg10[%swap3A_706, %swap3A_707, %swap3A_708], %swap3A_711 {strides = array<i32>} : memref<2x40x128xf32, #tpu.memory_space<vmem>>, vector<1x1x16xf32>,
        %get3A_712 = arith.constant 1 : i32
        %get3A_713 = arith.index_cast %get3A_712 : i32 to index
        %get3A_714 = arith.index_cast %add3A_603 : i32 to index
        %get3A_715 = arith.constant 64 : index
        %get3A_716 = tpu.vector_load %arg10[%get3A_713, %get3A_714, %get3A_715] {strides = array<i32>} : memref<2x40x128xf32, #tpu.memory_space<vmem>>, vector<1x1x16xf32>,
        %get3A_717 = vector.shape_cast %get3A_716 : vector<1x1x16xf32> to vector<16xf32>
        %mul3A_718 = arith.constant 2 : i32
        %mul3A_719 = arith.muli %scan3A_381, %mul3A_718 : i32
        %add3A_720 = arith.constant 1 : i32
        %add3A_721 = arith.addi %mul3A_719, %add3A_720 : i32
        %get3A_722 = arith.constant 1 : i32
        %get3A_723 = arith.index_cast %get3A_722 : i32 to index
        %get3A_724 = arith.index_cast %add3A_721 : i32 to index
        %get3A_725 = arith.constant 64 : index
        %get3A_726 = tpu.vector_load %arg11[%get3A_723, %get3A_724, %get3A_725] {strides = array<i32>} : memref<2x40x128xf32, #tpu.memory_space<vmem>>, vector<1x1x16xf32>,
        %get3A_727 = vector.shape_cast %get3A_726 : vector<1x1x16xf32> to vector<16xf32>
        %add3A_728 = arith.addf %get3A_717, %get3A_727 : vector<16xf32>
        %max3A_729 = arith.constant 0.000000e+00 : f32
        %max3A_730 = vector.broadcast %max3A_729 : f32 to vector<16xf32>
        %max3A_731 = arith.maximumf %add3A_728, %max3A_730 : vector<16xf32>
        %swap3A_732 = arith.constant 1 : i32
        %swap3A_733 = arith.index_cast %swap3A_732 : i32 to index
        %swap3A_734 = arith.index_cast %add3A_603 : i32 to index
        %swap3A_735 = arith.constant 64 : index
        %swap3A_736 = tpu.vector_load %arg10[%swap3A_733, %swap3A_734, %swap3A_735] {strides = array<i32>} : memref<2x40x128xf32, #tpu.memory_space<vmem>>, vector<1x1x16xf32>,
        %swap3A_737 = vector.shape_cast %swap3A_736 : vector<1x1x16xf32> to vector<16xf32>
        %swap3A_738 = vector.shape_cast %max3A_731 : vector<16xf32> to vector<1x1x16xf32>
        tpu.vector_store %arg10[%swap3A_733, %swap3A_734, %swap3A_735], %swap3A_738 {strides = array<i32>} : memref<2x40x128xf32, #tpu.memory_space<vmem>>, vector<1x1x16xf32>,
        %get3A_739 = arith.constant 1 : i32
        %get3A_740 = arith.index_cast %get3A_739 : i32 to index
        %get3A_741 = arith.index_cast %add3A_603 : i32 to index
        %get3A_742 = arith.constant 80 : index
        %get3A_743 = tpu.vector_load %arg10[%get3A_740, %get3A_741, %get3A_742] {strides = array<i32>} : memref<2x40x128xf32, #tpu.memory_space<vmem>>, vector<1x1x16xf32>,
        %get3A_744 = vector.shape_cast %get3A_743 : vector<1x1x16xf32> to vector<16xf32>
        %mul3A_745 = arith.constant 2 : i32
        %mul3A_746 = arith.muli %scan3A_381, %mul3A_745 : i32
        %add3A_747 = arith.constant 1 : i32
        %add3A_748 = arith.addi %mul3A_746, %add3A_747 : i32
        %get3A_749 = arith.constant 1 : i32
        %get3A_750 = arith.index_cast %get3A_749 : i32 to index
        %get3A_751 = arith.index_cast %add3A_748 : i32 to index
        %get3A_752 = arith.constant 80 : index
        %get3A_753 = tpu.vector_load %arg11[%get3A_750, %get3A_751, %get3A_752] {strides = array<i32>} : memref<2x40x128xf32, #tpu.memory_space<vmem>>, vector<1x1x16xf32>,
        %get3A_754 = vector.shape_cast %get3A_753 : vector<1x1x16xf32> to vector<16xf32>
        %add3A_755 = arith.addf %get3A_744, %get3A_754 : vector<16xf32>
        %max3A_756 = arith.constant 0.000000e+00 : f32
        %max3A_757 = vector.broadcast %max3A_756 : f32 to vector<16xf32>
        %max3A_758 = arith.maximumf %add3A_755, %max3A_757 : vector<16xf32>
        %swap3A_759 = arith.constant 1 : i32
        %swap3A_760 = arith.index_cast %swap3A_759 : i32 to index
        %swap3A_761 = arith.index_cast %add3A_603 : i32 to index
        %swap3A_762 = arith.constant 80 : index
        %swap3A_763 = tpu.vector_load %arg10[%swap3A_760, %swap3A_761, %swap3A_762] {strides = array<i32>} : memref<2x40x128xf32, #tpu.memory_space<vmem>>, vector<1x1x16xf32>,
        %swap3A_764 = vector.shape_cast %swap3A_763 : vector<1x1x16xf32> to vector<16xf32>
        %swap3A_765 = vector.shape_cast %max3A_758 : vector<16xf32> to vector<1x1x16xf32>
        tpu.vector_store %arg10[%swap3A_760, %swap3A_761, %swap3A_762], %swap3A_765 {strides = array<i32>} : memref<2x40x128xf32, #tpu.memory_space<vmem>>, vector<1x1x16xf32>,
        %get3A_766 = arith.constant 1 : i32
        %get3A_767 = arith.index_cast %get3A_766 : i32 to index
        %get3A_768 = arith.index_cast %add3A_603 : i32 to index
        %get3A_769 = arith.constant 96 : index
        %get3A_770 = tpu.vector_load %arg10[%get3A_767, %get3A_768, %get3A_769] {strides = array<i32>} : memref<2x40x128xf32, #tpu.memory_space<vmem>>, vector<1x1x16xf32>,
        %get3A_771 = vector.shape_cast %get3A_770 : vector<1x1x16xf32> to vector<16xf32>
        %mul3A_772 = arith.constant 2 : i32
        %mul3A_773 = arith.muli %scan3A_381, %mul3A_772 : i32
        %add3A_774 = arith.constant 1 : i32
        %add3A_775 = arith.addi %mul3A_773, %add3A_774 : i32
        %get3A_776 = arith.constant 1 : i32
        %get3A_777 = arith.index_cast %get3A_776 : i32 to index
        %get3A_778 = arith.index_cast %add3A_775 : i32 to index
        %get3A_779 = arith.constant 96 : index
        %get3A_780 = tpu.vector_load %arg11[%get3A_777, %get3A_778, %get3A_779] {strides = array<i32>} : memref<2x40x128xf32, #tpu.memory_space<vmem>>, vector<1x1x16xf32>,
        %get3A_781 = vector.shape_cast %get3A_780 : vector<1x1x16xf32> to vector<16xf32>
        %add3A_782 = arith.addf %get3A_771, %get3A_781 : vector<16xf32>
        %max3A_783 = arith.constant 0.000000e+00 : f32
        %max3A_784 = vector.broadcast %max3A_783 : f32 to vector<16xf32>
        %max3A_785 = arith.maximumf %add3A_782, %max3A_784 : vector<16xf32>
        %swap3A_786 = arith.constant 1 : i32
        %swap3A_787 = arith.index_cast %swap3A_786 : i32 to index
        %swap3A_788 = arith.index_cast %add3A_603 : i32 to index
        %swap3A_789 = arith.constant 96 : index
        %swap3A_790 = tpu.vector_load %arg10[%swap3A_787, %swap3A_788, %swap3A_789] {strides = array<i32>} : memref<2x40x128xf32, #tpu.memory_space<vmem>>, vector<1x1x16xf32>,
        %swap3A_791 = vector.shape_cast %swap3A_790 : vector<1x1x16xf32> to vector<16xf32>
        %swap3A_792 = vector.shape_cast %max3A_785 : vector<16xf32> to vector<1x1x16xf32>
        tpu.vector_store %arg10[%swap3A_787, %swap3A_788, %swap3A_789], %swap3A_792 {strides = array<i32>} : memref<2x40x128xf32, #tpu.memory_space<vmem>>, vector<1x1x16xf32>,
        %get3A_793 = arith.constant 1 : i32
        %get3A_794 = arith.index_cast %get3A_793 : i32 to index
        %get3A_795 = arith.index_cast %add3A_603 : i32 to index
        %get3A_796 = arith.constant 112 : index
        %get3A_797 = tpu.vector_load %arg10[%get3A_794, %get3A_795, %get3A_796] {strides = array<i32>} : memref<2x40x128xf32, #tpu.memory_space<vmem>>, vector<1x1x16xf32>,
        %get3A_798 = vector.shape_cast %get3A_797 : vector<1x1x16xf32> to vector<16xf32>
        %mul3A_799 = arith.constant 2 : i32
        %mul3A_800 = arith.muli %scan3A_381, %mul3A_799 : i32
        %add3A_801 = arith.constant 1 : i32
        %add3A_802 = arith.addi %mul3A_800, %add3A_801 : i32
        %get3A_803 = arith.constant 1 : i32
        %get3A_804 = arith.index_cast %get3A_803 : i32 to index
        %get3A_805 = arith.index_cast %add3A_802 : i32 to index
        %get3A_806 = arith.constant 112 : index
        %get3A_807 = tpu.vector_load %arg11[%get3A_804, %get3A_805, %get3A_806] {strides = array<i32>} : memref<2x40x128xf32, #tpu.memory_space<vmem>>, vector<1x1x16xf32>,
        %get3A_808 = vector.shape_cast %get3A_807 : vector<1x1x16xf32> to vector<16xf32>
        %add3A_809 = arith.addf %get3A_798, %get3A_808 : vector<16xf32>
        %max3A_810 = arith.constant 0.000000e+00 : f32
        %max3A_811 = vector.broadcast %max3A_810 : f32 to vector<16xf32>
        %max3A_812 = arith.maximumf %add3A_809, %max3A_811 : vector<16xf32>
        %swap3A_813 = arith.constant 1 : i32
        %swap3A_814 = arith.index_cast %swap3A_813 : i32 to index
        %swap3A_815 = arith.index_cast %add3A_603 : i32 to index
        %swap3A_816 = arith.constant 112 : index
        %swap3A_817 = tpu.vector_load %arg10[%swap3A_814, %swap3A_815, %swap3A_816] {strides = array<i32>} : memref<2x40x128xf32, #tpu.memory_space<vmem>>, vector<1x1x16xf32>,
        %swap3A_818 = vector.shape_cast %swap3A_817 : vector<1x1x16xf32> to vector<16xf32>
        %swap3A_819 = vector.shape_cast %max3A_812 : vector<16xf32> to vector<1x1x16xf32>
        tpu.vector_store %arg10[%swap3A_814, %swap3A_815, %swap3A_816], %swap3A_819 {strides = array<i32>} : memref<2x40x128xf32, #tpu.memory_space<vmem>>, vector<1x1x16xf32>,
        %scan3A_820 = arith.constant 0 : i32
        scf.yield %scan3A_820 : i32
      }
      %scan3A_371 = arith.constant 20 : i32
      %run_scoped3A_372 = arith.constant 1 : i32
      "tpu.region"() ({
        %run_scoped3A_381 = tpu.sem_alloc : memref<!tpu.dma_semaphore, #tpu.memory_space<semaphore_mem>>
        %dma_start3A_382 = arith.constant 0 : i32
        %dma_start3A_383 = arith.constant 0 : i32
        %dma_start3A_384 = tpu.memref_slice %arg10[%run_scoped3A_372, %dma_start3A_382, %dma_start3A_383] : memref<2x40x128xf32, #tpu.memory_space<vmem>> -> memref<1x40x128xf32, #tpu.memory_space<vmem>>
        %dma_start3A_385 = tpu.memref_squeeze %dma_start3A_384 : memref<1x40x128xf32, #tpu.memory_space<vmem>> -> memref<40x128xf32, #tpu.memory_space<vmem>>
        %dma_start3A_386 = arith.constant 0 : i32
        %dma_start3A_387 = tpu.memref_slice %arg9[%add3A_334, %dma_start3A_386] : memref<250x40xi32, #tpu.memory_space<vmem>> -> memref<1x40xi32, #tpu.memory_space<vmem>>
        %dma_start3A_388 = tpu.memref_squeeze %dma_start3A_387 : memref<1x40xi32, #tpu.memory_space<vmem>> -> memref<40xi32, #tpu.memory_space<vmem>>
        %dma_start3A_389 = arith.constant 0 : i32
        %dma_start3A_390 = arith.constant 0 : i32
        %dma_start3A_391 = tpu.memref_slice %arg18[%dma_start3A_389, %dma_start3A_390] : memref<10240x128xf32, #tpu.memory_space<vmem_shared>> -> memref<10240x128xf32, #tpu.memory_space<vmem_shared>>
        tpu.enqueue_indirect_dma source(%dma_start3A_385 : memref<40x128xf32, #tpu.memory_space<vmem>>) target(%dma_start3A_391 : memref<10240x128xf32, #tpu.memory_space<vmem_shared>>) offsets(%dma_start3A_388 : memref<40xi32, #tpu.memory_space<vmem>>) semaphore(%run_scoped3A_381 : memref<!tpu.dma_semaphore, #tpu.memory_space<semaphore_mem>>) {add = true}
        %dma_wait3A_392 = arith.constant 0 : i32
        %dma_wait3A_393 = arith.constant 0 : i32
        %dma_wait3A_394 = tpu.memref_slice %arg10[%run_scoped3A_372, %dma_wait3A_392, %dma_wait3A_393] : memref<2x40x128xf32, #tpu.memory_space<vmem>> -> memref<1x40x128xf32, #tpu.memory_space<vmem>>
        %dma_wait3A_395 = tpu.memref_squeeze %dma_wait3A_394 : memref<1x40x128xf32, #tpu.memory_space<vmem>> -> memref<40x128xf32, #tpu.memory_space<vmem>>
        %dma_wait3A_396 = arith.constant 0 : i32
        %dma_wait3A_397 = tpu.memref_slice %arg9[%add3A_334, %dma_wait3A_396] : memref<250x40xi32, #tpu.memory_space<vmem>> -> memref<1x40xi32, #tpu.memory_space<vmem>>
        %dma_wait3A_398 = tpu.memref_squeeze %dma_wait3A_397 : memref<1x40xi32, #tpu.memory_space<vmem>> -> memref<40xi32, #tpu.memory_space<vmem>>
        %dma_wait3A_399 = arith.constant 0 : i32
        %dma_wait3A_400 = arith.constant 0 : i32
        %dma_wait3A_401 = tpu.memref_slice %arg18[%dma_wait3A_399, %dma_wait3A_400] : memref<10240x128xf32, #tpu.memory_space<vmem_shared>> -> memref<10240x128xf32, #tpu.memory_space<vmem_shared>>
        tpu.wait_indirect_dma semaphore(%run_scoped3A_381 : memref<!tpu.dma_semaphore, #tpu.memory_space<semaphore_mem>>) src(%dma_wait3A_395 : memref<40x128xf32, #tpu.memory_space<vmem>>) dst(%dma_wait3A_401 : memref<10240x128xf32, #tpu.memory_space<vmem_shared>>)
        tpu.yield
      }) : () -> ()
      "tpu.region"() ({
        %run_scoped3A_381 = tpu.sem_alloc : memref<!tpu.dma_semaphore, #tpu.memory_space<semaphore_mem>>
        %dma_start3A_382 = arith.constant 0 : i32
        %dma_start3A_383 = tpu.memref_slice %arg9[%add3A_334, %dma_start3A_382] : memref<250x40xi32, #tpu.memory_space<vmem>> -> memref<1x40xi32, #tpu.memory_space<vmem>>
        %dma_start3A_384 = tpu.memref_squeeze %dma_start3A_383 : memref<1x40xi32, #tpu.memory_space<vmem>> -> memref<40xi32, #tpu.memory_space<vmem>>
        %dma_start3A_385 = arith.constant 0 : i32
        %dma_start3A_386 = arith.constant 0 : i32
        %dma_start3A_387 = tpu.memref_slice %arg19[%dma_start3A_385, %dma_start3A_386] : memref<10240x8xf32, #tpu.memory_space<vmem_shared>> -> memref<10240x8xf32, #tpu.memory_space<vmem_shared>>
        tpu.enqueue_indirect_dma source(%arg13 : memref<40x8xf32, #tpu.memory_space<vmem>>) target(%dma_start3A_387 : memref<10240x8xf32, #tpu.memory_space<vmem_shared>>) offsets(%dma_start3A_384 : memref<40xi32, #tpu.memory_space<vmem>>) semaphore(%run_scoped3A_381 : memref<!tpu.dma_semaphore, #tpu.memory_space<semaphore_mem>>) {add = true}
        %dma_wait3A_388 = arith.constant 0 : i32
        %dma_wait3A_389 = tpu.memref_slice %arg9[%add3A_334, %dma_wait3A_388] : memref<250x40xi32, #tpu.memory_space<vmem>> -> memref<1x40xi32, #tpu.memory_space<vmem>>
        %dma_wait3A_390 = tpu.memref_squeeze %dma_wait3A_389 : memref<1x40xi32, #tpu.memory_space<vmem>> -> memref<40xi32, #tpu.memory_space<vmem>>
        %dma_wait3A_391 = arith.constant 0 : i32
        %dma_wait3A_392 = arith.constant 0 : i32
        %dma_wait3A_393 = tpu.memref_slice %arg19[%dma_wait3A_391, %dma_wait3A_392] : memref<10240x8xf32, #tpu.memory_space<vmem_shared>> -> memref<10240x8xf32, #tpu.memory_space<vmem_shared>>
        tpu.wait_indirect_dma semaphore(%run_scoped3A_381 : memref<!tpu.dma_semaphore, #tpu.memory_space<semaphore_mem>>) src(%arg13 : memref<40x8xf32, #tpu.memory_space<vmem>>) dst(%dma_wait3A_393 : memref<10240x8xf32, #tpu.memory_space<vmem_shared>>)
        tpu.yield
      }) : () -> ()
      %add3A_373 = arith.constant 2 : i32
      %add3A_374 = arith.addi %add3A_334, %add3A_373 : i32
      %lt3A_375 = arith.constant 250 : i32
      %lt3A_376 = arith.cmpi slt, %add3A_374, %lt3A_375 : i32
      %convert_element_type3A_377 = arith.extui %lt3A_376 : i1 to i32
      %cond3A_378 = arith.constant 0 : i32
      %cond3A_379 = arith.cmpi ne, %convert_element_type3A_377, %cond3A_378 : i32
      scf.if %cond3A_379 {
        %add3A_381 = arith.constant 2 : i32
        %add3A_382 = arith.addi %add3A_334, %add3A_381 : i32
        %mul3A_383 = arith.constant 40 : i32
        %mul3A_384 = arith.muli %add3A_382, %mul3A_383 : i32
        %dma_start3A_385 = arith.constant 1 : i32
        %dma_start3A_386 = arith.constant 0 : i32
        %dma_start3A_387 = arith.constant 0 : i32
        %dma_start3A_388 = tpu.memref_slice %arg10[%dma_start3A_385, %dma_start3A_386, %dma_start3A_387] : memref<2x40x128xf32, #tpu.memory_space<vmem>> -> memref<1x40x128xf32, #tpu.memory_space<vmem>>
        %dma_start3A_389 = tpu.memref_squeeze %dma_start3A_388 : memref<1x40x128xf32, #tpu.memory_space<vmem>> -> memref<40x128xf32, #tpu.memory_space<vmem>>
        %dma_start3A_390 = tpu.memref_slice %arg8[%mul3A_384] : memref<10000xi32, #tpu.memory_space<vmem>> -> memref<40xi32, #tpu.memory_space<vmem>>
        %dma_start3A_391 = arith.constant 0 : i32
        %dma_start3A_392 = arith.constant 0 : i32
        %dma_start3A_393 = tpu.memref_slice %arg2[%dma_start3A_391, %dma_start3A_392] : memref<10000x128xf32, #tpu.memory_space<hbm>> -> memref<10000x128xf32, #tpu.memory_space<hbm>>
        tpu.enqueue_indirect_dma source(%dma_start3A_393 : memref<10000x128xf32, #tpu.memory_space<hbm>>) target(%dma_start3A_389 : memref<40x128xf32, #tpu.memory_space<vmem>>) offsets(%dma_start3A_390 : memref<40xi32, #tpu.memory_space<vmem>>) semaphore(%arg15 : memref<!tpu.dma_semaphore, #tpu.memory_space<semaphore_mem>>)
        %mul3A_394 = arith.constant 40 : i32
        %mul3A_395 = arith.muli %add3A_382, %mul3A_394 : i32
        %add3A_396 = arith.addi %add3A_158, %mul3A_395 : i32
        %dma_start3A_397 = arith.constant 1 : i32
        %dma_start3A_398 = arith.constant 0 : i32
        %dma_start3A_399 = arith.constant 0 : i32
        %dma_start3A_400 = tpu.memref_slice %arg11[%dma_start3A_397, %dma_start3A_398, %dma_start3A_399] : memref<2x40x128xf32, #tpu.memory_space<vmem>> -> memref<1x40x128xf32, #tpu.memory_space<vmem>>
        %dma_start3A_401 = tpu.memref_squeeze %dma_start3A_400 : memref<1x40x128xf32, #tpu.memory_space<vmem>> -> memref<40x128xf32, #tpu.memory_space<vmem>>
        %dma_start3A_402 = arith.constant 0 : i32
        %dma_start3A_403 = tpu.memref_slice %arg3[%add3A_396, %dma_start3A_402] : memref<320000x128xf32, #tpu.memory_space<hbm>> -> memref<40x128xf32, #tpu.memory_space<hbm>>
        %dma_start3A_404 = arith.constant 0 : i32
        %dma_start3A_405 = arith.constant 0 : i32
        %dma_start3A_406 = tpu.memref_slice %arg11[%dma_start3A_397, %dma_start3A_404, %dma_start3A_405] : memref<2x40x128xf32, #tpu.memory_space<vmem>> -> memref<1x40x128xf32, #tpu.memory_space<vmem>>
        %dma_start3A_407 = tpu.memref_squeeze %dma_start3A_406 : memref<1x40x128xf32, #tpu.memory_space<vmem>> -> memref<40x128xf32, #tpu.memory_space<vmem>>
        %dma_start3A_408 = arith.constant 0 : i32
        %dma_start3A_409 = tpu.memref_slice %arg3[%add3A_396, %dma_start3A_408] : memref<320000x128xf32, #tpu.memory_space<hbm>> -> memref<40x128xf32, #tpu.memory_space<hbm>>
        tpu.enqueue_dma source(%dma_start3A_409 : memref<40x128xf32, #tpu.memory_space<hbm>>) target(%dma_start3A_407 : memref<40x128xf32, #tpu.memory_space<vmem>>) target_semaphore(%arg17 : memref<!tpu.dma_semaphore, #tpu.memory_space<semaphore_mem>>)
      } else {
      }
      %scan3A_380 = arith.constant 0 : i32
      scf.yield %scan3A_380 : i32
    }
    %scan3A_214 = arith.constant 125 : i32
    %barrier3A_215 = arith.constant 0 : index
    tpu.barrier barrier_id(%barrier3A_215)
    %mul3A_216 = arith.constant 640 : i32
    %mul3A_217 = arith.muli %arg1, %mul3A_216 : i32
    %add3A_218 = arith.constant 0 : i32
    %add3A_219 = arith.addi %mul3A_217, %add3A_218 : i32
    "tpu.region"() ({
      %run_scoped3A_284 = tpu.sem_alloc : memref<!tpu.dma_semaphore, #tpu.memory_space<semaphore_mem>>
      %dma_start3A_285 = arith.constant 0 : i32
      %dma_start3A_286 = tpu.memref_slice %arg6[%arg0, %add3A_219, %dma_start3A_285] : memref<2x10240x128xf32, #tpu.memory_space<hbm>> -> memref<1x40x128xf32, #tpu.memory_space<hbm>>
      %dma_start3A_287 = tpu.memref_squeeze %dma_start3A_286 : memref<1x40x128xf32, #tpu.memory_space<hbm>> -> memref<40x128xf32, #tpu.memory_space<hbm>>
      %dma_start3A_288 = arith.constant 0 : i32
      %dma_start3A_289 = tpu.memref_slice %arg18[%add3A_219, %dma_start3A_288] : memref<10240x128xf32, #tpu.memory_space<vmem_shared>> -> memref<40x128xf32, #tpu.memory_space<vmem_shared>>
      tpu.enqueue_dma source(%dma_start3A_289 : memref<40x128xf32, #tpu.memory_space<vmem_shared>>) target(%dma_start3A_287 : memref<40x128xf32, #tpu.memory_space<hbm>>) target_semaphore(%run_scoped3A_284 : memref<!tpu.dma_semaphore, #tpu.memory_space<semaphore_mem>>)
      %dma_wait3A = arith.constant 0 : i32
      %dma_wait3A_290 = tpu.memref_slice %arg6[%arg0, %add3A_219, %dma_wait3A] : memref<2x10240x128xf32, #tpu.memory_space<hbm>> -> memref<1x40x128xf32, #tpu.memory_space<hbm>>
      %dma_wait3A_291 = tpu.memref_squeeze %dma_wait3A_290 : memref<1x40x128xf32, #tpu.memory_space<hbm>> -> memref<40x128xf32, #tpu.memory_space<hbm>>
      %dma_wait3A_292 = arith.constant 0 : i32
      %dma_wait3A_293 = tpu.memref_slice %arg18[%add3A_219, %dma_wait3A_292] : memref<10240x128xf32, #tpu.memory_space<vmem_shared>> -> memref<40x128xf32, #tpu.memory_space<vmem_shared>>
      tpu.wait_dma2 semaphore(%run_scoped3A_284 : memref<!tpu.dma_semaphore, #tpu.memory_space<semaphore_mem>>) src(%dma_wait3A_293 : memref<40x128xf32, #tpu.memory_space<vmem_shared>>) dst(%dma_wait3A_291 : memref<40x128xf32, #tpu.memory_space<hbm>>)
      tpu.yield
    }) : () -> ()
    %mul3A_220 = arith.constant 640 : i32
    %mul3A_221 = arith.muli %arg1, %mul3A_220 : i32
    %add3A_222 = arith.constant 40 : i32
    %add3A_223 = arith.addi %mul3A_221, %add3A_222 : i32
    "tpu.region"() ({
      %run_scoped3A_284 = tpu.sem_alloc : memref<!tpu.dma_semaphore, #tpu.memory_space<semaphore_mem>>
      %dma_start3A_285 = arith.constant 0 : i32
      %dma_start3A_286 = tpu.memref_slice %arg6[%arg0, %add3A_223, %dma_start3A_285] : memref<2x10240x128xf32, #tpu.memory_space<hbm>> -> memref<1x40x128xf32, #tpu.memory_space<hbm>>
      %dma_start3A_287 = tpu.memref_squeeze %dma_start3A_286 : memref<1x40x128xf32, #tpu.memory_space<hbm>> -> memref<40x128xf32, #tpu.memory_space<hbm>>
      %dma_start3A_288 = arith.constant 0 : i32
      %dma_start3A_289 = tpu.memref_slice %arg18[%add3A_223, %dma_start3A_288] : memref<10240x128xf32, #tpu.memory_space<vmem_shared>> -> memref<40x128xf32, #tpu.memory_space<vmem_shared>>
      tpu.enqueue_dma source(%dma_start3A_289 : memref<40x128xf32, #tpu.memory_space<vmem_shared>>) target(%dma_start3A_287 : memref<40x128xf32, #tpu.memory_space<hbm>>) target_semaphore(%run_scoped3A_284 : memref<!tpu.dma_semaphore, #tpu.memory_space<semaphore_mem>>)
      %dma_wait3A = arith.constant 0 : i32
      %dma_wait3A_290 = tpu.memref_slice %arg6[%arg0, %add3A_223, %dma_wait3A] : memref<2x10240x128xf32, #tpu.memory_space<hbm>> -> memref<1x40x128xf32, #tpu.memory_space<hbm>>
      %dma_wait3A_291 = tpu.memref_squeeze %dma_wait3A_290 : memref<1x40x128xf32, #tpu.memory_space<hbm>> -> memref<40x128xf32, #tpu.memory_space<hbm>>
      %dma_wait3A_292 = arith.constant 0 : i32
      %dma_wait3A_293 = tpu.memref_slice %arg18[%add3A_223, %dma_wait3A_292] : memref<10240x128xf32, #tpu.memory_space<vmem_shared>> -> memref<40x128xf32, #tpu.memory_space<vmem_shared>>
      tpu.wait_dma2 semaphore(%run_scoped3A_284 : memref<!tpu.dma_semaphore, #tpu.memory_space<semaphore_mem>>) src(%dma_wait3A_293 : memref<40x128xf32, #tpu.memory_space<vmem_shared>>) dst(%dma_wait3A_291 : memref<40x128xf32, #tpu.memory_space<hbm>>)
      tpu.yield
    }) : () -> ()
    %mul3A_224 = arith.constant 640 : i32
    %mul3A_225 = arith.muli %arg1, %mul3A_224 : i32
    %add3A_226 = arith.constant 80 : i32
    %add3A_227 = arith.addi %mul3A_225, %add3A_226 : i32
    "tpu.region"() ({
      %run_scoped3A_284 = tpu.sem_alloc : memref<!tpu.dma_semaphore, #tpu.memory_space<semaphore_mem>>
      %dma_start3A_285 = arith.constant 0 : i32
      %dma_start3A_286 = tpu.memref_slice %arg6[%arg0, %add3A_227, %dma_start3A_285] : memref<2x10240x128xf32, #tpu.memory_space<hbm>> -> memref<1x40x128xf32, #tpu.memory_space<hbm>>
      %dma_start3A_287 = tpu.memref_squeeze %dma_start3A_286 : memref<1x40x128xf32, #tpu.memory_space<hbm>> -> memref<40x128xf32, #tpu.memory_space<hbm>>
      %dma_start3A_288 = arith.constant 0 : i32
      %dma_start3A_289 = tpu.memref_slice %arg18[%add3A_227, %dma_start3A_288] : memref<10240x128xf32, #tpu.memory_space<vmem_shared>> -> memref<40x128xf32, #tpu.memory_space<vmem_shared>>
      tpu.enqueue_dma source(%dma_start3A_289 : memref<40x128xf32, #tpu.memory_space<vmem_shared>>) target(%dma_start3A_287 : memref<40x128xf32, #tpu.memory_space<hbm>>) target_semaphore(%run_scoped3A_284 : memref<!tpu.dma_semaphore, #tpu.memory_space<semaphore_mem>>)
      %dma_wait3A = arith.constant 0 : i32
      %dma_wait3A_290 = tpu.memref_slice %arg6[%arg0, %add3A_227, %dma_wait3A] : memref<2x10240x128xf32, #tpu.memory_space<hbm>> -> memref<1x40x128xf32, #tpu.memory_space<hbm>>
      %dma_wait3A_291 = tpu.memref_squeeze %dma_wait3A_290 : memref<1x40x128xf32, #tpu.memory_space<hbm>> -> memref<40x128xf32, #tpu.memory_space<hbm>>
      %dma_wait3A_292 = arith.constant 0 : i32
      %dma_wait3A_293 = tpu.memref_slice %arg18[%add3A_227, %dma_wait3A_292] : memref<10240x128xf32, #tpu.memory_space<vmem_shared>> -> memref<40x128xf32, #tpu.memory_space<vmem_shared>>
      tpu.wait_dma2 semaphore(%run_scoped3A_284 : memref<!tpu.dma_semaphore, #tpu.memory_space<semaphore_mem>>) src(%dma_wait3A_293 : memref<40x128xf32, #tpu.memory_space<vmem_shared>>) dst(%dma_wait3A_291 : memref<40x128xf32, #tpu.memory_space<hbm>>)
      tpu.yield
    }) : () -> ()
    %mul3A_228 = arith.constant 640 : i32
    %mul3A_229 = arith.muli %arg1, %mul3A_228 : i32
    %add3A_230 = arith.constant 120 : i32
    %add3A_231 = arith.addi %mul3A_229, %add3A_230 : i32
    "tpu.region"() ({
      %run_scoped3A_284 = tpu.sem_alloc : memref<!tpu.dma_semaphore, #tpu.memory_space<semaphore_mem>>
      %dma_start3A_285 = arith.constant 0 : i32
      %dma_start3A_286 = tpu.memref_slice %arg6[%arg0, %add3A_231, %dma_start3A_285] : memref<2x10240x128xf32, #tpu.memory_space<hbm>> -> memref<1x40x128xf32, #tpu.memory_space<hbm>>
      %dma_start3A_287 = tpu.memref_squeeze %dma_start3A_286 : memref<1x40x128xf32, #tpu.memory_space<hbm>> -> memref<40x128xf32, #tpu.memory_space<hbm>>
      %dma_start3A_288 = arith.constant 0 : i32
      %dma_start3A_289 = tpu.memref_slice %arg18[%add3A_231, %dma_start3A_288] : memref<10240x128xf32, #tpu.memory_space<vmem_shared>> -> memref<40x128xf32, #tpu.memory_space<vmem_shared>>
      tpu.enqueue_dma source(%dma_start3A_289 : memref<40x128xf32, #tpu.memory_space<vmem_shared>>) target(%dma_start3A_287 : memref<40x128xf32, #tpu.memory_space<hbm>>) target_semaphore(%run_scoped3A_284 : memref<!tpu.dma_semaphore, #tpu.memory_space<semaphore_mem>>)
      %dma_wait3A = arith.constant 0 : i32
      %dma_wait3A_290 = tpu.memref_slice %arg6[%arg0, %add3A_231, %dma_wait3A] : memref<2x10240x128xf32, #tpu.memory_space<hbm>> -> memref<1x40x128xf32, #tpu.memory_space<hbm>>
      %dma_wait3A_291 = tpu.memref_squeeze %dma_wait3A_290 : memref<1x40x128xf32, #tpu.memory_space<hbm>> -> memref<40x128xf32, #tpu.memory_space<hbm>>
      %dma_wait3A_292 = arith.constant 0 : i32
      %dma_wait3A_293 = tpu.memref_slice %arg18[%add3A_231, %dma_wait3A_292] : memref<10240x128xf32, #tpu.memory_space<vmem_shared>> -> memref<40x128xf32, #tpu.memory_space<vmem_shared>>
      tpu.wait_dma2 semaphore(%run_scoped3A_284 : memref<!tpu.dma_semaphore, #tpu.memory_space<semaphore_mem>>) src(%dma_wait3A_293 : memref<40x128xf32, #tpu.memory_space<vmem_shared>>) dst(%dma_wait3A_291 : memref<40x128xf32, #tpu.memory_space<hbm>>)
      tpu.yield
    }) : () -> ()
    %mul3A_232 = arith.constant 640 : i32
    %mul3A_233 = arith.muli %arg1, %mul3A_232 : i32
    %add3A_234 = arith.constant 160 : i32
    %add3A_235 = arith.addi %mul3A_233, %add3A_234 : i32
    "tpu.region"() ({
      %run_scoped3A_284 = tpu.sem_alloc : memref<!tpu.dma_semaphore, #tpu.memory_space<semaphore_mem>>
      %dma_start3A_285 = arith.constant 0 : i32
      %dma_start3A_286 = tpu.memref_slice %arg6[%arg0, %add3A_235, %dma_start3A_285] : memref<2x10240x128xf32, #tpu.memory_space<hbm>> -> memref<1x40x128xf32, #tpu.memory_space<hbm>>
      %dma_start3A_287 = tpu.memref_squeeze %dma_start3A_286 : memref<1x40x128xf32, #tpu.memory_space<hbm>> -> memref<40x128xf32, #tpu.memory_space<hbm>>
      %dma_start3A_288 = arith.constant 0 : i32
      %dma_start3A_289 = tpu.memref_slice %arg18[%add3A_235, %dma_start3A_288] : memref<10240x128xf32, #tpu.memory_space<vmem_shared>> -> memref<40x128xf32, #tpu.memory_space<vmem_shared>>
      tpu.enqueue_dma source(%dma_start3A_289 : memref<40x128xf32, #tpu.memory_space<vmem_shared>>) target(%dma_start3A_287 : memref<40x128xf32, #tpu.memory_space<hbm>>) target_semaphore(%run_scoped3A_284 : memref<!tpu.dma_semaphore, #tpu.memory_space<semaphore_mem>>)
      %dma_wait3A = arith.constant 0 : i32
      %dma_wait3A_290 = tpu.memref_slice %arg6[%arg0, %add3A_235, %dma_wait3A] : memref<2x10240x128xf32, #tpu.memory_space<hbm>> -> memref<1x40x128xf32, #tpu.memory_space<hbm>>
      %dma_wait3A_291 = tpu.memref_squeeze %dma_wait3A_290 : memref<1x40x128xf32, #tpu.memory_space<hbm>> -> memref<40x128xf32, #tpu.memory_space<hbm>>
      %dma_wait3A_292 = arith.constant 0 : i32
      %dma_wait3A_293 = tpu.memref_slice %arg18[%add3A_235, %dma_wait3A_292] : memref<10240x128xf32, #tpu.memory_space<vmem_shared>> -> memref<40x128xf32, #tpu.memory_space<vmem_shared>>
      tpu.wait_dma2 semaphore(%run_scoped3A_284 : memref<!tpu.dma_semaphore, #tpu.memory_space<semaphore_mem>>) src(%dma_wait3A_293 : memref<40x128xf32, #tpu.memory_space<vmem_shared>>) dst(%dma_wait3A_291 : memref<40x128xf32, #tpu.memory_space<hbm>>)
      tpu.yield
    }) : () -> ()
    %mul3A_236 = arith.constant 640 : i32
    %mul3A_237 = arith.muli %arg1, %mul3A_236 : i32
    %add3A_238 = arith.constant 200 : i32
    %add3A_239 = arith.addi %mul3A_237, %add3A_238 : i32
    "tpu.region"() ({
      %run_scoped3A_284 = tpu.sem_alloc : memref<!tpu.dma_semaphore, #tpu.memory_space<semaphore_mem>>
      %dma_start3A_285 = arith.constant 0 : i32
      %dma_start3A_286 = tpu.memref_slice %arg6[%arg0, %add3A_239, %dma_start3A_285] : memref<2x10240x128xf32, #tpu.memory_space<hbm>> -> memref<1x40x128xf32, #tpu.memory_space<hbm>>
      %dma_start3A_287 = tpu.memref_squeeze %dma_start3A_286 : memref<1x40x128xf32, #tpu.memory_space<hbm>> -> memref<40x128xf32, #tpu.memory_space<hbm>>
      %dma_start3A_288 = arith.constant 0 : i32
      %dma_start3A_289 = tpu.memref_slice %arg18[%add3A_239, %dma_start3A_288] : memref<10240x128xf32, #tpu.memory_space<vmem_shared>> -> memref<40x128xf32, #tpu.memory_space<vmem_shared>>
      tpu.enqueue_dma source(%dma_start3A_289 : memref<40x128xf32, #tpu.memory_space<vmem_shared>>) target(%dma_start3A_287 : memref<40x128xf32, #tpu.memory_space<hbm>>) target_semaphore(%run_scoped3A_284 : memref<!tpu.dma_semaphore, #tpu.memory_space<semaphore_mem>>)
      %dma_wait3A = arith.constant 0 : i32
      %dma_wait3A_290 = tpu.memref_slice %arg6[%arg0, %add3A_239, %dma_wait3A] : memref<2x10240x128xf32, #tpu.memory_space<hbm>> -> memref<1x40x128xf32, #tpu.memory_space<hbm>>
      %dma_wait3A_291 = tpu.memref_squeeze %dma_wait3A_290 : memref<1x40x128xf32, #tpu.memory_space<hbm>> -> memref<40x128xf32, #tpu.memory_space<hbm>>
      %dma_wait3A_292 = arith.constant 0 : i32
      %dma_wait3A_293 = tpu.memref_slice %arg18[%add3A_239, %dma_wait3A_292] : memref<10240x128xf32, #tpu.memory_space<vmem_shared>> -> memref<40x128xf32, #tpu.memory_space<vmem_shared>>
      tpu.wait_dma2 semaphore(%run_scoped3A_284 : memref<!tpu.dma_semaphore, #tpu.memory_space<semaphore_mem>>) src(%dma_wait3A_293 : memref<40x128xf32, #tpu.memory_space<vmem_shared>>) dst(%dma_wait3A_291 : memref<40x128xf32, #tpu.memory_space<hbm>>)
      tpu.yield
    }) : () -> ()
    %mul3A_240 = arith.constant 640 : i32
    %mul3A_241 = arith.muli %arg1, %mul3A_240 : i32
    %add3A_242 = arith.constant 240 : i32
    %add3A_243 = arith.addi %mul3A_241, %add3A_242 : i32
    "tpu.region"() ({
      %run_scoped3A_284 = tpu.sem_alloc : memref<!tpu.dma_semaphore, #tpu.memory_space<semaphore_mem>>
      %dma_start3A_285 = arith.constant 0 : i32
      %dma_start3A_286 = tpu.memref_slice %arg6[%arg0, %add3A_243, %dma_start3A_285] : memref<2x10240x128xf32, #tpu.memory_space<hbm>> -> memref<1x40x128xf32, #tpu.memory_space<hbm>>
      %dma_start3A_287 = tpu.memref_squeeze %dma_start3A_286 : memref<1x40x128xf32, #tpu.memory_space<hbm>> -> memref<40x128xf32, #tpu.memory_space<hbm>>
      %dma_start3A_288 = arith.constant 0 : i32
      %dma_start3A_289 = tpu.memref_slice %arg18[%add3A_243, %dma_start3A_288] : memref<10240x128xf32, #tpu.memory_space<vmem_shared>> -> memref<40x128xf32, #tpu.memory_space<vmem_shared>>
      tpu.enqueue_dma source(%dma_start3A_289 : memref<40x128xf32, #tpu.memory_space<vmem_shared>>) target(%dma_start3A_287 : memref<40x128xf32, #tpu.memory_space<hbm>>) target_semaphore(%run_scoped3A_284 : memref<!tpu.dma_semaphore, #tpu.memory_space<semaphore_mem>>)
      %dma_wait3A = arith.constant 0 : i32
      %dma_wait3A_290 = tpu.memref_slice %arg6[%arg0, %add3A_243, %dma_wait3A] : memref<2x10240x128xf32, #tpu.memory_space<hbm>> -> memref<1x40x128xf32, #tpu.memory_space<hbm>>
      %dma_wait3A_291 = tpu.memref_squeeze %dma_wait3A_290 : memref<1x40x128xf32, #tpu.memory_space<hbm>> -> memref<40x128xf32, #tpu.memory_space<hbm>>
      %dma_wait3A_292 = arith.constant 0 : i32
      %dma_wait3A_293 = tpu.memref_slice %arg18[%add3A_243, %dma_wait3A_292] : memref<10240x128xf32, #tpu.memory_space<vmem_shared>> -> memref<40x128xf32, #tpu.memory_space<vmem_shared>>
      tpu.wait_dma2 semaphore(%run_scoped3A_284 : memref<!tpu.dma_semaphore, #tpu.memory_space<semaphore_mem>>) src(%dma_wait3A_293 : memref<40x128xf32, #tpu.memory_space<vmem_shared>>) dst(%dma_wait3A_291 : memref<40x128xf32, #tpu.memory_space<hbm>>)
      tpu.yield
    }) : () -> ()
    %mul3A_244 = arith.constant 640 : i32
    %mul3A_245 = arith.muli %arg1, %mul3A_244 : i32
    %add3A_246 = arith.constant 280 : i32
    %add3A_247 = arith.addi %mul3A_245, %add3A_246 : i32
    "tpu.region"() ({
      %run_scoped3A_284 = tpu.sem_alloc : memref<!tpu.dma_semaphore, #tpu.memory_space<semaphore_mem>>
      %dma_start3A_285 = arith.constant 0 : i32
      %dma_start3A_286 = tpu.memref_slice %arg6[%arg0, %add3A_247, %dma_start3A_285] : memref<2x10240x128xf32, #tpu.memory_space<hbm>> -> memref<1x40x128xf32, #tpu.memory_space<hbm>>
      %dma_start3A_287 = tpu.memref_squeeze %dma_start3A_286 : memref<1x40x128xf32, #tpu.memory_space<hbm>> -> memref<40x128xf32, #tpu.memory_space<hbm>>
      %dma_start3A_288 = arith.constant 0 : i32
      %dma_start3A_289 = tpu.memref_slice %arg18[%add3A_247, %dma_start3A_288] : memref<10240x128xf32, #tpu.memory_space<vmem_shared>> -> memref<40x128xf32, #tpu.memory_space<vmem_shared>>
      tpu.enqueue_dma source(%dma_start3A_289 : memref<40x128xf32, #tpu.memory_space<vmem_shared>>) target(%dma_start3A_287 : memref<40x128xf32, #tpu.memory_space<hbm>>) target_semaphore(%run_scoped3A_284 : memref<!tpu.dma_semaphore, #tpu.memory_space<semaphore_mem>>)
      %dma_wait3A = arith.constant 0 : i32
      %dma_wait3A_290 = tpu.memref_slice %arg6[%arg0, %add3A_247, %dma_wait3A] : memref<2x10240x128xf32, #tpu.memory_space<hbm>> -> memref<1x40x128xf32, #tpu.memory_space<hbm>>
      %dma_wait3A_291 = tpu.memref_squeeze %dma_wait3A_290 : memref<1x40x128xf32, #tpu.memory_space<hbm>> -> memref<40x128xf32, #tpu.memory_space<hbm>>
      %dma_wait3A_292 = arith.constant 0 : i32
      %dma_wait3A_293 = tpu.memref_slice %arg18[%add3A_247, %dma_wait3A_292] : memref<10240x128xf32, #tpu.memory_space<vmem_shared>> -> memref<40x128xf32, #tpu.memory_space<vmem_shared>>
      tpu.wait_dma2 semaphore(%run_scoped3A_284 : memref<!tpu.dma_semaphore, #tpu.memory_space<semaphore_mem>>) src(%dma_wait3A_293 : memref<40x128xf32, #tpu.memory_space<vmem_shared>>) dst(%dma_wait3A_291 : memref<40x128xf32, #tpu.memory_space<hbm>>)
      tpu.yield
    }) : () -> ()
    %mul3A_248 = arith.constant 640 : i32
    %mul3A_249 = arith.muli %arg1, %mul3A_248 : i32
    %add3A_250 = arith.constant 320 : i32
    %add3A_251 = arith.addi %mul3A_249, %add3A_250 : i32
    "tpu.region"() ({
      %run_scoped3A_284 = tpu.sem_alloc : memref<!tpu.dma_semaphore, #tpu.memory_space<semaphore_mem>>
      %dma_start3A_285 = arith.constant 0 : i32
      %dma_start3A_286 = tpu.memref_slice %arg6[%arg0, %add3A_251, %dma_start3A_285] : memref<2x10240x128xf32, #tpu.memory_space<hbm>> -> memref<1x40x128xf32, #tpu.memory_space<hbm>>
      %dma_start3A_287 = tpu.memref_squeeze %dma_start3A_286 : memref<1x40x128xf32, #tpu.memory_space<hbm>> -> memref<40x128xf32, #tpu.memory_space<hbm>>
      %dma_start3A_288 = arith.constant 0 : i32
      %dma_start3A_289 = tpu.memref_slice %arg18[%add3A_251, %dma_start3A_288] : memref<10240x128xf32, #tpu.memory_space<vmem_shared>> -> memref<40x128xf32, #tpu.memory_space<vmem_shared>>
      tpu.enqueue_dma source(%dma_start3A_289 : memref<40x128xf32, #tpu.memory_space<vmem_shared>>) target(%dma_start3A_287 : memref<40x128xf32, #tpu.memory_space<hbm>>) target_semaphore(%run_scoped3A_284 : memref<!tpu.dma_semaphore, #tpu.memory_space<semaphore_mem>>)
      %dma_wait3A = arith.constant 0 : i32
      %dma_wait3A_290 = tpu.memref_slice %arg6[%arg0, %add3A_251, %dma_wait3A] : memref<2x10240x128xf32, #tpu.memory_space<hbm>> -> memref<1x40x128xf32, #tpu.memory_space<hbm>>
      %dma_wait3A_291 = tpu.memref_squeeze %dma_wait3A_290 : memref<1x40x128xf32, #tpu.memory_space<hbm>> -> memref<40x128xf32, #tpu.memory_space<hbm>>
      %dma_wait3A_292 = arith.constant 0 : i32
      %dma_wait3A_293 = tpu.memref_slice %arg18[%add3A_251, %dma_wait3A_292] : memref<10240x128xf32, #tpu.memory_space<vmem_shared>> -> memref<40x128xf32, #tpu.memory_space<vmem_shared>>
      tpu.wait_dma2 semaphore(%run_scoped3A_284 : memref<!tpu.dma_semaphore, #tpu.memory_space<semaphore_mem>>) src(%dma_wait3A_293 : memref<40x128xf32, #tpu.memory_space<vmem_shared>>) dst(%dma_wait3A_291 : memref<40x128xf32, #tpu.memory_space<hbm>>)
      tpu.yield
    }) : () -> ()
    %mul3A_252 = arith.constant 640 : i32
    %mul3A_253 = arith.muli %arg1, %mul3A_252 : i32
    %add3A_254 = arith.constant 360 : i32
    %add3A_255 = arith.addi %mul3A_253, %add3A_254 : i32
    "tpu.region"() ({
      %run_scoped3A_284 = tpu.sem_alloc : memref<!tpu.dma_semaphore, #tpu.memory_space<semaphore_mem>>
      %dma_start3A_285 = arith.constant 0 : i32
      %dma_start3A_286 = tpu.memref_slice %arg6[%arg0, %add3A_255, %dma_start3A_285] : memref<2x10240x128xf32, #tpu.memory_space<hbm>> -> memref<1x40x128xf32, #tpu.memory_space<hbm>>
      %dma_start3A_287 = tpu.memref_squeeze %dma_start3A_286 : memref<1x40x128xf32, #tpu.memory_space<hbm>> -> memref<40x128xf32, #tpu.memory_space<hbm>>
      %dma_start3A_288 = arith.constant 0 : i32
      %dma_start3A_289 = tpu.memref_slice %arg18[%add3A_255, %dma_start3A_288] : memref<10240x128xf32, #tpu.memory_space<vmem_shared>> -> memref<40x128xf32, #tpu.memory_space<vmem_shared>>
      tpu.enqueue_dma source(%dma_start3A_289 : memref<40x128xf32, #tpu.memory_space<vmem_shared>>) target(%dma_start3A_287 : memref<40x128xf32, #tpu.memory_space<hbm>>) target_semaphore(%run_scoped3A_284 : memref<!tpu.dma_semaphore, #tpu.memory_space<semaphore_mem>>)
      %dma_wait3A = arith.constant 0 : i32
      %dma_wait3A_290 = tpu.memref_slice %arg6[%arg0, %add3A_255, %dma_wait3A] : memref<2x10240x128xf32, #tpu.memory_space<hbm>> -> memref<1x40x128xf32, #tpu.memory_space<hbm>>
      %dma_wait3A_291 = tpu.memref_squeeze %dma_wait3A_290 : memref<1x40x128xf32, #tpu.memory_space<hbm>> -> memref<40x128xf32, #tpu.memory_space<hbm>>
      %dma_wait3A_292 = arith.constant 0 : i32
      %dma_wait3A_293 = tpu.memref_slice %arg18[%add3A_255, %dma_wait3A_292] : memref<10240x128xf32, #tpu.memory_space<vmem_shared>> -> memref<40x128xf32, #tpu.memory_space<vmem_shared>>
      tpu.wait_dma2 semaphore(%run_scoped3A_284 : memref<!tpu.dma_semaphore, #tpu.memory_space<semaphore_mem>>) src(%dma_wait3A_293 : memref<40x128xf32, #tpu.memory_space<vmem_shared>>) dst(%dma_wait3A_291 : memref<40x128xf32, #tpu.memory_space<hbm>>)
      tpu.yield
    }) : () -> ()
    %mul3A_256 = arith.constant 640 : i32
    %mul3A_257 = arith.muli %arg1, %mul3A_256 : i32
    %add3A_258 = arith.constant 400 : i32
    %add3A_259 = arith.addi %mul3A_257, %add3A_258 : i32
    "tpu.region"() ({
      %run_scoped3A_284 = tpu.sem_alloc : memref<!tpu.dma_semaphore, #tpu.memory_space<semaphore_mem>>
      %dma_start3A_285 = arith.constant 0 : i32
      %dma_start3A_286 = tpu.memref_slice %arg6[%arg0, %add3A_259, %dma_start3A_285] : memref<2x10240x128xf32, #tpu.memory_space<hbm>> -> memref<1x40x128xf32, #tpu.memory_space<hbm>>
      %dma_start3A_287 = tpu.memref_squeeze %dma_start3A_286 : memref<1x40x128xf32, #tpu.memory_space<hbm>> -> memref<40x128xf32, #tpu.memory_space<hbm>>
      %dma_start3A_288 = arith.constant 0 : i32
      %dma_start3A_289 = tpu.memref_slice %arg18[%add3A_259, %dma_start3A_288] : memref<10240x128xf32, #tpu.memory_space<vmem_shared>> -> memref<40x128xf32, #tpu.memory_space<vmem_shared>>
      tpu.enqueue_dma source(%dma_start3A_289 : memref<40x128xf32, #tpu.memory_space<vmem_shared>>) target(%dma_start3A_287 : memref<40x128xf32, #tpu.memory_space<hbm>>) target_semaphore(%run_scoped3A_284 : memref<!tpu.dma_semaphore, #tpu.memory_space<semaphore_mem>>)
      %dma_wait3A = arith.constant 0 : i32
      %dma_wait3A_290 = tpu.memref_slice %arg6[%arg0, %add3A_259, %dma_wait3A] : memref<2x10240x128xf32, #tpu.memory_space<hbm>> -> memref<1x40x128xf32, #tpu.memory_space<hbm>>
      %dma_wait3A_291 = tpu.memref_squeeze %dma_wait3A_290 : memref<1x40x128xf32, #tpu.memory_space<hbm>> -> memref<40x128xf32, #tpu.memory_space<hbm>>
      %dma_wait3A_292 = arith.constant 0 : i32
      %dma_wait3A_293 = tpu.memref_slice %arg18[%add3A_259, %dma_wait3A_292] : memref<10240x128xf32, #tpu.memory_space<vmem_shared>> -> memref<40x128xf32, #tpu.memory_space<vmem_shared>>
      tpu.wait_dma2 semaphore(%run_scoped3A_284 : memref<!tpu.dma_semaphore, #tpu.memory_space<semaphore_mem>>) src(%dma_wait3A_293 : memref<40x128xf32, #tpu.memory_space<vmem_shared>>) dst(%dma_wait3A_291 : memref<40x128xf32, #tpu.memory_space<hbm>>)
      tpu.yield
    }) : () -> ()
    %mul3A_260 = arith.constant 640 : i32
    %mul3A_261 = arith.muli %arg1, %mul3A_260 : i32
    %add3A_262 = arith.constant 440 : i32
    %add3A_263 = arith.addi %mul3A_261, %add3A_262 : i32
    "tpu.region"() ({
      %run_scoped3A_284 = tpu.sem_alloc : memref<!tpu.dma_semaphore, #tpu.memory_space<semaphore_mem>>
      %dma_start3A_285 = arith.constant 0 : i32
      %dma_start3A_286 = tpu.memref_slice %arg6[%arg0, %add3A_263, %dma_start3A_285] : memref<2x10240x128xf32, #tpu.memory_space<hbm>> -> memref<1x40x128xf32, #tpu.memory_space<hbm>>
      %dma_start3A_287 = tpu.memref_squeeze %dma_start3A_286 : memref<1x40x128xf32, #tpu.memory_space<hbm>> -> memref<40x128xf32, #tpu.memory_space<hbm>>
      %dma_start3A_288 = arith.constant 0 : i32
      %dma_start3A_289 = tpu.memref_slice %arg18[%add3A_263, %dma_start3A_288] : memref<10240x128xf32, #tpu.memory_space<vmem_shared>> -> memref<40x128xf32, #tpu.memory_space<vmem_shared>>
      tpu.enqueue_dma source(%dma_start3A_289 : memref<40x128xf32, #tpu.memory_space<vmem_shared>>) target(%dma_start3A_287 : memref<40x128xf32, #tpu.memory_space<hbm>>) target_semaphore(%run_scoped3A_284 : memref<!tpu.dma_semaphore, #tpu.memory_space<semaphore_mem>>)
      %dma_wait3A = arith.constant 0 : i32
      %dma_wait3A_290 = tpu.memref_slice %arg6[%arg0, %add3A_263, %dma_wait3A] : memref<2x10240x128xf32, #tpu.memory_space<hbm>> -> memref<1x40x128xf32, #tpu.memory_space<hbm>>
      %dma_wait3A_291 = tpu.memref_squeeze %dma_wait3A_290 : memref<1x40x128xf32, #tpu.memory_space<hbm>> -> memref<40x128xf32, #tpu.memory_space<hbm>>
      %dma_wait3A_292 = arith.constant 0 : i32
      %dma_wait3A_293 = tpu.memref_slice %arg18[%add3A_263, %dma_wait3A_292] : memref<10240x128xf32, #tpu.memory_space<vmem_shared>> -> memref<40x128xf32, #tpu.memory_space<vmem_shared>>
      tpu.wait_dma2 semaphore(%run_scoped3A_284 : memref<!tpu.dma_semaphore, #tpu.memory_space<semaphore_mem>>) src(%dma_wait3A_293 : memref<40x128xf32, #tpu.memory_space<vmem_shared>>) dst(%dma_wait3A_291 : memref<40x128xf32, #tpu.memory_space<hbm>>)
      tpu.yield
    }) : () -> ()
    %mul3A_264 = arith.constant 640 : i32
    %mul3A_265 = arith.muli %arg1, %mul3A_264 : i32
    %add3A_266 = arith.constant 480 : i32
    %add3A_267 = arith.addi %mul3A_265, %add3A_266 : i32
    "tpu.region"() ({
      %run_scoped3A_284 = tpu.sem_alloc : memref<!tpu.dma_semaphore, #tpu.memory_space<semaphore_mem>>
      %dma_start3A_285 = arith.constant 0 : i32
      %dma_start3A_286 = tpu.memref_slice %arg6[%arg0, %add3A_267, %dma_start3A_285] : memref<2x10240x128xf32, #tpu.memory_space<hbm>> -> memref<1x40x128xf32, #tpu.memory_space<hbm>>
      %dma_start3A_287 = tpu.memref_squeeze %dma_start3A_286 : memref<1x40x128xf32, #tpu.memory_space<hbm>> -> memref<40x128xf32, #tpu.memory_space<hbm>>
      %dma_start3A_288 = arith.constant 0 : i32
      %dma_start3A_289 = tpu.memref_slice %arg18[%add3A_267, %dma_start3A_288] : memref<10240x128xf32, #tpu.memory_space<vmem_shared>> -> memref<40x128xf32, #tpu.memory_space<vmem_shared>>
      tpu.enqueue_dma source(%dma_start3A_289 : memref<40x128xf32, #tpu.memory_space<vmem_shared>>) target(%dma_start3A_287 : memref<40x128xf32, #tpu.memory_space<hbm>>) target_semaphore(%run_scoped3A_284 : memref<!tpu.dma_semaphore, #tpu.memory_space<semaphore_mem>>)
      %dma_wait3A = arith.constant 0 : i32
      %dma_wait3A_290 = tpu.memref_slice %arg6[%arg0, %add3A_267, %dma_wait3A] : memref<2x10240x128xf32, #tpu.memory_space<hbm>> -> memref<1x40x128xf32, #tpu.memory_space<hbm>>
      %dma_wait3A_291 = tpu.memref_squeeze %dma_wait3A_290 : memref<1x40x128xf32, #tpu.memory_space<hbm>> -> memref<40x128xf32, #tpu.memory_space<hbm>>
      %dma_wait3A_292 = arith.constant 0 : i32
      %dma_wait3A_293 = tpu.memref_slice %arg18[%add3A_267, %dma_wait3A_292] : memref<10240x128xf32, #tpu.memory_space<vmem_shared>> -> memref<40x128xf32, #tpu.memory_space<vmem_shared>>
      tpu.wait_dma2 semaphore(%run_scoped3A_284 : memref<!tpu.dma_semaphore, #tpu.memory_space<semaphore_mem>>) src(%dma_wait3A_293 : memref<40x128xf32, #tpu.memory_space<vmem_shared>>) dst(%dma_wait3A_291 : memref<40x128xf32, #tpu.memory_space<hbm>>)
      tpu.yield
    }) : () -> ()
    %mul3A_268 = arith.constant 640 : i32
    %mul3A_269 = arith.muli %arg1, %mul3A_268 : i32
    %add3A_270 = arith.constant 520 : i32
    %add3A_271 = arith.addi %mul3A_269, %add3A_270 : i32
    "tpu.region"() ({
      %run_scoped3A_284 = tpu.sem_alloc : memref<!tpu.dma_semaphore, #tpu.memory_space<semaphore_mem>>
      %dma_start3A_285 = arith.constant 0 : i32
      %dma_start3A_286 = tpu.memref_slice %arg6[%arg0, %add3A_271, %dma_start3A_285] : memref<2x10240x128xf32, #tpu.memory_space<hbm>> -> memref<1x40x128xf32, #tpu.memory_space<hbm>>
      %dma_start3A_287 = tpu.memref_squeeze %dma_start3A_286 : memref<1x40x128xf32, #tpu.memory_space<hbm>> -> memref<40x128xf32, #tpu.memory_space<hbm>>
      %dma_start3A_288 = arith.constant 0 : i32
      %dma_start3A_289 = tpu.memref_slice %arg18[%add3A_271, %dma_start3A_288] : memref<10240x128xf32, #tpu.memory_space<vmem_shared>> -> memref<40x128xf32, #tpu.memory_space<vmem_shared>>
      tpu.enqueue_dma source(%dma_start3A_289 : memref<40x128xf32, #tpu.memory_space<vmem_shared>>) target(%dma_start3A_287 : memref<40x128xf32, #tpu.memory_space<hbm>>) target_semaphore(%run_scoped3A_284 : memref<!tpu.dma_semaphore, #tpu.memory_space<semaphore_mem>>)
      %dma_wait3A = arith.constant 0 : i32
      %dma_wait3A_290 = tpu.memref_slice %arg6[%arg0, %add3A_271, %dma_wait3A] : memref<2x10240x128xf32, #tpu.memory_space<hbm>> -> memref<1x40x128xf32, #tpu.memory_space<hbm>>
      %dma_wait3A_291 = tpu.memref_squeeze %dma_wait3A_290 : memref<1x40x128xf32, #tpu.memory_space<hbm>> -> memref<40x128xf32, #tpu.memory_space<hbm>>
      %dma_wait3A_292 = arith.constant 0 : i32
      %dma_wait3A_293 = tpu.memref_slice %arg18[%add3A_271, %dma_wait3A_292] : memref<10240x128xf32, #tpu.memory_space<vmem_shared>> -> memref<40x128xf32, #tpu.memory_space<vmem_shared>>
      tpu.wait_dma2 semaphore(%run_scoped3A_284 : memref<!tpu.dma_semaphore, #tpu.memory_space<semaphore_mem>>) src(%dma_wait3A_293 : memref<40x128xf32, #tpu.memory_space<vmem_shared>>) dst(%dma_wait3A_291 : memref<40x128xf32, #tpu.memory_space<hbm>>)
      tpu.yield
    }) : () -> ()
    %mul3A_272 = arith.constant 640 : i32
    %mul3A_273 = arith.muli %arg1, %mul3A_272 : i32
    %add3A_274 = arith.constant 560 : i32
    %add3A_275 = arith.addi %mul3A_273, %add3A_274 : i32
    "tpu.region"() ({
      %run_scoped3A_284 = tpu.sem_alloc : memref<!tpu.dma_semaphore, #tpu.memory_space<semaphore_mem>>
      %dma_start3A_285 = arith.constant 0 : i32
      %dma_start3A_286 = tpu.memref_slice %arg6[%arg0, %add3A_275, %dma_start3A_285] : memref<2x10240x128xf32, #tpu.memory_space<hbm>> -> memref<1x40x128xf32, #tpu.memory_space<hbm>>
      %dma_start3A_287 = tpu.memref_squeeze %dma_start3A_286 : memref<1x40x128xf32, #tpu.memory_space<hbm>> -> memref<40x128xf32, #tpu.memory_space<hbm>>
      %dma_start3A_288 = arith.constant 0 : i32
      %dma_start3A_289 = tpu.memref_slice %arg18[%add3A_275, %dma_start3A_288] : memref<10240x128xf32, #tpu.memory_space<vmem_shared>> -> memref<40x128xf32, #tpu.memory_space<vmem_shared>>
      tpu.enqueue_dma source(%dma_start3A_289 : memref<40x128xf32, #tpu.memory_space<vmem_shared>>) target(%dma_start3A_287 : memref<40x128xf32, #tpu.memory_space<hbm>>) target_semaphore(%run_scoped3A_284 : memref<!tpu.dma_semaphore, #tpu.memory_space<semaphore_mem>>)
      %dma_wait3A = arith.constant 0 : i32
      %dma_wait3A_290 = tpu.memref_slice %arg6[%arg0, %add3A_275, %dma_wait3A] : memref<2x10240x128xf32, #tpu.memory_space<hbm>> -> memref<1x40x128xf32, #tpu.memory_space<hbm>>
      %dma_wait3A_291 = tpu.memref_squeeze %dma_wait3A_290 : memref<1x40x128xf32, #tpu.memory_space<hbm>> -> memref<40x128xf32, #tpu.memory_space<hbm>>
      %dma_wait3A_292 = arith.constant 0 : i32
      %dma_wait3A_293 = tpu.memref_slice %arg18[%add3A_275, %dma_wait3A_292] : memref<10240x128xf32, #tpu.memory_space<vmem_shared>> -> memref<40x128xf32, #tpu.memory_space<vmem_shared>>
      tpu.wait_dma2 semaphore(%run_scoped3A_284 : memref<!tpu.dma_semaphore, #tpu.memory_space<semaphore_mem>>) src(%dma_wait3A_293 : memref<40x128xf32, #tpu.memory_space<vmem_shared>>) dst(%dma_wait3A_291 : memref<40x128xf32, #tpu.memory_space<hbm>>)
      tpu.yield
    }) : () -> ()
    %mul3A_276 = arith.constant 640 : i32
    %mul3A_277 = arith.muli %arg1, %mul3A_276 : i32
    %add3A_278 = arith.constant 600 : i32
    %add3A_279 = arith.addi %mul3A_277, %add3A_278 : i32
    "tpu.region"() ({
      %run_scoped3A_284 = tpu.sem_alloc : memref<!tpu.dma_semaphore, #tpu.memory_space<semaphore_mem>>
      %dma_start3A_285 = arith.constant 0 : i32
      %dma_start3A_286 = tpu.memref_slice %arg6[%arg0, %add3A_279, %dma_start3A_285] : memref<2x10240x128xf32, #tpu.memory_space<hbm>> -> memref<1x40x128xf32, #tpu.memory_space<hbm>>
      %dma_start3A_287 = tpu.memref_squeeze %dma_start3A_286 : memref<1x40x128xf32, #tpu.memory_space<hbm>> -> memref<40x128xf32, #tpu.memory_space<hbm>>
      %dma_start3A_288 = arith.constant 0 : i32
      %dma_start3A_289 = tpu.memref_slice %arg18[%add3A_279, %dma_start3A_288] : memref<10240x128xf32, #tpu.memory_space<vmem_shared>> -> memref<40x128xf32, #tpu.memory_space<vmem_shared>>
      tpu.enqueue_dma source(%dma_start3A_289 : memref<40x128xf32, #tpu.memory_space<vmem_shared>>) target(%dma_start3A_287 : memref<40x128xf32, #tpu.memory_space<hbm>>) target_semaphore(%run_scoped3A_284 : memref<!tpu.dma_semaphore, #tpu.memory_space<semaphore_mem>>)
      %dma_wait3A = arith.constant 0 : i32
      %dma_wait3A_290 = tpu.memref_slice %arg6[%arg0, %add3A_279, %dma_wait3A] : memref<2x10240x128xf32, #tpu.memory_space<hbm>> -> memref<1x40x128xf32, #tpu.memory_space<hbm>>
      %dma_wait3A_291 = tpu.memref_squeeze %dma_wait3A_290 : memref<1x40x128xf32, #tpu.memory_space<hbm>> -> memref<40x128xf32, #tpu.memory_space<hbm>>
      %dma_wait3A_292 = arith.constant 0 : i32
      %dma_wait3A_293 = tpu.memref_slice %arg18[%add3A_279, %dma_wait3A_292] : memref<10240x128xf32, #tpu.memory_space<vmem_shared>> -> memref<40x128xf32, #tpu.memory_space<vmem_shared>>
      tpu.wait_dma2 semaphore(%run_scoped3A_284 : memref<!tpu.dma_semaphore, #tpu.memory_space<semaphore_mem>>) src(%dma_wait3A_293 : memref<40x128xf32, #tpu.memory_space<vmem_shared>>) dst(%dma_wait3A_291 : memref<40x128xf32, #tpu.memory_space<hbm>>)
      tpu.yield
    }) : () -> ()
    %mul3A_280 = arith.constant 640 : i32
    %mul3A_281 = arith.muli %arg1, %mul3A_280 : i32
    %mul3A_282 = arith.constant 640 : i32
    %mul3A_283 = arith.muli %arg1, %mul3A_282 : i32
    "tpu.region"() ({
      %run_scoped3A_284 = tpu.sem_alloc : memref<!tpu.dma_semaphore, #tpu.memory_space<semaphore_mem>>
      %dma_start3A_285 = arith.constant 0 : i32
      %dma_start3A_286 = tpu.memref_slice %arg7[%arg0, %mul3A_283, %dma_start3A_285] : memref<2x10240x8xf32, #tpu.memory_space<hbm>> -> memref<1x640x8xf32, #tpu.memory_space<hbm>>
      %dma_start3A_287 = tpu.memref_squeeze %dma_start3A_286 : memref<1x640x8xf32, #tpu.memory_space<hbm>> -> memref<640x8xf32, #tpu.memory_space<hbm>>
      %dma_start3A_288 = arith.constant 0 : i32
      %dma_start3A_289 = tpu.memref_slice %arg19[%mul3A_281, %dma_start3A_288] : memref<10240x8xf32, #tpu.memory_space<vmem_shared>> -> memref<640x8xf32, #tpu.memory_space<vmem_shared>>
      tpu.enqueue_dma source(%dma_start3A_289 : memref<640x8xf32, #tpu.memory_space<vmem_shared>>) target(%dma_start3A_287 : memref<640x8xf32, #tpu.memory_space<hbm>>) target_semaphore(%run_scoped3A_284 : memref<!tpu.dma_semaphore, #tpu.memory_space<semaphore_mem>>)
      %dma_wait3A = arith.constant 0 : i32
      %dma_wait3A_290 = tpu.memref_slice %arg7[%arg0, %mul3A_283, %dma_wait3A] : memref<2x10240x8xf32, #tpu.memory_space<hbm>> -> memref<1x640x8xf32, #tpu.memory_space<hbm>>
      %dma_wait3A_291 = tpu.memref_squeeze %dma_wait3A_290 : memref<1x640x8xf32, #tpu.memory_space<hbm>> -> memref<640x8xf32, #tpu.memory_space<hbm>>
      %dma_wait3A_292 = arith.constant 0 : i32
      %dma_wait3A_293 = tpu.memref_slice %arg19[%mul3A_281, %dma_wait3A_292] : memref<10240x8xf32, #tpu.memory_space<vmem_shared>> -> memref<640x8xf32, #tpu.memory_space<vmem_shared>>
      tpu.wait_dma2 semaphore(%run_scoped3A_284 : memref<!tpu.dma_semaphore, #tpu.memory_space<semaphore_mem>>) src(%dma_wait3A_293 : memref<640x8xf32, #tpu.memory_space<vmem_shared>>) dst(%dma_wait3A_291 : memref<640x8xf32, #tpu.memory_space<hbm>>)
      tpu.yield
    }) : () -> ()
    return
  }
}

module attributes {stable_mosaic.version = 14 : i64} {
  func.func @_mm_body(%arg0: i32, %arg1: memref<4000x16xf32, #tpu.memory_space<vmem>>, %arg2: memref<16x128xf32, #tpu.memory_space<vmem>>, %arg3: memref<4000x128xf32, #tpu.memory_space<vmem>>) attributes {dimension_semantics = [#tpu.dimension_semantics<arbitrary>], iteration_bounds = array<i64: 80>, scalar_prefetch = 0 : i64, scratch_operands = 0 : i64, tpu.core_type = #tpu.core_type<tc>, window_params = [{transform_indices = @transform_0, window_bounds = array<i64: 4000, 16>}, {pipeline_mode = #tpu.pipeline_mode<synchronous>, transform_indices = @transform_1, window_bounds = array<i64: 16, 128>}, {transform_indices = @transform_2, window_bounds = array<i64: 4000, 128>}]} {
    %get3A = arith.constant 0 : index
    %get3A_0 = arith.constant 0 : index
    %get3A_1 = vector.load %arg1[%get3A, %get3A_0] : memref<4000x16xf32, #tpu.memory_space<vmem>>, vector<4000x16xf32>
    %get3A_2 = arith.constant 0 : index
    %get3A_3 = arith.constant 0 : index
    %get3A_4 = vector.load %arg2[%get3A_2, %get3A_3] : memref<16x128xf32, #tpu.memory_space<vmem>>, vector<16x128xf32>
    %dot_general3A = arith.constant dense<0.000000e+00> : vector<4000x128xf32>
    %dot_general3A_5 = tpu.matmul %get3A_1, %get3A_4, %dot_general3A {dimension_numbers = #tpu.dot_dimension_numbers<[1], [0], [0], [1], [0, 0, 1, 1], [], []>, transpose_lhs_hint = false} : vector<4000x16xf32>, vector<16x128xf32>, vector<4000x128xf32> -> vector<4000x128xf32>
    %swap3A = arith.constant 0 : index
    %swap3A_6 = arith.constant 0 : index
    %swap3A_7 = vector.load %arg3[%swap3A, %swap3A_6] : memref<4000x128xf32, #tpu.memory_space<vmem>>, vector<4000x128xf32>
    tpu.vector_store %arg3[%swap3A, %swap3A_6], %dot_general3A_5 {strides = array<i32>} : memref<4000x128xf32, #tpu.memory_space<vmem>>, vector<4000x128xf32>,
    return
  }
  func.func @transform_0(%arg0: i32) -> (i32, i32) {
    %c0_i32 = arith.constant 0 : i32
    %c0_i32_0 = arith.constant 0 : i32
    return %arg0, %c0_i32 : i32, i32
  }
  func.func @transform_1(%arg0: i32) -> (i32, i32) {
    %c0_i32 = arith.constant 0 : i32
    %c0_i32_0 = arith.constant 0 : i32
    %c0_i32_1 = arith.constant 0 : i32
    return %c0_i32, %c0_i32_0 : i32, i32
  }
  func.func @transform_2(%arg0: i32) -> (i32, i32) {
    %c0_i32 = arith.constant 0 : i32
    %c0_i32_0 = arith.constant 0 : i32
    return %arg0, %c0_i32 : i32, i32
  }
}

module attributes {stable_mosaic.version = 14 : i64} {
  func.func @_mm_bias_body(%arg0: i32, %arg1: memref<1000x128xf32, #tpu.memory_space<vmem>>, %arg2: memref<128x128xf32, #tpu.memory_space<vmem>>, %arg3: memref<1x128xf32, #tpu.memory_space<vmem>>, %arg4: memref<1000x128xf32, #tpu.memory_space<vmem>>) attributes {dimension_semantics = [#tpu.dimension_semantics<arbitrary>], iteration_bounds = array<i64: 10>, scalar_prefetch = 0 : i64, scratch_operands = 0 : i64, tpu.core_type = #tpu.core_type<tc>, window_params = [{transform_indices = @transform_0, window_bounds = array<i64: 1000, 128>}, {pipeline_mode = #tpu.pipeline_mode<synchronous>, transform_indices = @transform_1, window_bounds = array<i64: 128, 128>}, {pipeline_mode = #tpu.pipeline_mode<synchronous>, transform_indices = @transform_2, window_bounds = array<i64: 1, 128>}, {transform_indices = @transform_3, window_bounds = array<i64: 1000, 128>}]} {
    %get3A = arith.constant 0 : index
    %get3A_0 = arith.constant 0 : index
    %get3A_1 = vector.load %arg1[%get3A, %get3A_0] : memref<1000x128xf32, #tpu.memory_space<vmem>>, vector<1000x128xf32>
    %get3A_2 = arith.constant 0 : index
    %get3A_3 = arith.constant 0 : index
    %get3A_4 = vector.load %arg2[%get3A_2, %get3A_3] : memref<128x128xf32, #tpu.memory_space<vmem>>, vector<128x128xf32>
    %dot_general3A = arith.constant dense<0.000000e+00> : vector<1000x128xf32>
    %dot_general3A_5 = tpu.matmul %get3A_1, %get3A_4, %dot_general3A {dimension_numbers = #tpu.dot_dimension_numbers<[1], [0], [0], [1], [0, 0, 1, 1], [], []>, transpose_lhs_hint = false} : vector<1000x128xf32>, vector<128x128xf32>, vector<1000x128xf32> -> vector<1000x128xf32>
    %get3A_6 = arith.constant 0 : index
    %get3A_7 = arith.constant 0 : index
    %get3A_8 = vector.load %arg3[%get3A_6, %get3A_7] : memref<1x128xf32, #tpu.memory_space<vmem>>, vector<1x128xf32>
    %add3A = vector.broadcast %get3A_8 : vector<1x128xf32> to vector<1000x128xf32>
    %add3A_9 = arith.addf %dot_general3A_5, %add3A : vector<1000x128xf32>
    %swap3A = arith.constant 0 : index
    %swap3A_10 = arith.constant 0 : index
    %swap3A_11 = vector.load %arg4[%swap3A, %swap3A_10] : memref<1000x128xf32, #tpu.memory_space<vmem>>, vector<1000x128xf32>
    tpu.vector_store %arg4[%swap3A, %swap3A_10], %add3A_9 {strides = array<i32>} : memref<1000x128xf32, #tpu.memory_space<vmem>>, vector<1000x128xf32>,
    return
  }
  func.func @transform_0(%arg0: i32) -> (i32, i32) {
    %c0_i32 = arith.constant 0 : i32
    %c0_i32_0 = arith.constant 0 : i32
    return %arg0, %c0_i32 : i32, i32
  }
  func.func @transform_1(%arg0: i32) -> (i32, i32) {
    %c0_i32 = arith.constant 0 : i32
    %c0_i32_0 = arith.constant 0 : i32
    %c0_i32_1 = arith.constant 0 : i32
    return %c0_i32, %c0_i32_0 : i32, i32
  }
  func.func @transform_2(%arg0: i32) -> (i32, i32) {
    %c0_i32 = arith.constant 0 : i32
    %c0_i32_0 = arith.constant 0 : i32
    %c0_i32_1 = arith.constant 0 : i32
    return %c0_i32, %c0_i32_0 : i32, i32
  }
  func.func @transform_3(%arg0: i32) -> (i32, i32) {
    %c0_i32 = arith.constant 0 : i32
    %c0_i32_0 = arith.constant 0 : i32
    return %arg0, %c0_i32 : i32, i32
  }
}

module attributes {stable_mosaic.version = 14 : i64} {
  func.func @_post_body(%arg0: i32, %arg1: memref<2x1000x128xf32, #tpu.memory_space<vmem>>, %arg2: memref<2x1000x8xf32, #tpu.memory_space<vmem>>, %arg3: memref<1000x128xf32, #tpu.memory_space<vmem>>, %arg4: memref<128x128xf32, #tpu.memory_space<vmem>>, %arg5: memref<1x128xf32, #tpu.memory_space<vmem>>, %arg6: memref<256x128xf32, #tpu.memory_space<vmem>>, %arg7: memref<1x128xf32, #tpu.memory_space<vmem>>, %arg8: memref<128x128xf32, #tpu.memory_space<vmem>>, %arg9: memref<1x128xf32, #tpu.memory_space<vmem>>, %arg10: memref<1000x128xf32, #tpu.memory_space<vmem>>) attributes {dimension_semantics = [#tpu.dimension_semantics<arbitrary>], iteration_bounds = array<i64: 10>, scalar_prefetch = 0 : i64, scratch_operands = 0 : i64, tpu.core_type = #tpu.core_type<tc>, window_params = [{transform_indices = @transform_0, window_bounds = array<i64: 2, 1000, 128>}, {transform_indices = @transform_1, window_bounds = array<i64: 2, 1000, 8>}, {transform_indices = @transform_2, window_bounds = array<i64: 1000, 128>}, {pipeline_mode = #tpu.pipeline_mode<synchronous>, transform_indices = @transform_3, window_bounds = array<i64: 128, 128>}, {pipeline_mode = #tpu.pipeline_mode<synchronous>, transform_indices = @transform_4, window_bounds = array<i64: 1, 128>}, {pipeline_mode = #tpu.pipeline_mode<synchronous>, transform_indices = @transform_5, window_bounds = array<i64: 256, 128>}, {pipeline_mode = #tpu.pipeline_mode<synchronous>, transform_indices = @transform_6, window_bounds = array<i64: 1, 128>}, {pipeline_mode = #tpu.pipeline_mode<synchronous>, transform_indices = @transform_7, window_bounds = array<i64: 128, 128>}, {pipeline_mode = #tpu.pipeline_mode<synchronous>, transform_indices = @transform_8, window_bounds = array<i64: 1, 128>}, {transform_indices = @transform_9, window_bounds = array<i64: 1000, 128>}]} {
    %get3A = arith.constant 0 : index
    %get3A_0 = arith.constant 0 : index
    %get3A_1 = arith.constant 0 : index
    %get3A_2 = vector.load %arg1[%get3A, %get3A_0, %get3A_1] : memref<2x1000x128xf32, #tpu.memory_space<vmem>>, vector<1x1000x128xf32>
    %get3A_3 = vector.shape_cast %get3A_2 : vector<1x1000x128xf32> to vector<1000x128xf32>
    %get3A_4 = arith.constant 1 : index
    %get3A_5 = arith.constant 0 : index
    %get3A_6 = arith.constant 0 : index
    %get3A_7 = vector.load %arg1[%get3A_4, %get3A_5, %get3A_6] : memref<2x1000x128xf32, #tpu.memory_space<vmem>>, vector<1x1000x128xf32>
    %get3A_8 = vector.shape_cast %get3A_7 : vector<1x1000x128xf32> to vector<1000x128xf32>
    %add3A = arith.addf %get3A_3, %get3A_8 : vector<1000x128xf32>
    %get3A_9 = arith.constant 0 : index
    %get3A_10 = arith.constant 0 : index
    %get3A_11 = arith.constant 0 : index
    %get3A_12 = vector.load %arg2[%get3A_9, %get3A_10, %get3A_11] : memref<2x1000x8xf32, #tpu.memory_space<vmem>>, vector<1x1000x1xf32>
    %get3A_13 = vector.shape_cast %get3A_12 : vector<1x1000x1xf32> to vector<1000x1xf32>
    %get3A_14 = arith.constant 1 : index
    %get3A_15 = arith.constant 0 : index
    %get3A_16 = arith.constant 0 : index
    %get3A_17 = vector.load %arg2[%get3A_14, %get3A_15, %get3A_16] : memref<2x1000x8xf32, #tpu.memory_space<vmem>>, vector<1x1000x1xf32>
    %get3A_18 = vector.shape_cast %get3A_17 : vector<1x1000x1xf32> to vector<1000x1xf32>
    %add3A_19 = arith.addf %get3A_13, %get3A_18 : vector<1000x1xf32>
    %get3A_20 = arith.constant 0 : index
    %get3A_21 = arith.constant 0 : index
    %get3A_22 = vector.load %arg4[%get3A_20, %get3A_21] : memref<128x128xf32, #tpu.memory_space<vmem>>, vector<128x128xf32>
    %dot_general3A = arith.constant dense<0.000000e+00> : vector<1000x128xf32>
    %dot_general3A_23 = tpu.matmul %add3A, %get3A_22, %dot_general3A {dimension_numbers = #tpu.dot_dimension_numbers<[1], [0], [0], [1], [0, 0, 1, 1], [], []>, transpose_lhs_hint = false} : vector<1000x128xf32>, vector<128x128xf32>, vector<1000x128xf32> -> vector<1000x128xf32>
    %get3A_24 = arith.constant 0 : index
    %get3A_25 = arith.constant 0 : index
    %get3A_26 = vector.load %arg5[%get3A_24, %get3A_25] : memref<1x128xf32, #tpu.memory_space<vmem>>, vector<1x128xf32>
    %mul3A = vector.broadcast %add3A_19 : vector<1000x1xf32> to vector<1000x128xf32>
    %mul3A_27 = vector.broadcast %get3A_26 : vector<1x128xf32> to vector<1000x128xf32>
    %mul3A_28 = arith.mulf %mul3A, %mul3A_27 : vector<1000x128xf32>
    %add3A_29 = arith.addf %dot_general3A_23, %mul3A_28 : vector<1000x128xf32>
    %get3A_30 = arith.constant 0 : index
    %get3A_31 = arith.constant 0 : index
    %get3A_32 = vector.load %arg3[%get3A_30, %get3A_31] : memref<1000x128xf32, #tpu.memory_space<vmem>>, vector<1000x128xf32>
    %concatenate3A = tpu.concatenate %get3A_32, %add3A_29 in 1 : vector<1000x128xf32>, vector<1000x128xf32> -> vector<1000x256xf32>
    %get3A_33 = arith.constant 0 : index
    %get3A_34 = arith.constant 0 : index
    %get3A_35 = vector.load %arg6[%get3A_33, %get3A_34] : memref<256x128xf32, #tpu.memory_space<vmem>>, vector<256x128xf32>
    %dot_general3A_36 = arith.constant dense<0.000000e+00> : vector<1000x128xf32>
    %dot_general3A_37 = tpu.matmul %concatenate3A, %get3A_35, %dot_general3A_36 {dimension_numbers = #tpu.dot_dimension_numbers<[1], [0], [0], [1], [0, 0, 1, 1], [], []>, transpose_lhs_hint = false} : vector<1000x256xf32>, vector<256x128xf32>, vector<1000x128xf32> -> vector<1000x128xf32>
    %get3A_38 = arith.constant 0 : index
    %get3A_39 = arith.constant 0 : index
    %get3A_40 = vector.load %arg7[%get3A_38, %get3A_39] : memref<1x128xf32, #tpu.memory_space<vmem>>, vector<1x128xf32>
    %add3A_41 = vector.broadcast %get3A_40 : vector<1x128xf32> to vector<1000x128xf32>
    %add3A_42 = arith.addf %dot_general3A_37, %add3A_41 : vector<1000x128xf32>
    %max3A = arith.constant 0.000000e+00 : f32
    %max3A_43 = vector.broadcast %max3A : f32 to vector<1000x128xf32>
    %max3A_44 = arith.maximumf %add3A_42, %max3A_43 : vector<1000x128xf32>
    %get3A_45 = arith.constant 0 : index
    %get3A_46 = arith.constant 0 : index
    %get3A_47 = vector.load %arg8[%get3A_45, %get3A_46] : memref<128x128xf32, #tpu.memory_space<vmem>>, vector<128x128xf32>
    %dot_general3A_48 = arith.constant dense<0.000000e+00> : vector<1000x128xf32>
    %dot_general3A_49 = tpu.matmul %max3A_44, %get3A_47, %dot_general3A_48 {dimension_numbers = #tpu.dot_dimension_numbers<[1], [0], [0], [1], [0, 0, 1, 1], [], []>, transpose_lhs_hint = false} : vector<1000x128xf32>, vector<128x128xf32>, vector<1000x128xf32> -> vector<1000x128xf32>
    %get3A_50 = arith.constant 0 : index
    %get3A_51 = arith.constant 0 : index
    %get3A_52 = vector.load %arg9[%get3A_50, %get3A_51] : memref<1x128xf32, #tpu.memory_space<vmem>>, vector<1x128xf32>
    %add3A_53 = vector.broadcast %get3A_52 : vector<1x128xf32> to vector<1000x128xf32>
    %add3A_54 = arith.addf %dot_general3A_49, %add3A_53 : vector<1000x128xf32>
    %swap3A = arith.constant 0 : index
    %swap3A_55 = arith.constant 0 : index
    %swap3A_56 = vector.load %arg10[%swap3A, %swap3A_55] : memref<1000x128xf32, #tpu.memory_space<vmem>>, vector<1000x128xf32>
    tpu.vector_store %arg10[%swap3A, %swap3A_55], %add3A_54 {strides = array<i32>} : memref<1000x128xf32, #tpu.memory_space<vmem>>, vector<1000x128xf32>,
    return
  }
  func.func @transform_0(%arg0: i32) -> (i32, i32, i32) {
    %c0_i32 = arith.constant 0 : i32
    %c0_i32_0 = arith.constant 0 : i32
    %c0_i32_1 = arith.constant 0 : i32
    return %c0_i32, %arg0, %c0_i32_0 : i32, i32, i32
  }
  func.func @transform_1(%arg0: i32) -> (i32, i32, i32) {
    %c0_i32 = arith.constant 0 : i32
    %c0_i32_0 = arith.constant 0 : i32
    %c0_i32_1 = arith.constant 0 : i32
    return %c0_i32, %arg0, %c0_i32_0 : i32, i32, i32
  }
  func.func @transform_2(%arg0: i32) -> (i32, i32) {
    %c0_i32 = arith.constant 0 : i32
    %c0_i32_0 = arith.constant 0 : i32
    return %arg0, %c0_i32 : i32, i32
  }
  func.func @transform_3(%arg0: i32) -> (i32, i32) {
    %c0_i32 = arith.constant 0 : i32
    %c0_i32_0 = arith.constant 0 : i32
    %c0_i32_1 = arith.constant 0 : i32
    return %c0_i32, %c0_i32_0 : i32, i32
  }
  func.func @transform_4(%arg0: i32) -> (i32, i32) {
    %c0_i32 = arith.constant 0 : i32
    %c0_i32_0 = arith.constant 0 : i32
    %c0_i32_1 = arith.constant 0 : i32
    return %c0_i32, %c0_i32_0 : i32, i32
  }
  func.func @transform_5(%arg0: i32) -> (i32, i32) {
    %c0_i32 = arith.constant 0 : i32
    %c0_i32_0 = arith.constant 0 : i32
    %c0_i32_1 = arith.constant 0 : i32
    return %c0_i32, %c0_i32_0 : i32, i32
  }
  func.func @transform_6(%arg0: i32) -> (i32, i32) {
    %c0_i32 = arith.constant 0 : i32
    %c0_i32_0 = arith.constant 0 : i32
    %c0_i32_1 = arith.constant 0 : i32
    return %c0_i32, %c0_i32_0 : i32, i32
  }
  func.func @transform_7(%arg0: i32) -> (i32, i32) {
    %c0_i32 = arith.constant 0 : i32
    %c0_i32_0 = arith.constant 0 : i32
    %c0_i32_1 = arith.constant 0 : i32
    return %c0_i32, %c0_i32_0 : i32, i32
  }
  func.func @transform_8(%arg0: i32) -> (i32, i32) {
    %c0_i32 = arith.constant 0 : i32
    %c0_i32_0 = arith.constant 0 : i32
    %c0_i32_1 = arith.constant 0 : i32
    return %c0_i32, %c0_i32_0 : i32, i32
  }
  func.func @transform_9(%arg0: i32) -> (i32, i32) {
    %c0_i32 = arith.constant 0 : i32
    %c0_i32_0 = arith.constant 0 : i32
    return %arg0, %c0_i32 : i32, i32
  }
}

</mosaic_0001>

<sc_bundles>
// kernel: kernel.6.cloned.1.call-start
scs
__scs_entry_jumppad:
0x0: {  	(pc) =	sbr.rel $0x88, $3  }
0x1: {  	(tag) =	ssettag $0x0;
	lr =	simm.s32 $0x1  }
0x2: {  	[smem:$0x3F95] =	sst lr;
	_ =	strace $0xD0000000  }
0x3: {  	_ = 	snop  }
0x4: {  	_ = 	snop  }
0x5: {  	_ = 	snop  }
0x6: {  	_ = 	snop  }
0x7: {  	_ = 	snop  }
__scs_overlays_trampoline_lowered:
0x8: {  	[smem:$0x3FA4] =	sst s0  }
0x9: {  	[smem:$0x3FA5] =	sst s1  }
0xa: {  	[smem:$0x3FA6] =	sst s2  }
0xb: {  	[smem:$0x3FA7] =	sst s3  }
0xc: {  	[smem:$0x3FA8] =	sst s4  }
0xd: {  	[smem:$0x3FA9] =	sst s5  }
0xe: {  	[smem:$0x3FAA] =	sst s6  }
0xf: {  	[smem:$0x3FAB] =	sst s7  }
0x10: {  	[smem:$0x3FAC] =	sst s8  }
0x11: {  	[smem:$0x3FAD] =	sst s9;
	s0 =	simm.s32 @!p0 $0x0  }
0x12: {  	s1 =	sld [smem:$0x3F93];
	s0 =	simm.s32 @p0 $0x1  }
0x13: {  	[smem:$0x3FAE] =	sst s0;
	s0 =	simm.s32 @!p1 $0x0  }
0x14: {  	s2 =	sld [smem:$0x3F92];
	s0 =	simm.s32 @p1 $0x1  }
0x15: {  	[smem:$0x3FAF] =	sst s0;
	s0 =	simm.s32 @!p2 $0x0  }
0x16: {  	s3 =	sld [smem:$0x3FDB];
	s0 =	simm.s32 @p2 $0x1  }
0x17: {  	s4 =	simm.s32 $0x1BF5;
	[smem:$0x3FB1] =	sst s0  }
0x18: {  	s0 =	sld [smem:$0x3F94];
	_ =	swait.ge [sflag:s4], $0x0  }
0x19: {  	s7 =	sld [smem:$0x3F95]  }
0x1a: {  	s8 =	sadd.s32 $0xFFFFE003, lr  }
0x1b: {  	s9 =	sadd.s32 $0xFFFFFEF7, lr;
	s5 =	simm.s32 $0xFFFFFFFF;
	p2 =	slt.u32 s8, $0xFFFFF086  }
0x1c: {  	p1 =	slt.u32 s9, $0xF7A;
	s5 =	simm.s32 @!p2 $0x0  }
0x1d: {  	s5 =	simm.s32 @p1 $0x1;
	p0 =	seq.s32 s7, s2  }
0x1e: {  	s7 =	smul.u32 @!p0 $0xF7A, s2;
	p2 =	seq.s32 @!p0 s5, $0x0  }
0x1f: {  	s9 =	smul.u32 $0xF7A, s1;
	s8 =	simm.s32 @!p0 $0x1BF5;
	p2 =	por !p2, p0  }
0x20: {  	[sflag:s8] =	ssyncset.s32 @!p0 $0xFFFFF086;
	s6 =	sadd.s32 @!p0 s3, s7;
	s7 =	simm.s32 @!p0 $0x108  }
0x21: {  	s3 =	sadd.s32 s3, s9;
	s6 =	sadd.s32 @!p0 $0x88, s6;
	s7 =	simm.s32 @p2 $0x1082  }
0x22: {  	[simem:s7], [sflag:s8] =	dma.local @!p0 [hbm:s6], $0xF7A  }
0x23: {  	s9 =	sor.u32 $0xD0000000, s2;
	s6 =	simm.s32 $0x108;
	_ =	swait.ge @!p0 [sflag:s8], $0x0  }
0x24: {  	s3 =	sadd.s32 $0x88, s3;
	s6 =	simm.s32 @!p1 $0x1082;
	[sflag:s4] =	ssyncset.s32 $0xFFFFF086  }
0x25: {  	[simem:s6], [sflag:s4] =	dma.local [hbm:s3], $0xF7A  }
0x26: {  	[smem:$0x3F95] =	sst s1;
	(tag) =	ssettag s2;
	_ =	strace s9  }
0x27: {  	s1 =	sld [smem:$0x3FA5]  }
0x28: {  	s2 =	sld [smem:$0x3FA6]  }
0x29: {  	s4 =	sld [smem:$0x3FA8]  }
0x2a: {  	p0 =	seq.s32 s5, $0x0;
	s5 =	sld [smem:$0x3FA9]  }
0x2b: {  	s6 =	sld [smem:$0x3FAA]  }
0x2c: {  	s7 =	sld [smem:$0x3FAB]  }
0x2d: {  	s3 =	simm.s32 $0x108;
	s8 =	sld [smem:$0x3FAC]  }
0x2e: {  	s3 =	simm.s32 @!p0 $0x1082;
	s9 =	sld [smem:$0x3FAD]  }
0x2f: {  	lr =	sadd.s32 s0, s3;
	s0 =	sld [smem:$0x3FA4]  }
0x30: {  	s3 =	sld [smem:$0x3FA7]  }
0x31: {  	[smem:$0x3FB0] =	sst s10  }
0x32: {  	s10 =	sld [smem:$0x3FAE];
	_ =	sdelay $0x3  }
0x33: {  	p0 =	seq.s32 s10, $0x1;
	s10 =	sld [smem:$0x3FB0];
	_ =	sdelay $0x3  }
0x34: {  	[smem:$0x3FB0] =	sst s10  }
0x35: {  	s10 =	sld [smem:$0x3FAF];
	_ =	sdelay $0x3  }
0x36: {  	p1 =	seq.s32 s10, $0x1;
	s10 =	sld [smem:$0x3FB0];
	_ =	sdelay $0x3  }
0x37: {  	[smem:$0x3FB0] =	sst s10  }
0x38: {  	s10 =	sld [smem:$0x3FB1]  }
0x39: {  	_ = 	snop;
	(pc) =	sbr.ind lr, $3  }
0x3a: {  	_ = 	snop  }
0x3b: {  	_ = 	snop  }
0x3c: {  	p2 =	seq.s32 s10, $0x1;
	s10 =	sld [smem:$0x3FB0]  }
0x3d: {  	_ =	shalt  }
0x3e: {  	_ =	shalt  }
0x3f: {  	_ =	shalt  }
0x40: {  	_ =	shalt  }
0x41: {  	_ =	shalt  }
0x42: {  	_ =	shalt  }
0x43: {  	_ =	shalt  }
0x44: {  	_ =	shalt  }
0x45: {  	_ =	shalt  }
0x46: {  	_ =	shalt  }
0x47: {  	_ =	shalt  }
0x48: {  	_ =	shalt  }
0x49: {  	_ =	shalt  }
0x4a: {  	_ =	shalt  }
0x4b: {  	_ =	shalt  }
0x4c: {  	_ =	shalt  }
0x4d: {  	_ =	shalt  }
0x4e: {  	_ =	shalt  }
0x4f: {  	_ =	shalt  }
0x50: {  	_ =	shalt  }
0x51: {  	_ =	shalt  }
0x52: {  	_ =	shalt  }
0x53: {  	_ =	shalt  }
0x54: {  	_ =	shalt  }
0x55: {  	_ =	shalt  }
0x56: {  	_ =	shalt  }
0x57: {  	_ =	shalt  }
0x58: {  	_ =	shalt  }
0x59: {  	_ =	shalt  }
0x5a: {  	_ =	shalt  }
0x5b: {  	_ =	shalt  }
0x5c: {  	_ =	shalt  }
0x5d: {  	_ =	shalt  }
0x5e: {  	_ =	shalt  }
0x5f: {  	_ =	shalt  }
0x60: {  	_ =	shalt  }
0x61: {  	_ =	shalt  }
0x62: {  	_ =	shalt  }
0x63: {  	_ =	shalt  }
0x64: {  	_ =	shalt  }
0x65: {  	_ =	shalt  }
0x66: {  	_ =	shalt  }
0x67: {  	_ =	shalt  }
0x68: {  	_ =	shalt  }
0x69: {  	_ =	shalt  }
0x6a: {  	_ =	shalt  }
0x6b: {  	_ =	shalt  }
0x6c: {  	_ =	shalt  }
0x6d: {  	_ =	shalt  }
0x6e: {  	_ =	shalt  }
0x6f: {  	_ =	shalt  }
0x70: {  	_ =	shalt  }
0x71: {  	_ =	shalt  }
0x72: {  	_ =	shalt  }
0x73: {  	_ =	shalt  }
0x74: {  	_ =	shalt  }
0x75: {  	_ =	shalt  }
0x76: {  	_ =	shalt  }
0x77: {  	_ =	shalt  }
0x78: {  	_ =	shalt  }
0x79: {  	_ =	shalt  }
0x7a: {  	_ =	shalt  }
0x7b: {  	_ =	shalt  }
0x7c: {  	_ =	shalt  }
0x7d: {  	_ =	shalt  }
0x7e: {  	_ =	shalt  }
0x7f: {  	_ =	shalt  }
0x80: {  	_ =	shalt  }
0x81: {  	_ =	shalt  }
0x82: {  	_ =	shalt  }
0x83: {  	_ =	shalt  }
0x84: {  	_ =	shalt  }
0x85: {  	_ =	shalt  }
0x86: {  	_ =	shalt  }
0x87: {  	_ =	shalt  }
.Lfunc_end0:
.L_simem_size_0:
called_computation_lowered:
.L_overlay_start_0:
0x88: {  	s2 =	sld [smem:$0x3FD9]  }
0x89: {  	s3 =	sld [smem:$0x3FFE];
	_ =	sdelay $0x1  }
0x8a: {  	s1 =	srdreg.scid  }
0x8b: {  	s0 =	sand.u32 $0x1, s1  }
0x8c: {  	s17 =	sshll.u32 s0, $0xA;
	s2 =	sadd.s32 s3, s2  }
0x8d: {  	s2 =	sadd.s32 s2, s17  }
0x8e: {  	[smem:$0x3FBC] =	sst s2  }
0x8f: {  	_ = 	snop  }
0x90: {  	s2 =	sld [smem:$0x3FD0];
	(tm) =	ssettm $0x1  }
0x91: {  	s18 =	sld [smem:$0x3FFB];
	_ =	sdelay $0x3  }
0x92: {  	_ =	strace s18  }
0x93: {  	s3 =	sld [smem:$0x3FFC];
	_ =	sdelay $0x3  }
0x94: {  	_ =	strace s3  }
0x95: {  	s3 =	sld [smem:$0x3FFD];
	_ =	sdelay $0x3  }
0x96: {  	_ =	strace s3  }
0x97: {  	_ =	strace $0x8FFFFFFF  }
0x98: {  	s19 =	sld [smem:$0x3FDB];
	_ =	sdelay $0x1  }
0x99: {  	s4 =	simm.s32 $_scs_section_size  }
0x9a: {  	s5 =	simm.s32 $_size__tile_overlayer_lowered;
	s6 =	simm.s32 $_tile_overlayer_lowered  }
0x9b: {  	s22 =	simm.s32 $0x1BFF;
	s21 =	sshll.u32 s6, $0x1;
	s3 =	sadd.s32 s4, s19  }
0x9c: {  	s7 =	simm.s32 $0x0;
	s20 =	sshll.u32 s5, $0x1;
	s5 =	sadd.s32 s21, s3  }
0x9d: {  	[timem:s7], [sflag:s22] =	dma.local [hbm:s5], s20  }
0x9e: {  	_ =	swait.ge [sflag:s22], s20  }
0x9f: {  	s4 =	ssub.s32 $0x0, s20;
	[sflag:s22] =	ssyncset.done $0x0  }
0xa0: {  	[sflag:s22] =	ssyncadd.s32 s4;
	_ =	sdelay $0x1  }
0xa1: {  	s23 =	simm.s32 $0x1B8B  }
0xa2: {  	_ =	swait.ge [sflag:s23], $0x1  }
0xa3: {  	[sflag:s23] =	ssyncset.done $0x0  }
0xa4: {  	s25 =	simm.s32 $0x1B8E;
	s24 =	sld [smem:$0x3FFE];
	[sflag:s23] =	ssyncadd.s32 $0xFFFFFFFF  }
0xa5: {  	s26 =	simm.s32 $execute0_lowered;
	[smem:$0x3FD2] =	sst s25  }
0xa6: {  	s5 =	sshll.u32 s26, $0x1;
	_ =	strace $0x80000046;
	[dreg:$0x1] =	wrdreg $0xFFFFFFFF  }
0xa7: {  	s28 =	simm.s32 $_size_execute0_lowered;
	s3 =	sadd.s32 s3, s5;
	[dreg:$0x0] =	wrdreg $0x0  }
0xa8: {  	s5 =	sshll.u32 s28, $0x1;
	[dreg:$0x2] =	wrdreg s3  }
0xa9: {  	[dreg:$0x3] =	wrdreg s5  }
0xaa: {  	[dreg:$0x4] =	wrdreg $0xC0  }
0xab: {  	_ =	task [dreg:s7], $0x5FFFF  }
0xac: {  	[dreg:$0x1] =	wrdreg $0xFFFFFFFF  }
0xad: {  	[dreg:$0x0] =	wrdreg $0x60  }
0xae: {  	[dreg:$0x2] =	wrdreg s2  }
0xaf: {  	[dreg:$0x3] =	wrdreg s24  }
0xb0: {  	[dreg:$0x4] =	wrdreg $0xA0A00  }
0xb1: {  	[dreg:$0x5] =	wrdreg $0x1E0A00  }
0xb2: {  	[dreg:$0x6] =	wrdreg $0x9  }
0xb3: {  	_ =	task.clear_ibuf [dreg:s7], $0x7FFFF;
	_ =	strace $0x90000046  }
0xb4: {  	s29 =	simm.s32 $0x9;
	_ =	strace $0x80000048  }
0xb5: {  	_ =	swait.ge [sflag:s29], $0x1  }
0xb6: {  	[sflag:s29] =	ssyncadd.s32 $0xFFFFFFFF  }
0xb7: {  	_ =	strace $0x90000048  }
0xb8: {  	_ =	sfence  }
0xb9: {  	s30 =	sld [smem:$0x0];
	_ =	sdelay $0x2  }
0xba: {  	s31 =	sshll.u32 s1, $0xD;
	s1 =	sshrl.u32 s1, $0x2  }
0xbb: {  	s3 =	sand.u32 $0x4000, s31;
	s1 =	sadd.s32 s1, s30  }
0xbc: {  	s0 =	sor.u32 s3, s0;
	s1 =	sshll.u32 s1, $0x11  }
0xbd: {  	s0 =	sor.u32 s1, s0  }
0xbe: {  	s0 =	sadd.s32 $0x8F2B, s0  }
0xbf: {  	[sflag:s0] =	ssyncadd.remote.s32 $0x1  }
0xc0: {  	_ =	sfence.sel $0xFFFF  }
0xc1: {  	[dreg:$0x0] =	wrdreg $0xFFFFFFFF;
	(pc) =	sbr.abs _section_cstart, $3  }
0xc2: {  	[dreg:$0x1] =	wrdreg $0xFFFFFFFF  }
0xc3: {  	_ =	task.clear_ibuf [dreg:s7], $0x2FFFF;
	_ =	strace $0x9FFFFFFF  }
0xc4: {  	(tm) =	ssettm $0x7FFFFFFF  }
0xc5: {  	_ =	shalt  }
tec
execute0_lowered:
.L_overlay_start_1:
0x0: {  	(tag) =	ssettag $0x1  }
0x1: {  	s15 =	stileid.u32  }
0x2: {  	s0 =	srdreg.scid;
	s3 =	smul.u32 $0x2710, s15  }
0x3: {  	s23 =	rddreg [dreg:$0x1];
	s5 =	smul.u32 $0x280, s15  }
0x4: {  	s1 =	simm.s32 $0x0;
	s0 =	sand.u32 $0x1, s0;
	s24 =	smul.u32 $0x14000, s15  }
0x5: {  	[smem:$0x7FF] =	sst s1;
	s6 =	smul.u32 $0x14000, s0  }
0x6: {  	s22 =	sadd.s32 $0x1AE00, s23;
	s2 =	smul.u32 $0x27100, s0;
	s4 =	ssub.s32 $0x2, s0  }
0x7: {  	s17 =	smul.u32 $0x140000, s0;
	s10 =	sadd.s32 $0xC8, s5;
	[smem:$0x7DF] =	sst s6  }
0x8: {  	s26 =	sshrl.u32 s4, $0x1;
	s12 =	sadd.s32 $0xF0, s5;
	[smem:$0x7E0] =	sst s10  }
0x9: {  	s19 =	sor.u32 $0x28, s5;
	s20 =	sadd.s32 $0x118, s5;
	[smem:$0x7E3] =	sst s12  }
0xa: {  	s16 =	sor.u32 $0x50, s5;
	s11 =	sadd.s32 $0x140, s5;
	[smem:$0x7E4] =	sst s20  }
0xb: {  	s18 =	sor.u32 $0x78, s5;
	s13 =	sadd.s32 $0x168, s5;
	[smem:$0x7E8] =	sst s11  }
0xc: {  	s14 =	sadd.s32 $0xA0, s5;
	s9 =	sadd.s32 $0x1B8, s5;
	[smem:$0x7E9] =	sst s13  }
0xd: {  	s7 =	sadd.s32 $0x1E0, s5;
	s8 =	sadd.s32 $0x208, s5;
	[smem:$0x7ED] =	sst s9  }
0xe: {  	s2 =	sadd.s32 s3, s2;
	s3 =	ssub.s32 s4, s26;
	[smem:$0x7F0] =	sst s7  }
0xf: {  	s21 =	sshll.u32 s19, $0x7;
	s6 =	sadd.s32 $0x190, s5;
	[smem:$0x7F1] =	sst s8  }
0x10: {  	s4 =	sadd.s32 $0x230, s5;
	s5 =	sadd.s32 $0x258, s5;
	s0 =	sadd.s32 s24, s17  }
0x11: {  	s25 =	sshll.u32 s16, $0x7;
	s28 =	sshll.u32 s18, $0x7;
	[smem:$0x7FA] =	sst s3  }
0x12: {  	s29 =	sshll.u32 s14, $0x7;
	s30 =	sshll.u32 s20, $0x7;
	[smem:$0x7EC] =	sst s6  }
0x13: {  	[smem:$0x7F4] =	sst s4;
	s0 =	sshrl.u32 s0, $0x3;
	s31 =	sadd.s32 s17, s21  }
0x14: {  	s0 =	sadd.s32 s22, s0;
	s26 =	sshrl.u32 s31, $0x3;
	s31 =	sadd.s32 s17, s25  }
0x15: {  	[dreg:$0x5] =	wrdreg s0;
	s0 =	sadd.s32 s22, s26;
	s3 =	sshrl.u32 s31, $0x3  }
0x16: {  	s26 =	sadd.s32 s17, s28;
	[dreg:$0x6] =	wrdreg s0;
	s0 =	sadd.s32 s22, s3  }
0x17: {  	s31 =	sadd.s32 s17, s29;
	[dreg:$0x7] =	wrdreg s0;
	s0 =	sshrl.u32 s26, $0x3  }
0x18: {  	s3 =	sshrl.u32 s31, $0x3;
	s26 =	sshll.u32 s10, $0x7;
	s0 =	sadd.s32 s22, s0  }
0x19: {  	s10 =	sadd.s32 s17, s26;
	[dreg:$0x8] =	wrdreg s0;
	s0 =	sadd.s32 s22, s3  }
0x1a: {  	s31 =	sshrl.u32 s10, $0x3;
	s10 =	sshll.u32 s12, $0x7;
	[dreg:$0x9] =	wrdreg s0  }
0x1b: {  	s0 =	sadd.s32 s22, s31;
	s3 =	sadd.s32 s17, s10;
	s31 =	sshll.u32 s11, $0x7  }
0x1c: {  	s11 =	sadd.s32 s17, s30;
	[dreg:$0xa] =	wrdreg s0;
	s0 =	sshrl.u32 s3, $0x3  }
0x1d: {  	s12 =	sshrl.u32 s11, $0x3;
	s20 =	sadd.s32 s17, s31;
	s0 =	sadd.s32 s22, s0  }
0x1e: {  	s11 =	sshrl.u32 s20, $0x3;
	[dreg:$0xb] =	wrdreg s0;
	s0 =	sadd.s32 s22, s12  }
0x1f: {  	s12 =	sshll.u32 s13, $0x7;
	[dreg:$0xc] =	wrdreg s0;
	s0 =	sadd.s32 s22, s11  }
0x20: {  	s11 =	sshll.u32 s6, $0x7;
	s13 =	sadd.s32 s17, s12;
	[dreg:$0xd] =	wrdreg s0  }
0x21: {  	s0 =	sshrl.u32 s13, $0x3;
	s13 =	sshll.u32 s9, $0x7;
	s20 =	sadd.s32 s17, s11  }
0x22: {  	s0 =	sadd.s32 s22, s0;
	s6 =	sshrl.u32 s20, $0x3;
	s9 =	sadd.s32 s17, s13  }
0x23: {  	[dreg:$0xe] =	wrdreg s0;
	s0 =	sadd.s32 s22, s6;
	s3 =	sshrl.u32 s9, $0x3  }
0x24: {  	s6 =	sshll.u32 s7, $0x7;
	s9 =	sshll.u32 s8, $0x7;
	s8 =	sshll.u32 s4, $0x7  }
0x25: {  	[dreg:$0xf] =	wrdreg s0;
	s20 =	sadd.s32 s22, s3;
	s0 =	sadd.s32 s17, s6  }
0x26: {  	s4 =	sadd.s32 s17, s9;
	s7 =	sadd.s32 s17, s8;
	s3 =	sshrl.u32 s0, $0x3  }
0x27: {  	[dreg:$0x10] =	wrdreg s20;
	s0 =	sshrl.u32 s4, $0x3;
	s3 =	sadd.s32 s22, s3  }
0x28: {  	s4 =	smul.u32 $0x1400, s15;
	s0 =	sadd.s32 s22, s0;
	[dreg:$0x11] =	wrdreg s3  }
0x29: {  	[dreg:$0x12] =	wrdreg s0;
	s0 =	sshrl.u32 s7, $0x3;
	s7 =	sshll.u32 s5, $0x7  }
0x2a: {  	s20 =	sadd.s32 s17, s7;
	s17 =	rddreg [dreg:$0x0];
	s15 =	sadd.s32 s22, s0  }
0x2b: {  	[dreg:$0x13] =	wrdreg s15;
	s0 =	sshrl.u32 s20, $0x3  }
0x2c: {  	s15 =	sadd.s32 s22, s0;
	s22 =	sld [smem:$0x7DF]  }
0x2d: {  	s20 =	rddreg [dreg:$0x2]  }
0x2e: {  	s24 =	sadd.s32 s24, s20;
	[dreg:$0x14] =	wrdreg s15  }
0x2f: {  	s0 =	sadd.s32 s4, s22;
	s22 =	rddreg [dreg:$0x3];
	_ =	strace $0x80000047  }
0x30: {  	[dreg:$0x15] =	wrdreg s24;
	s24 =	sshll.u32 s19, $0x3;
	s19 =	sadd.s32 s21, s20  }
0x31: {  	s21 =	sadd.s32 s25, s20;
	[dreg:$0x17] =	wrdreg s19  }
0x32: {  	s25 =	sshll.u32 s18, $0x3;
	[dreg:$0x19] =	wrdreg s21  }
0x33: {  	s4 =	sadd.s32 s4, s22;
	s21 =	sshll.u32 s14, $0x3;
	s14 =	sld [smem:$0x7E4]  }
0x34: {  	s18 =	sadd.s32 s25, s22;
	[dreg:$0x16] =	wrdreg s4  }
0x35: {  	s19 =	sadd.s32 s29, s20;
	[dreg:$0x1c] =	wrdreg s18  }
0x36: {  	s25 =	sadd.s32 s26, s20;
	[dreg:$0x1d] =	wrdreg s19  }
0x37: {  	s15 =	sshrl.u32 s2, $0x3;
	[dreg:$0x1f] =	wrdreg s25  }
0x38: {  	s3 =	sshrl.u32 s0, $0x3;
	s0 =	sadd.s32 s15, s23;
	s19 =	sld [smem:$0x7E8]  }
0x39: {  	s15 =	sadd.s32 s3, s23;
	s3 =	sadd.s32 s24, s22;
	s25 =	sld [smem:$0x7EC]  }
0x3a: {  	s24 =	sshll.u32 s16, $0x3;
	s16 =	sadd.s32 s28, s20;
	[dreg:$0x18] =	wrdreg s3  }
0x3b: {  	[dreg:$0x1b] =	wrdreg s16  }
0x3c: {  	s3 =	sadd.s32 s24, s22;
	s24 =	sld [smem:$0x7E0]  }
0x3d: {  	s16 =	sadd.s32 s30, s20;
	[dreg:$0x1a] =	wrdreg s3  }
0x3e: {  	[smem:$0x7E6] =	sst s16  }
0x3f: {  	s3 =	sadd.s32 s21, s22;
	s21 =	sld [smem:$0x7E9]  }
0x40: {  	s16 =	sadd.s32 s13, s20;
	s13 =	sld [smem:$0x7F4]  }
0x41: {  	s12 =	sadd.s32 s12, s20;
	[dreg:$0x1e] =	wrdreg s3;
	s4 =	sshll.u32 s24, $0x3  }
0x42: {  	s26 =	sadd.s32 s4, s22;
	s4 =	sadd.s32 s10, s20;
	s10 =	sld [smem:$0x7E3]  }
0x43: {  	s7 =	sadd.s32 s7, s20;
	s29 =	simm.s32 $0x0;
	[smem:$0x7E1] =	sst s26  }
0x44: {  	s23 =	sadd.s32 $0x4F7E00, s23;
	[smem:$0x7E2] =	sst s4;
	s4 =	sshll.u32 s14, $0x3  }
0x45: {  	s28 =	simm.s32 $0x8A20;
	s26 =	sld [smem:$0x7ED];
	s18 =	sadd.s32 s4, s22  }
0x46: {  	s4 =	sshll.u32 s21, $0x3;
	s21 =	sadd.s32 s6, s20;
	s6 =	sld [smem:$0x7F1]  }
0x47: {  	s3 =	sshll.u32 s10, $0x3;
	[smem:$0x7E7] =	sst s18;
	s24 =	sadd.s32 s4, s22  }
0x48: {  	s30 =	sadd.s32 s9, s20;
	s3 =	sadd.s32 s3, s22;
	[smem:$0x7EB] =	sst s24  }
0x49: {  	s10 =	sadd.s32 s31, s20;
	s4 =	sshll.u32 s26, $0x3;
	[smem:$0x7E5] =	sst s3  }
0x4a: {  	s24 =	sadd.s32 $0xC000, s0;
	s31 =	sadd.s32 s4, s22;
	s4 =	sld [smem:$0x7F0]  }
0x4b: {  	s9 =	simm.s32 $0x5;
	s0 =	sadd.s32 $0x2200, s0;
	[smem:$0x7F7] =	sst s24  }
0x4c: {  	s14 =	sadd.s32 s11, s20;
	s26 =	sadd.s32 $0x15E00, s15;
	[smem:$0x7F8] =	sst s0  }
0x4d: {  	s18 =	sshll.u32 s5, $0x3;
	s5 =	simm.s32 $0x4E20;
	[smem:$0x7F9] =	sst s26  }
0x4e: {  	s3 =	sshll.u32 s19, $0x3;
	s19 =	sadd.s32 s18, s22;
	[smem:$0x7EF] =	sst s31  }
0x4f: {  	s15 =	simm.s32 $0x3;
	s18 =	simm.s32 $0x6220;
	[smem:$0x7F6] =	sst s19  }
0x50: {  	s24 =	simm.s32 $0x9F60;
	s3 =	sadd.s32 s3, s22;
	s31 =	sld [smem:$0x7FA]  }
0x51: {  	s26 =	simm.s32 $0x4;
	[smem:$0x7EA] =	sst s3;
	s3 =	sshll.u32 s25, $0x3  }
0x52: {  	s19 =	simm.s32 $0x1;
	s25 =	sshll.u32 s2, $0x4;
	s3 =	sadd.s32 s3, s22  }
0x53: {  	s0 =	sadd.s32 s23, s25;
	[smem:$0x7EE] =	sst s3;
	s3 =	sshll.u32 s4, $0x3  }
0x54: {  	s4 =	sshll.u32 s6, $0x3;
	[smem:$0x7FC] =	sst s0;
	s0 =	sadd.s32 $0x280, s0  }
.Ltmp0:
0x55: {  	s3 =	sadd.s32 s3, s22;
	[smem:$0x7FD] =	sst s0;
	(pc) =	sbr.rel .LBB2_1-.Ltmp0, $4  }
0x56: {  	s11 =	sadd.s32 s4, s22;
	s4 =	sshll.u32 s13, $0x3;
	[smem:$0x7F2] =	sst s3  }
0x57: {  	s25 =	simm.s32 $0x2;
	[smem:$0x7F3] =	sst s11;
	s4 =	sadd.s32 s4, s22  }
0x58: {  	s13 =	simm.s32 $0x28;
	[smem:$0x7F5] =	sst s4;
	s4 =	smax.u32 s31, $0x1  }
0x59: {  	v0 =	vimm.f32 $0.0e+00;
	v1 =	vimm.f32 $1.000000000e+00;
	s3 =	sadd.s32 s8, s20;
	s11 =	simm.s32 $0x9E20;
	[smem:$0x7FB] =	sst s4  }
.LBB2_12:
0x5a: {  	s0 =	stileid.u32;
	[bflag:$0x0] =	sbarrier.arrive $0xFFFF  }
0x5b: {  	s0 =	sshll.u32 s0, $0x6;
	s4 =	rddreg [dreg:$0x15]  }
0x5c: {  	s6 =	rddreg [dreg:$0x5];
	s0 =	sor.u32 $0x1C05, s0;
	s4 =	sshrl.u32 s4, $0x3  }
0x5d: {  	[hbm:s6], [sflag:s0] =	dma.local [spmem:s4], $0x280  }
0x5e: {  	_ =	swait.ge [sflag:s9], $0x280  }
0x5f: {  	[sflag:s9] =	ssyncset.done $0x0;
	s8 =	rddreg [dreg:$0x17]  }
0x60: {  	s31 =	rddreg [dreg:$0x6];
	[sflag:s9] =	ssyncadd.s32 $0xFFFFFD80;
	s4 =	sshrl.u32 s8, $0x3  }
0x61: {  	[hbm:s31], [sflag:s0] =	dma.local [spmem:s4], $0x280  }
0x62: {  	_ =	swait.ge [sflag:s9], $0x280  }
0x63: {  	[sflag:s9] =	ssyncset.done $0x0;
	s8 =	rddreg [dreg:$0x19]  }
0x64: {  	s31 =	rddreg [dreg:$0x7];
	[sflag:s9] =	ssyncadd.s32 $0xFFFFFD80;
	s4 =	sshrl.u32 s8, $0x3  }
0x65: {  	[hbm:s31], [sflag:s0] =	dma.local [spmem:s4], $0x280  }
0x66: {  	_ =	swait.ge [sflag:s9], $0x280  }
0x67: {  	[sflag:s9] =	ssyncset.done $0x0;
	s8 =	rddreg [dreg:$0x1b]  }
0x68: {  	s31 =	rddreg [dreg:$0x8];
	[sflag:s9] =	ssyncadd.s32 $0xFFFFFD80;
	s4 =	sshrl.u32 s8, $0x3  }
0x69: {  	[hbm:s31], [sflag:s0] =	dma.local [spmem:s4], $0x280  }
0x6a: {  	_ =	swait.ge [sflag:s9], $0x280  }
0x6b: {  	[sflag:s9] =	ssyncset.done $0x0;
	s8 =	rddreg [dreg:$0x1d]  }
0x6c: {  	s31 =	rddreg [dreg:$0x9];
	[sflag:s9] =	ssyncadd.s32 $0xFFFFFD80;
	s4 =	sshrl.u32 s8, $0x3  }
0x6d: {  	[hbm:s31], [sflag:s0] =	dma.local [spmem:s4], $0x280  }
0x6e: {  	_ =	swait.ge [sflag:s9], $0x280  }
0x6f: {  	[sflag:s9] =	ssyncset.done $0x0;
	s8 =	rddreg [dreg:$0x1f]  }
0x70: {  	s31 =	rddreg [dreg:$0xa];
	[sflag:s9] =	ssyncadd.s32 $0xFFFFFD80;
	s4 =	sshrl.u32 s8, $0x3  }
0x71: {  	[hbm:s31], [sflag:s0] =	dma.local [spmem:s4], $0x280  }
0x72: {  	_ =	swait.ge [sflag:s9], $0x280  }
0x73: {  	s8 =	sld [smem:$0x7E2];
	_ =	sdelay $0x1  }
0x74: {  	[sflag:s9] =	ssyncset.done $0x0  }
0x75: {  	s31 =	rddreg [dreg:$0xb];
	[sflag:s9] =	ssyncadd.s32 $0xFFFFFD80;
	s4 =	sshrl.u32 s8, $0x3  }
0x76: {  	[hbm:s31], [sflag:s0] =	dma.local [spmem:s4], $0x280  }
0x77: {  	_ =	swait.ge [sflag:s9], $0x280  }
0x78: {  	s8 =	sld [smem:$0x7E6];
	_ =	sdelay $0x1  }
0x79: {  	[sflag:s9] =	ssyncset.done $0x0  }
0x7a: {  	s31 =	rddreg [dreg:$0xc];
	[sflag:s9] =	ssyncadd.s32 $0xFFFFFD80;
	s4 =	sshrl.u32 s8, $0x3  }
0x7b: {  	[hbm:s31], [sflag:s0] =	dma.local [spmem:s4], $0x280  }
0x7c: {  	_ =	swait.ge [sflag:s9], $0x280  }
0x7d: {  	[sflag:s9] =	ssyncset.done $0x0  }
0x7e: {  	s8 =	sshrl.u32 s10, $0x3;
	s31 =	rddreg [dreg:$0xd];
	[sflag:s9] =	ssyncadd.s32 $0xFFFFFD80  }
0x7f: {  	[hbm:s31], [sflag:s0] =	dma.local [spmem:s8], $0x280  }
0x80: {  	_ =	swait.ge [sflag:s9], $0x280  }
0x81: {  	[sflag:s9] =	ssyncset.done $0x0  }
0x82: {  	s8 =	sshrl.u32 s12, $0x3;
	s31 =	rddreg [dreg:$0xe];
	[sflag:s9] =	ssyncadd.s32 $0xFFFFFD80  }
0x83: {  	[hbm:s31], [sflag:s0] =	dma.local [spmem:s8], $0x280  }
0x84: {  	_ =	swait.ge [sflag:s9], $0x280  }
0x85: {  	[sflag:s9] =	ssyncset.done $0x0  }
0x86: {  	s8 =	sshrl.u32 s14, $0x3;
	s31 =	rddreg [dreg:$0xf];
	[sflag:s9] =	ssyncadd.s32 $0xFFFFFD80  }
0x87: {  	[hbm:s31], [sflag:s0] =	dma.local [spmem:s8], $0x280  }
0x88: {  	_ =	swait.ge [sflag:s9], $0x280  }
0x89: {  	[sflag:s9] =	ssyncset.done $0x0  }
0x8a: {  	s8 =	sshrl.u32 s16, $0x3;
	s31 =	rddreg [dreg:$0x10];
	[sflag:s9] =	ssyncadd.s32 $0xFFFFFD80  }
0x8b: {  	[hbm:s31], [sflag:s0] =	dma.local [spmem:s8], $0x280  }
0x8c: {  	_ =	swait.ge [sflag:s9], $0x280  }
0x8d: {  	[sflag:s9] =	ssyncset.done $0x0  }
0x8e: {  	s8 =	sshrl.u32 s21, $0x3;
	s31 =	rddreg [dreg:$0x11];
	[sflag:s9] =	ssyncadd.s32 $0xFFFFFD80  }
0x8f: {  	[hbm:s31], [sflag:s0] =	dma.local [spmem:s8], $0x280  }
0x90: {  	_ =	swait.ge [sflag:s9], $0x280  }
0x91: {  	[sflag:s9] =	ssyncset.done $0x0  }
0x92: {  	s8 =	sshrl.u32 s30, $0x3;
	s31 =	rddreg [dreg:$0x12];
	[sflag:s9] =	ssyncadd.s32 $0xFFFFFD80  }
0x93: {  	[hbm:s31], [sflag:s0] =	dma.local [spmem:s8], $0x280  }
0x94: {  	_ =	swait.ge [sflag:s9], $0x280  }
0x95: {  	[sflag:s9] =	ssyncset.done $0x0  }
0x96: {  	s8 =	sshrl.u32 s3, $0x3;
	s31 =	rddreg [dreg:$0x13];
	[sflag:s9] =	ssyncadd.s32 $0xFFFFFD80  }
0x97: {  	[hbm:s31], [sflag:s0] =	dma.local [spmem:s8], $0x280  }
0x98: {  	_ =	swait.ge [sflag:s9], $0x280  }
0x99: {  	[sflag:s9] =	ssyncset.done $0x0  }
0x9a: {  	s8 =	sshrl.u32 s7, $0x3;
	s31 =	rddreg [dreg:$0x14];
	[sflag:s9] =	ssyncadd.s32 $0xFFFFFD80  }
0x9b: {  	[hbm:s31], [sflag:s0] =	dma.local [spmem:s8], $0x280  }
0x9c: {  	_ =	swait.ge [sflag:s9], $0x280  }
0x9d: {  	s8 =	sld [smem:$0x7F9]  }
0x9e: {  	[sflag:s9] =	ssyncset.done $0x0;
	s6 =	rddreg [dreg:$0x16]  }
0x9f: {  	[sflag:s9] =	ssyncadd.s32 $0xFFFFFD80;
	s4 =	sshrl.u32 s6, $0x3  }
0xa0: {  	[hbm:s8], [sflag:s0] =	dma.local [spmem:s4], $0x280  }
0xa1: {  	_ =	swait.ge [sflag:s9], $0x280  }
0xa2: {  	s31 =	sld [smem:$0x7FB];
	_ =	sdelay $0x1  }
0xa3: {  	s29 =	sadd.s32 $0x1, s29  }
0xa4: {  	p0 =	sne.s32 s29, s31  }
.Ltmp1:
0xa5: {  	_ = 	snop;
	(pc) =	sbr.rel @!p0 .LBB2_13-.Ltmp1, $3  }
0xa6: {  	_ =	sdelay $0x1  }
0xa7: {  	[sflag:s9] =	ssyncset.done $0x0  }
0xa8: {  	[sflag:s9] =	ssyncadd.s32 $0xFFFFFD80  }
.LBB2_1:
0xa9: {  	s0 =	simm.s32 $0x0  }
.LBB2_2:
0xaa: {  	p0 =	sne.s32 s0, $0x4FC0  }
.Ltmp2:
0xab: {  	_ = 	snop;
	(pc) =	sbr.rel @p0 .LBB2_2-.Ltmp2, $4  }
0xac: {  	_ = 	snop  }
0xad: {  	s4 =	sand.u32 $0x7FC0, s0  }
0xae: {  	s4 =	sshrl.u32 s4, $0x2  }
0xaf: {  	s0 =	sadd.s32 $0x40, s0;
	[tilespmem:s4+$0x4E20] =	vst v0  }
0xb0: {  	s0 =	simm.s32 $0x20;
	s4 =	simm.s32 $0x0  }
.LBB2_4:
0xb1: {  	p0 =	sne.s32 s0, $0x4E0;
	[tilespmem:s4+$0x9E20] =	vst.msk $0xff, v0;
	s6 =	smov.u32 s0;
	s0 =	sadd.s32 $0x20, s0  }
.Ltmp3:
0xb2: {  	[tilespmem:s4+$0x9F60] =	vst.msk $0xff, v1;
	(pc) =	sbr.rel @p0 .LBB2_4-.Ltmp3, $2  }
0xb3: {  	_ =	sdelay $0x2  }
0xb4: {  	s4 =	sshra.s32 s6, $0x2  }
0xb5: {  	[tilespmem:s4+$0x9E20] =	vst.msk $0xff, v0  }
0xb6: {  	[tilespmem:s4+$0x9F60] =	vst.msk $0xff, v1;
	s0 =	rddreg [dreg:$0x15]  }
0xb7: {  	[spmem:s0] =	stream.linear.scatter [tilespmem:s5], [sflag:$0x5], $0x1400, $0x38;
	[tilespmem:$0x1F4A0] =	vst v63  }
0xb8: {  	_ =	swait.ge [sflag:s9], $0x1400  }
0xb9: {  	[sflag:s9] =	ssyncset.done $0x0  }
0xba: {  	s6 =	rddreg [dreg:$0x16];
	[sflag:s9] =	ssyncadd.s32 $0xFFFFEC00  }
0xbb: {  	[spmem:s6] =	stream.linear.scatter [tilespmem:s11], [sflag:$0x5], $0x140, $0x38;
	[tilespmem:$0x1F4A0] =	vst v63  }
0xbc: {  	_ =	swait.ge [sflag:s9], $0x140  }
0xbd: {  	[sflag:s9] =	ssyncset.done $0x0  }
0xbe: {  	s8 =	rddreg [dreg:$0x17];
	[sflag:s9] =	ssyncadd.s32 $0xFFFFFEC0  }
0xbf: {  	[spmem:s8] =	stream.linear.scatter [tilespmem:s5], [sflag:$0x5], $0x1400, $0x38;
	[tilespmem:$0x1F4A0] =	vst v63  }
0xc0: {  	_ =	swait.ge [sflag:s9], $0x1400  }
0xc1: {  	[sflag:s9] =	ssyncset.done $0x0  }
0xc2: {  	s4 =	rddreg [dreg:$0x18];
	[sflag:s9] =	ssyncadd.s32 $0xFFFFEC00  }
0xc3: {  	[spmem:s4] =	stream.linear.scatter [tilespmem:s11], [sflag:$0x5], $0x140, $0x38;
	[tilespmem:$0x1F4A0] =	vst v63  }
0xc4: {  	_ =	swait.ge [sflag:s9], $0x140  }
0xc5: {  	[sflag:s9] =	ssyncset.done $0x0  }
0xc6: {  	s6 =	rddreg [dreg:$0x19];
	[sflag:s9] =	ssyncadd.s32 $0xFFFFFEC0  }
0xc7: {  	[spmem:s6] =	stream.linear.scatter [tilespmem:s5], [sflag:$0x5], $0x1400, $0x38;
	[tilespmem:$0x1F4A0] =	vst v63  }
0xc8: {  	_ =	swait.ge [sflag:s9], $0x1400  }
0xc9: {  	[sflag:s9] =	ssyncset.done $0x0  }
0xca: {  	s8 =	rddreg [dreg:$0x1a];
	[sflag:s9] =	ssyncadd.s32 $0xFFFFEC00  }
0xcb: {  	[spmem:s8] =	stream.linear.scatter [tilespmem:s11], [sflag:$0x5], $0x140, $0x38;
	[tilespmem:$0x1F4A0] =	vst v63  }
0xcc: {  	_ =	swait.ge [sflag:s9], $0x140  }
0xcd: {  	[sflag:s9] =	ssyncset.done $0x0  }
0xce: {  	s4 =	rddreg [dreg:$0x1b];
	[sflag:s9] =	ssyncadd.s32 $0xFFFFFEC0  }
0xcf: {  	[spmem:s4] =	stream.linear.scatter [tilespmem:s5], [sflag:$0x5], $0x1400, $0x38;
	[tilespmem:$0x1F4A0] =	vst v63  }
0xd0: {  	_ =	swait.ge [sflag:s9], $0x1400  }
0xd1: {  	[sflag:s9] =	ssyncset.done $0x0  }
0xd2: {  	s6 =	rddreg [dreg:$0x1c];
	[sflag:s9] =	ssyncadd.s32 $0xFFFFEC00  }
0xd3: {  	[spmem:s6] =	stream.linear.scatter [tilespmem:s11], [sflag:$0x5], $0x140, $0x38;
	[tilespmem:$0x1F4A0] =	vst v63  }
0xd4: {  	_ =	swait.ge [sflag:s9], $0x140  }
0xd5: {  	[sflag:s9] =	ssyncset.done $0x0  }
0xd6: {  	s8 =	rddreg [dreg:$0x1d];
	[sflag:s9] =	ssyncadd.s32 $0xFFFFFEC0  }
0xd7: {  	[spmem:s8] =	stream.linear.scatter [tilespmem:s5], [sflag:$0x5], $0x1400, $0x38;
	[tilespmem:$0x1F4A0] =	vst v63  }
0xd8: {  	_ =	swait.ge [sflag:s9], $0x1400  }
0xd9: {  	[sflag:s9] =	ssyncset.done $0x0  }
0xda: {  	s4 =	rddreg [dreg:$0x1e];
	[sflag:s9] =	ssyncadd.s32 $0xFFFFEC00  }
0xdb: {  	[spmem:s4] =	stream.linear.scatter [tilespmem:s11], [sflag:$0x5], $0x140, $0x38;
	[tilespmem:$0x1F4A0] =	vst v63  }
0xdc: {  	_ =	swait.ge [sflag:s9], $0x140  }
0xdd: {  	[sflag:s9] =	ssyncset.done $0x0  }
0xde: {  	s6 =	rddreg [dreg:$0x1f];
	[sflag:s9] =	ssyncadd.s32 $0xFFFFFEC0  }
0xdf: {  	[spmem:s6] =	stream.linear.scatter [tilespmem:s5], [sflag:$0x5], $0x1400, $0x38;
	[tilespmem:$0x1F4A0] =	vst v63  }
0xe0: {  	_ =	swait.ge [sflag:s9], $0x1400  }
0xe1: {  	s8 =	sld [smem:$0x7E1]  }
0xe2: {  	[sflag:s9] =	ssyncset.done $0x0  }
0xe3: {  	[sflag:s9] =	ssyncadd.s32 $0xFFFFEC00  }
0xe4: {  	[spmem:s8] =	stream.linear.scatter [tilespmem:s11], [sflag:$0x5], $0x140, $0x38;
	[tilespmem:$0x1F4A0] =	vst v63  }
0xe5: {  	_ =	swait.ge [sflag:s9], $0x140  }
0xe6: {  	s4 =	sld [smem:$0x7E2]  }
0xe7: {  	[sflag:s9] =	ssyncset.done $0x0  }
0xe8: {  	[sflag:s9] =	ssyncadd.s32 $0xFFFFFEC0  }
0xe9: {  	[spmem:s4] =	stream.linear.scatter [tilespmem:s5], [sflag:$0x5], $0x1400, $0x38;
	[tilespmem:$0x1F4A0] =	vst v63  }
0xea: {  	_ =	swait.ge [sflag:s9], $0x1400  }
0xeb: {  	s6 =	sld [smem:$0x7E5]  }
0xec: {  	[sflag:s9] =	ssyncset.done $0x0  }
0xed: {  	[sflag:s9] =	ssyncadd.s32 $0xFFFFEC00  }
0xee: {  	[spmem:s6] =	stream.linear.scatter [tilespmem:s11], [sflag:$0x5], $0x140, $0x38;
	[tilespmem:$0x1F4A0] =	vst v63  }
0xef: {  	_ =	swait.ge [sflag:s9], $0x140  }
0xf0: {  	s8 =	sld [smem:$0x7E6]  }
0xf1: {  	[sflag:s9] =	ssyncset.done $0x0  }
0xf2: {  	[sflag:s9] =	ssyncadd.s32 $0xFFFFFEC0  }
0xf3: {  	[spmem:s8] =	stream.linear.scatter [tilespmem:s5], [sflag:$0x5], $0x1400, $0x38;
	[tilespmem:$0x1F4A0] =	vst v63  }
0xf4: {  	_ =	swait.ge [sflag:s9], $0x1400  }
0xf5: {  	s4 =	sld [smem:$0x7E7]  }
0xf6: {  	[sflag:s9] =	ssyncset.done $0x0  }
0xf7: {  	[sflag:s9] =	ssyncadd.s32 $0xFFFFEC00  }
0xf8: {  	[spmem:s4] =	stream.linear.scatter [tilespmem:s11], [sflag:$0x5], $0x140, $0x38;
	[tilespmem:$0x1F4A0] =	vst v63  }
0xf9: {  	_ =	swait.ge [sflag:s9], $0x140  }
0xfa: {  	[sflag:s9] =	ssyncset.done $0x0  }
0xfb: {  	[sflag:s9] =	ssyncadd.s32 $0xFFFFFEC0  }
0xfc: {  	[spmem:s10] =	stream.linear.scatter [tilespmem:s5], [sflag:$0x5], $0x1400, $0x38;
	[tilespmem:$0x1F4A0] =	vst v63  }
0xfd: {  	_ =	swait.ge [sflag:s9], $0x1400  }
0xfe: {  	s6 =	sld [smem:$0x7EA]  }
0xff: {  	[sflag:s9] =	ssyncset.done $0x0  }
0x100: {  	[sflag:s9] =	ssyncadd.s32 $0xFFFFEC00  }
0x101: {  	[spmem:s6] =	stream.linear.scatter [tilespmem:s11], [sflag:$0x5], $0x140, $0x38;
	[tilespmem:$0x1F4A0] =	vst v63  }
0x102: {  	_ =	swait.ge [sflag:s9], $0x140  }
0x103: {  	[sflag:s9] =	ssyncset.done $0x0  }
0x104: {  	[sflag:s9] =	ssyncadd.s32 $0xFFFFFEC0  }
0x105: {  	[spmem:s12] =	stream.linear.scatter [tilespmem:s5], [sflag:$0x5], $0x1400, $0x38;
	[tilespmem:$0x1F4A0] =	vst v63  }
0x106: {  	_ =	swait.ge [sflag:s9], $0x1400  }
0x107: {  	s8 =	sld [smem:$0x7EB]  }
0x108: {  	[sflag:s9] =	ssyncset.done $0x0  }
0x109: {  	[sflag:s9] =	ssyncadd.s32 $0xFFFFEC00  }
0x10a: {  	[spmem:s8] =	stream.linear.scatter [tilespmem:s11], [sflag:$0x5], $0x140, $0x38;
	[tilespmem:$0x1F4A0] =	vst v63  }
0x10b: {  	_ =	swait.ge [sflag:s9], $0x140  }
0x10c: {  	[sflag:s9] =	ssyncset.done $0x0  }
0x10d: {  	[sflag:s9] =	ssyncadd.s32 $0xFFFFFEC0  }
0x10e: {  	[spmem:s14] =	stream.linear.scatter [tilespmem:s5], [sflag:$0x5], $0x1400, $0x38;
	[tilespmem:$0x1F4A0] =	vst v63  }
0x10f: {  	_ =	swait.ge [sflag:s9], $0x1400  }
0x110: {  	s4 =	sld [smem:$0x7EE]  }
0x111: {  	[sflag:s9] =	ssyncset.done $0x0  }
0x112: {  	[sflag:s9] =	ssyncadd.s32 $0xFFFFEC00  }
0x113: {  	[spmem:s4] =	stream.linear.scatter [tilespmem:s11], [sflag:$0x5], $0x140, $0x38;
	[tilespmem:$0x1F4A0] =	vst v63  }
0x114: {  	_ =	swait.ge [sflag:s9], $0x140  }
0x115: {  	[sflag:s9] =	ssyncset.done $0x0  }
0x116: {  	[sflag:s9] =	ssyncadd.s32 $0xFFFFFEC0  }
0x117: {  	[spmem:s16] =	stream.linear.scatter [tilespmem:s5], [sflag:$0x5], $0x1400, $0x38;
	[tilespmem:$0x1F4A0] =	vst v63  }
0x118: {  	_ =	swait.ge [sflag:s9], $0x1400  }
0x119: {  	s6 =	sld [smem:$0x7EF]  }
0x11a: {  	[sflag:s9] =	ssyncset.done $0x0  }
0x11b: {  	[sflag:s9] =	ssyncadd.s32 $0xFFFFEC00  }
0x11c: {  	[spmem:s6] =	stream.linear.scatter [tilespmem:s11], [sflag:$0x5], $0x140, $0x38;
	[tilespmem:$0x1F4A0] =	vst v63  }
0x11d: {  	_ =	swait.ge [sflag:s9], $0x140  }
0x11e: {  	[sflag:s9] =	ssyncset.done $0x0  }
0x11f: {  	[sflag:s9] =	ssyncadd.s32 $0xFFFFFEC0  }
0x120: {  	[spmem:s21] =	stream.linear.scatter [tilespmem:s5], [sflag:$0x5], $0x1400, $0x38;
	[tilespmem:$0x1F4A0] =	vst v63  }
0x121: {  	_ =	swait.ge [sflag:s9], $0x1400  }
0x122: {  	s8 =	sld [smem:$0x7F2]  }
0x123: {  	[sflag:s9] =	ssyncset.done $0x0  }
0x124: {  	[sflag:s9] =	ssyncadd.s32 $0xFFFFEC00  }
0x125: {  	[spmem:s8] =	stream.linear.scatter [tilespmem:s11], [sflag:$0x5], $0x140, $0x38;
	[tilespmem:$0x1F4A0] =	vst v63  }
0x126: {  	_ =	swait.ge [sflag:s9], $0x140  }
0x127: {  	[sflag:s9] =	ssyncset.done $0x0  }
0x128: {  	[sflag:s9] =	ssyncadd.s32 $0xFFFFFEC0  }
0x129: {  	[spmem:s30] =	stream.linear.scatter [tilespmem:s5], [sflag:$0x5], $0x1400, $0x38;
	[tilespmem:$0x1F4A0] =	vst v63  }
0x12a: {  	_ =	swait.ge [sflag:s9], $0x1400  }
0x12b: {  	s4 =	sld [smem:$0x7F3]  }
0x12c: {  	[sflag:s9] =	ssyncset.done $0x0  }
0x12d: {  	[sflag:s9] =	ssyncadd.s32 $0xFFFFEC00  }
0x12e: {  	[spmem:s4] =	stream.linear.scatter [tilespmem:s11], [sflag:$0x5], $0x140, $0x38;
	[tilespmem:$0x1F4A0] =	vst v63  }
0x12f: {  	_ =	swait.ge [sflag:s9], $0x140  }
0x130: {  	[sflag:s9] =	ssyncset.done $0x0  }
0x131: {  	[sflag:s9] =	ssyncadd.s32 $0xFFFFFEC0  }
0x132: {  	[spmem:s3] =	stream.linear.scatter [tilespmem:s5], [sflag:$0x5], $0x1400, $0x38;
	[tilespmem:$0x1F4A0] =	vst v63  }
0x133: {  	_ =	swait.ge [sflag:s9], $0x1400  }
0x134: {  	s6 =	sld [smem:$0x7F5]  }
0x135: {  	[sflag:s9] =	ssyncset.done $0x0  }
0x136: {  	[sflag:s9] =	ssyncadd.s32 $0xFFFFEC00  }
0x137: {  	[spmem:s6] =	stream.linear.scatter [tilespmem:s11], [sflag:$0x5], $0x140, $0x38;
	[tilespmem:$0x1F4A0] =	vst v63  }
0x138: {  	_ =	swait.ge [sflag:s9], $0x140  }
0x139: {  	[sflag:s9] =	ssyncset.done $0x0  }
0x13a: {  	[sflag:s9] =	ssyncadd.s32 $0xFFFFFEC0  }
0x13b: {  	[spmem:s7] =	stream.linear.scatter [tilespmem:s5], [sflag:$0x5], $0x1400, $0x38;
	[tilespmem:$0x1F4A0] =	vst v63  }
0x13c: {  	_ =	swait.ge [sflag:s9], $0x1400  }
0x13d: {  	s8 =	sld [smem:$0x7F6]  }
0x13e: {  	[sflag:s9] =	ssyncset.done $0x0  }
0x13f: {  	[sflag:s9] =	ssyncadd.s32 $0xFFFFEC00  }
0x140: {  	[spmem:s8] =	stream.linear.scatter [tilespmem:s11], [sflag:$0x5], $0x140, $0x38;
	[tilespmem:$0x1F4A0] =	vst v63  }
0x141: {  	_ =	swait.ge [sflag:s9], $0x140  }
0x142: {  	s4 =	sld [smem:$0x7F7]  }
0x143: {  	[sflag:s9] =	ssyncset.done $0x0  }
0x144: {  	s31 =	simm.s32 $0x0;
	[sflag:s9] =	ssyncadd.s32 $0xFFFFFEC0  }
0x145: {  	[tilespmem:s31], [sflag:$0x5] =	stream.linear.gather [hbm4b:s4+s31], $0x2710, $0x38;
	[tilespmem:$0x1F4A0] =	vst v63  }
0x146: {  	_ =	swait.ge [sflag:s9], $0x2710  }
0x147: {  	s6 =	sld [smem:$0x7F8]  }
0x148: {  	[sflag:s9] =	ssyncset.done $0x0  }
0x149: {  	s8 =	simm.s32 $0x2710;
	[sflag:s9] =	ssyncadd.s32 $0xFFFFD8F0  }
0x14a: {  	[tilespmem:s8], [sflag:$0x5] =	stream.linear.gather [hbm4b:s6+s31], $0x2710, $0x38;
	[tilespmem:$0x1F4A0] =	vst v63  }
0x14b: {  	_ =	swait.ge [sflag:s9], $0x2710  }
0x14c: {  	[sflag:s9] =	ssyncset.done $0x0  }
0x14d: {  	[sflag:s9] =	ssyncadd.s32 $0xFFFFD8F0  }
0x14e: {  	[bflag:$0x0] =	sbarrier.arrive $0xFFFF  }
0x14f: {  	s4 =	sld [smem:$0x7FC]  }
0x150: {  	[tilespmem:s5], [sflag:$0x1] =	stream.indirect.gather [hbm4b:s17+s13], $0x80, s31, s13, $0xb8;
	[tilespmem:$0x1F4A0] =	vst v63  }
0x151: {  	s6 =	simm.s32 $0x7620  }
0x152: {  	[tilespmem:s6], [sflag:$0x3] =	stream.linear.gather [hbm4b:s4+s31], $0x1400, $0x38;
	[tilespmem:$0x1F4A0] =	vst v63  }
0x153: {  	s8 =	sld [smem:$0x7FD]  }
0x154: {  	[tilespmem:s18], [sflag:$0x2] =	stream.indirect.gather [hbm4b:s17+s13], $0x80, s13, s13, $0xb8;
	[tilespmem:$0x1F4A0] =	vst v63  }
0x155: {  	_ = 	snop  }
0x156: {  	[tilespmem:s28], [sflag:$0x4] =	stream.linear.gather [hbm4b:s8+s31], $0x1400, $0x38;
	[tilespmem:$0x1F4A0] =	vst v63  }
.LBB2_6:
0x157: {  	_ =	swait.ge [sflag:s19], $0x1400  }
0x158: {  	[sflag:s19] =	ssyncset.done $0x0  }
0x159: {  	[sflag:s19] =	ssyncadd.s32 $0xFFFFEC00  }
0x15a: {  	_ =	swait.ge [sflag:s15], $0x1400  }
0x15b: {  	[sflag:s15] =	ssyncset.done $0x0  }
0x15c: {  	s4 =	simm.s32 $0xF0;
	[sflag:s15] =	ssyncadd.s32 $0xFFFFEC00  }
0x15d: {  	v8 =	vld [tilespmem:s4+$0x7530]  }
0x15e: {  	v9 =	vld [tilespmem:s4+$0x7540]  }
0x15f: {  	v10 =	vld [tilespmem:s4+$0x7550]  }
0x160: {  	v11 =	vld [tilespmem:s4+$0x7560]  }
0x161: {  	v12 =	vld [tilespmem:s4+$0x7570]  }
0x162: {  	v13 =	vld [tilespmem:s4+$0x7580]  }
0x163: {  	v14 =	vld [tilespmem:s4+$0x7590]  }
0x164: {  	v15 =	vld [tilespmem:s4+$0x75A0]  }
0x165: {  	v16 =	vld [tilespmem:s4+$0x75B0]  }
0x166: {  	v17 =	vld [tilespmem:s4+$0x75C0]  }
0x167: {  	v7 =	vld [tilespmem:s4+$0x75D0]  }
0x168: {  	v6 =	vld [tilespmem:s4+$0x75E0]  }
0x169: {  	v5 =	vld [tilespmem:s4+$0x75F0]  }
0x16a: {  	v18 =	vld [tilespmem:s4+$0x4D30]  }
0x16b: {  	v19 =	vld [tilespmem:s4+$0x4D40]  }
0x16c: {  	v4 =	vld [tilespmem:s4+$0x7600]  }
0x16d: {  	v20 =	vld [tilespmem:s4+$0x4D50]  }
0x16e: {  	v21 =	vld [tilespmem:s4+$0x4D60]  }
0x16f: {  	v3 =	vld [tilespmem:s4+$0x7610];
	v8 =	vadd.f32 v8, v18  }
0x170: {  	v22 =	vld [tilespmem:s4+$0x4D70];
	v9 =	vadd.f32 v9, v19  }
0x171: {  	v60 =	vld [tilespmem:s4+$0x4D80];
	v8 =	vmax.f32 v8, $0.0e+00  }
0x172: {  	v2 =	vld [tilespmem:s4+$0x7620];
	v9 =	vmax.f32 v9, $0.0e+00;
	[tilespmem:s4+$0x4D30] =	vst v8;
	v8 =	vadd.f32 v10, v20  }
0x173: {  	v23 =	vld [tilespmem:s4+$0x4D90];
	[tilespmem:s4+$0x4D40] =	vst v9;
	v9 =	vadd.f32 v11, v21  }
0x174: {  	v61 =	vld [tilespmem:s4+$0x4DA0];
	v8 =	vmax.f32 v8, $0.0e+00  }
0x175: {  	v62 =	vld [tilespmem:s4+$0x4DB0];
	v10 =	vmax.f32 v9, $0.0e+00;
	[tilespmem:s4+$0x4D50] =	vst v8;
	v8 =	vadd.f32 v12, v22  }
0x176: {  	v63 =	vld [tilespmem:s4+$0x4DC0];
	[tilespmem:s4+$0x4D60] =	vst v10;
	v10 =	vadd.f32 v13, v60  }
0x177: {  	v9 =	vld [tilespmem:s4+$0x4DD0];
	v11 =	vmax.f32 v8, $0.0e+00  }
0x178: {  	v8 =	vld [tilespmem:s4+$0x4DE0];
	v12 =	vmax.f32 v10, $0.0e+00;
	[tilespmem:s4+$0x4D70] =	vst v11;
	v11 =	vadd.f32 v14, v23  }
0x179: {  	v10 =	vld [tilespmem:s4+$0x4DF0];
	[tilespmem:s4+$0x4D80] =	vst v12;
	v12 =	vadd.f32 v15, v61  }
0x17a: {  	v14 =	vadd.f32 v16, v62;
	v13 =	vmax.f32 v11, $0.0e+00;
	v11 =	vld [tilespmem:s4+$0x4E00]  }
0x17b: {  	s0 =	simm.s32 $0x7C0;
	v15 =	vmax.f32 v12, $0.0e+00;
	v12 =	vld [tilespmem:s4+$0x4E10];
	[tilespmem:s4+$0x4D90] =	vst v13;
	v13 =	vadd.f32 v17, v63  }
.LBB2_7:
0x17c: {  	s6 =	sshra.s32 s0, $0x2;
	p0 =	sne.s32 s0, $0x4FC0;
	[tilespmem:s4+$0x4DA0] =	vst v15;
	v14 =	vmax.f32 v14, $0.0e+00;
	v7 =	vadd.f32 v7, v9;
	v9 =	vld [tilespmem:s4+$0x4E20]  }
0x17d: {  	v15 =	vld [tilespmem:s6+$0x7530];
	[tilespmem:s4+$0x4DB0] =	vst v14;
	v13 =	vmax.f32 v13, $0.0e+00;
	v6 =	vadd.f32 v6, v8  }
0x17e: {  	v8 =	vld [tilespmem:s6+$0x7540];
	[tilespmem:s4+$0x4DC0] =	vst v13;
	v7 =	vmax.f32 v7, $0.0e+00;
	v5 =	vadd.f32 v5, v10  }
0x17f: {  	v10 =	vld [tilespmem:s6+$0x7550];
	[tilespmem:s4+$0x4DD0] =	vst v7;
	v6 =	vmax.f32 v6, $0.0e+00;
	v4 =	vadd.f32 v4, v11  }
0x180: {  	v11 =	vld [tilespmem:s6+$0x7560];
	[tilespmem:s4+$0x4DE0] =	vst v6;
	v5 =	vmax.f32 v5, $0.0e+00;
	v3 =	vadd.f32 v3, v12  }
0x181: {  	v12 =	vld [tilespmem:s6+$0x7570];
	[tilespmem:s4+$0x4DF0] =	vst v5;
	v4 =	vmax.f32 v4, $0.0e+00;
	v2 =	vadd.f32 v2, v9  }
0x182: {  	v9 =	vld [tilespmem:s6+$0x7580];
	[tilespmem:s4+$0x4E00] =	vst v4;
	v3 =	vmax.f32 v3, $0.0e+00  }
0x183: {  	v13 =	vld [tilespmem:s6+$0x7590];
	[tilespmem:s4+$0x4E10] =	vst v3;
	v2 =	vmax.f32 v2, $0.0e+00  }
0x184: {  	v14 =	vld [tilespmem:s6+$0x75A0];
	[tilespmem:s4+$0x4E20] =	vst v2;
	s4 =	smov.u32 s6  }
0x185: {  	v16 =	vld [tilespmem:s4+$0x75B0]  }
0x186: {  	v17 =	vld [tilespmem:s4+$0x75C0]  }
0x187: {  	v7 =	vld [tilespmem:s4+$0x75D0]  }
0x188: {  	v6 =	vld [tilespmem:s4+$0x75E0]  }
0x189: {  	v5 =	vld [tilespmem:s4+$0x75F0]  }
0x18a: {  	v4 =	vld [tilespmem:s4+$0x7600]  }
0x18b: {  	v3 =	vld [tilespmem:s4+$0x7610]  }
0x18c: {  	v2 =	vld [tilespmem:s4+$0x7620]  }
0x18d: {  	v18 =	vld [tilespmem:s4+$0x4D30]  }
0x18e: {  	v19 =	vld [tilespmem:s4+$0x4D40]  }
0x18f: {  	v20 =	vld [tilespmem:s4+$0x4D50]  }
0x190: {  	v21 =	vld [tilespmem:s4+$0x4D60]  }
0x191: {  	v22 =	vld [tilespmem:s4+$0x4D70]  }
0x192: {  	v15 =	vadd.f32 v15, v18;
	v18 =	vld [tilespmem:s4+$0x4D80]  }
0x193: {  	v8 =	vadd.f32 v8, v19;
	v19 =	vld [tilespmem:s4+$0x4D90]  }
0x194: {  	v15 =	vmax.f32 v15, $0.0e+00;
	v10 =	vadd.f32 v10, v20;
	v20 =	vld [tilespmem:s4+$0x4DA0]  }
0x195: {  	[tilespmem:s4+$0x4D30] =	vst v15;
	v8 =	vmax.f32 v8, $0.0e+00;
	v11 =	vadd.f32 v11, v21;
	v15 =	vld [tilespmem:s4+$0x4DB0]  }
0x196: {  	[tilespmem:s4+$0x4D40] =	vst v8;
	v8 =	vmax.f32 v10, $0.0e+00;
	v10 =	vadd.f32 v12, v22;
	v12 =	vld [tilespmem:s4+$0x4DC0]  }
.Ltmp4:
0x197: {  	[tilespmem:s4+$0x4D50] =	vst v8;
	v8 =	vmax.f32 v11, $0.0e+00;
	v11 =	vadd.f32 v9, v18;
	v9 =	vld [tilespmem:s4+$0x4DD0];
	(pc) =	sbr.rel @p0 .LBB2_7-.Ltmp4, $4  }
0x198: {  	[tilespmem:s4+$0x4D60] =	vst v8;
	v10 =	vmax.f32 v10, $0.0e+00;
	v13 =	vadd.f32 v13, v19;
	v8 =	vld [tilespmem:s4+$0x4DE0]  }
0x199: {  	[tilespmem:s4+$0x4D70] =	vst v10;
	v11 =	vmax.f32 v11, $0.0e+00;
	v18 =	vadd.f32 v14, v20;
	v10 =	vld [tilespmem:s4+$0x4DF0]  }
0x19a: {  	[tilespmem:s4+$0x4D80] =	vst v11;
	v13 =	vmax.f32 v13, $0.0e+00;
	v14 =	vadd.f32 v16, v15;
	v11 =	vld [tilespmem:s4+$0x4E00]  }
0x19b: {  	s0 =	sadd.s32 $0x400, s0;
	[tilespmem:s4+$0x4D90] =	vst v13;
	v15 =	vmax.f32 v18, $0.0e+00;
	v13 =	vadd.f32 v17, v12;
	v12 =	vld [tilespmem:s4+$0x4E10]  }
0x19c: {  	[tilespmem:s4+$0x4DA0] =	vst v15;
	v14 =	vmax.f32 v14, $0.0e+00;
	v7 =	vadd.f32 v7, v9;
	v9 =	vld [tilespmem:s4+$0x4E20]  }
0x19d: {  	[tilespmem:s4+$0x4DB0] =	vst v14;
	v13 =	vmax.f32 v13, $0.0e+00;
	v6 =	vadd.f32 v6, v8  }
0x19e: {  	[tilespmem:s4+$0x4DC0] =	vst v13;
	v7 =	vmax.f32 v7, $0.0e+00;
	v5 =	vadd.f32 v5, v10  }
0x19f: {  	[tilespmem:s4+$0x4DD0] =	vst v7;
	v6 =	vmax.f32 v6, $0.0e+00;
	v4 =	vadd.f32 v4, v11  }
0x1a0: {  	[tilespmem:s4+$0x4DE0] =	vst v6;
	v5 =	vmax.f32 v5, $0.0e+00;
	v3 =	vadd.f32 v3, v12  }
0x1a1: {  	s0 =	smul.u32 $0x140, s31;
	[tilespmem:s4+$0x4DF0] =	vst v5;
	v4 =	vmax.f32 v4, $0.0e+00;
	v2 =	vadd.f32 v2, v9  }
0x1a2: {  	[tilespmem:s4+$0x4E00] =	vst v4;
	v3 =	vmax.f32 v3, $0.0e+00  }
0x1a3: {  	s0 =	sshra.s32 s0, $0x2;
	[tilespmem:s4+$0x4E10] =	vst v3;
	v2 =	vmax.f32 v2, $0.0e+00  }
0x1a4: {  	s8 =	sadd.s32 $0x2710, s0;
	[tilespmem:s4+$0x4E20] =	vst v2  }
0x1a5: {  	[spmem:s20] =	stream.indirect.scatter.add.f32 [tilespmem:s5], [sflag:$0x5], $0x80, s8, s13, $0xb8;
	[tilespmem:$0x1F4A0] =	vst v63  }
0x1a6: {  	_ =	swait.ge [sflag:s9], $0x1400  }
0x1a7: {  	[sflag:s9] =	ssyncset.done $0x0  }
0x1a8: {  	p0 =	seq.s32 s31, $0x7C;
	[sflag:s9] =	ssyncadd.s32 $0xFFFFEC00  }
0x1a9: {  	[spmem:s22] =	stream.indirect.scatter.add.f32 [tilespmem:s24], [sflag:$0x5], $0x8, s8, s13, $0xb8;
	[tilespmem:$0x1F4A0] =	vst v63  }
0x1aa: {  	s4 =	smul.u32 @!p0 $0x50, s31;
	_ =	swait.ge [sflag:s9], $0x140  }
0x1ab: {  	s6 =	simm.s32 @!p0 $0x28;
	[sflag:s9] =	ssyncset.done $0x0  }
0x1ac: {  	s4 =	sadd.s32 @!p0 $0x50, s4;
	s8 =	simm.s32 @!p0 $0x4E20;
	[sflag:s9] =	ssyncadd.s32 $0xFFFFFEC0  }
0x1ad: {  	[tilespmem:s8], [sflag:$0x1] =	stream.indirect.gather @!p0 [hbm4b:s17+s6], $0x80, s4, s6, $0xb8;
	[tilespmem:$0x1F4A0] =	vst v63  }
0x1ae: {  	s4 =	sadd.s32 @!p0 s2, s4  }
0x1af: {  	s4 =	sshll.u32 @!p0 s4, $0x4  }
0x1b0: {  	s6 =	simm.s32 @!p0 $0x0;
	s8 =	simm.s32 @!p0 $0x7620;
	s4 =	sadd.s32 @!p0 s23, s4  }
0x1b1: {  	[tilespmem:s8], [sflag:$0x3] =	stream.linear.gather @!p0 [hbm4b:s4+s6], $0x1400, $0x38;
	[tilespmem:$0x1F4A0] =	vst v63  }
0x1b2: {  	_ =	swait.ge [sflag:s25], $0x1400  }
0x1b3: {  	[sflag:s25] =	ssyncset.done $0x0  }
0x1b4: {  	[sflag:s25] =	ssyncadd.s32 $0xFFFFEC00  }
0x1b5: {  	_ =	swait.ge [sflag:s26], $0x1400  }
0x1b6: {  	[sflag:s26] =	ssyncset.done $0x0  }
0x1b7: {  	s4 =	simm.s32 $0x0;
	[sflag:s26] =	ssyncadd.s32 $0xFFFFEC00  }
0x1b8: {  	v8 =	vld [tilespmem:s4+$0x8A20]  }
0x1b9: {  	v9 =	vld [tilespmem:s4+$0x8A30]  }
0x1ba: {  	v10 =	vld [tilespmem:s4+$0x8A40]  }
0x1bb: {  	v11 =	vld [tilespmem:s4+$0x8A50]  }
0x1bc: {  	v12 =	vld [tilespmem:s4+$0x8A60]  }
0x1bd: {  	v13 =	vld [tilespmem:s4+$0x8A70]  }
0x1be: {  	v14 =	vld [tilespmem:s4+$0x8A80]  }
0x1bf: {  	v15 =	vld [tilespmem:s4+$0x8A90]  }
0x1c0: {  	v16 =	vld [tilespmem:s4+$0x8AA0]  }
0x1c1: {  	v17 =	vld [tilespmem:s4+$0x8AB0]  }
0x1c2: {  	v7 =	vld [tilespmem:s4+$0x8AC0]  }
0x1c3: {  	v6 =	vld [tilespmem:s4+$0x8AD0]  }
0x1c4: {  	v5 =	vld [tilespmem:s4+$0x8AE0]  }
0x1c5: {  	v18 =	vld [tilespmem:s4+$0x6220]  }
0x1c6: {  	v19 =	vld [tilespmem:s4+$0x6230]  }
0x1c7: {  	v4 =	vld [tilespmem:s4+$0x8AF0]  }
0x1c8: {  	v20 =	vld [tilespmem:s4+$0x6240]  }
0x1c9: {  	v21 =	vld [tilespmem:s4+$0x6250]  }
0x1ca: {  	v3 =	vld [tilespmem:s4+$0x8B00];
	v8 =	vadd.f32 v8, v18  }
0x1cb: {  	v22 =	vld [tilespmem:s4+$0x6260];
	v9 =	vadd.f32 v9, v19  }
0x1cc: {  	v60 =	vld [tilespmem:s4+$0x6270];
	v8 =	vmax.f32 v8, $0.0e+00  }
0x1cd: {  	v2 =	vld [tilespmem:s4+$0x8B10];
	v9 =	vmax.f32 v9, $0.0e+00;
	[tilespmem:s4+$0x6220] =	vst v8;
	v8 =	vadd.f32 v10, v20  }
0x1ce: {  	v23 =	vld [tilespmem:s4+$0x6280];
	[tilespmem:s4+$0x6230] =	vst v9;
	v9 =	vadd.f32 v11, v21  }
0x1cf: {  	v61 =	vld [tilespmem:s4+$0x6290];
	v8 =	vmax.f32 v8, $0.0e+00  }
0x1d0: {  	v62 =	vld [tilespmem:s4+$0x62A0];
	v10 =	vmax.f32 v9, $0.0e+00;
	[tilespmem:s4+$0x6240] =	vst v8;
	v8 =	vadd.f32 v12, v22  }
0x1d1: {  	v63 =	vld [tilespmem:s4+$0x62B0];
	[tilespmem:s4+$0x6250] =	vst v10;
	v10 =	vadd.f32 v13, v60  }
0x1d2: {  	v9 =	vld [tilespmem:s4+$0x62C0];
	v11 =	vmax.f32 v8, $0.0e+00  }
0x1d3: {  	v8 =	vld [tilespmem:s4+$0x62D0];
	v12 =	vmax.f32 v10, $0.0e+00;
	[tilespmem:s4+$0x6260] =	vst v11;
	v11 =	vadd.f32 v14, v23  }
0x1d4: {  	v10 =	vld [tilespmem:s4+$0x62E0];
	[tilespmem:s4+$0x6270] =	vst v12;
	v12 =	vadd.f32 v15, v61  }
0x1d5: {  	v14 =	vadd.f32 v16, v62;
	v13 =	vmax.f32 v11, $0.0e+00;
	v11 =	vld [tilespmem:s4+$0x62F0]  }
0x1d6: {  	s6 =	simm.s32 $0x400;
	v15 =	vmax.f32 v12, $0.0e+00;
	v12 =	vld [tilespmem:s4+$0x6300];
	[tilespmem:s4+$0x6280] =	vst v13;
	v13 =	vadd.f32 v17, v63  }
.LBB2_9:
0x1d7: {  	s8 =	sshra.s32 s6, $0x2;
	p1 =	sne.s32 s6, $0x4C00;
	[tilespmem:s4+$0x6290] =	vst v15;
	v14 =	vmax.f32 v14, $0.0e+00;
	v7 =	vadd.f32 v7, v9;
	v9 =	vld [tilespmem:s4+$0x6310]  }
0x1d8: {  	v15 =	vld [tilespmem:s8+$0x8A20];
	[tilespmem:s4+$0x62A0] =	vst v14;
	v13 =	vmax.f32 v13, $0.0e+00;
	v6 =	vadd.f32 v6, v8  }
0x1d9: {  	v8 =	vld [tilespmem:s8+$0x8A30];
	[tilespmem:s4+$0x62B0] =	vst v13;
	v7 =	vmax.f32 v7, $0.0e+00;
	v5 =	vadd.f32 v5, v10  }
0x1da: {  	v10 =	vld [tilespmem:s8+$0x8A40];
	[tilespmem:s4+$0x62C0] =	vst v7;
	v6 =	vmax.f32 v6, $0.0e+00;
	v4 =	vadd.f32 v4, v11  }
0x1db: {  	v11 =	vld [tilespmem:s8+$0x8A50];
	[tilespmem:s4+$0x62D0] =	vst v6;
	v5 =	vmax.f32 v5, $0.0e+00;
	v3 =	vadd.f32 v3, v12  }
0x1dc: {  	v12 =	vld [tilespmem:s8+$0x8A60];
	[tilespmem:s4+$0x62E0] =	vst v5;
	v4 =	vmax.f32 v4, $0.0e+00;
	v2 =	vadd.f32 v2, v9  }
0x1dd: {  	v9 =	vld [tilespmem:s8+$0x8A70];
	[tilespmem:s4+$0x62F0] =	vst v4;
	v3 =	vmax.f32 v3, $0.0e+00  }
0x1de: {  	v13 =	vld [tilespmem:s8+$0x8A80];
	[tilespmem:s4+$0x6300] =	vst v3;
	v2 =	vmax.f32 v2, $0.0e+00  }
0x1df: {  	v14 =	vld [tilespmem:s8+$0x8A90];
	[tilespmem:s4+$0x6310] =	vst v2;
	s4 =	smov.u32 s8  }
0x1e0: {  	v16 =	vld [tilespmem:s4+$0x8AA0]  }
0x1e1: {  	v17 =	vld [tilespmem:s4+$0x8AB0]  }
0x1e2: {  	v7 =	vld [tilespmem:s4+$0x8AC0]  }
0x1e3: {  	v6 =	vld [tilespmem:s4+$0x8AD0]  }
0x1e4: {  	v5 =	vld [tilespmem:s4+$0x8AE0]  }
0x1e5: {  	v4 =	vld [tilespmem:s4+$0x8AF0]  }
0x1e6: {  	v3 =	vld [tilespmem:s4+$0x8B00]  }
0x1e7: {  	v2 =	vld [tilespmem:s4+$0x8B10]  }
0x1e8: {  	v18 =	vld [tilespmem:s4+$0x6220]  }
0x1e9: {  	v19 =	vld [tilespmem:s4+$0x6230]  }
0x1ea: {  	v20 =	vld [tilespmem:s4+$0x6240]  }
0x1eb: {  	v21 =	vld [tilespmem:s4+$0x6250]  }
0x1ec: {  	v22 =	vld [tilespmem:s4+$0x6260]  }
0x1ed: {  	v15 =	vadd.f32 v15, v18;
	v18 =	vld [tilespmem:s4+$0x6270]  }
0x1ee: {  	v8 =	vadd.f32 v8, v19;
	v19 =	vld [tilespmem:s4+$0x6280]  }
0x1ef: {  	v15 =	vmax.f32 v15, $0.0e+00;
	v10 =	vadd.f32 v10, v20;
	v20 =	vld [tilespmem:s4+$0x6290]  }
0x1f0: {  	[tilespmem:s4+$0x6220] =	vst v15;
	v8 =	vmax.f32 v8, $0.0e+00;
	v11 =	vadd.f32 v11, v21;
	v15 =	vld [tilespmem:s4+$0x62A0]  }
0x1f1: {  	[tilespmem:s4+$0x6230] =	vst v8;
	v8 =	vmax.f32 v10, $0.0e+00;
	v10 =	vadd.f32 v12, v22;
	v12 =	vld [tilespmem:s4+$0x62B0]  }
.Ltmp5:
0x1f2: {  	[tilespmem:s4+$0x6240] =	vst v8;
	v8 =	vmax.f32 v11, $0.0e+00;
	v11 =	vadd.f32 v9, v18;
	v9 =	vld [tilespmem:s4+$0x62C0];
	(pc) =	sbr.rel @p1 .LBB2_9-.Ltmp5, $4  }
0x1f3: {  	[tilespmem:s4+$0x6250] =	vst v8;
	v10 =	vmax.f32 v10, $0.0e+00;
	v13 =	vadd.f32 v13, v19;
	v8 =	vld [tilespmem:s4+$0x62D0]  }
0x1f4: {  	[tilespmem:s4+$0x6260] =	vst v10;
	v11 =	vmax.f32 v11, $0.0e+00;
	v18 =	vadd.f32 v14, v20;
	v10 =	vld [tilespmem:s4+$0x62E0]  }
0x1f5: {  	[tilespmem:s4+$0x6270] =	vst v11;
	v13 =	vmax.f32 v13, $0.0e+00;
	v14 =	vadd.f32 v16, v15;
	v11 =	vld [tilespmem:s4+$0x62F0]  }
0x1f6: {  	s6 =	sadd.s32 $0x400, s6;
	[tilespmem:s4+$0x6280] =	vst v13;
	v15 =	vmax.f32 v18, $0.0e+00;
	v13 =	vadd.f32 v17, v12;
	v12 =	vld [tilespmem:s4+$0x6300]  }
0x1f7: {  	[tilespmem:s4+$0x6290] =	vst v15;
	v14 =	vmax.f32 v14, $0.0e+00;
	v7 =	vadd.f32 v7, v9;
	v63 =	vld [tilespmem:s4+$0x6310]  }
0x1f8: {  	[tilespmem:s4+$0x62A0] =	vst v14;
	v13 =	vmax.f32 v13, $0.0e+00;
	v6 =	vadd.f32 v6, v8  }
0x1f9: {  	[tilespmem:s4+$0x62B0] =	vst v13;
	v7 =	vmax.f32 v7, $0.0e+00;
	v5 =	vadd.f32 v5, v10  }
0x1fa: {  	[tilespmem:s4+$0x62C0] =	vst v7;
	v6 =	vmax.f32 v6, $0.0e+00;
	v4 =	vadd.f32 v4, v11  }
0x1fb: {  	[tilespmem:s4+$0x62D0] =	vst v6;
	v5 =	vmax.f32 v5, $0.0e+00;
	v3 =	vadd.f32 v3, v12  }
0x1fc: {  	[tilespmem:s4+$0x62E0] =	vst v5;
	v4 =	vmax.f32 v4, $0.0e+00;
	v2 =	vadd.f32 v2, v63  }
0x1fd: {  	[tilespmem:s4+$0x62F0] =	vst v4;
	v3 =	vmax.f32 v3, $0.0e+00  }
0x1fe: {  	[tilespmem:s4+$0x6300] =	vst v3;
	v2 =	vmax.f32 v2, $0.0e+00  }
0x1ff: {  	s0 =	sadd.s32 $0x2738, s0;
	[tilespmem:s4+$0x6310] =	vst v2  }
0x200: {  	[spmem:s20] =	stream.indirect.scatter.add.f32 [tilespmem:s18], [sflag:$0x5], $0x80, s0, s13, $0xb8;
	[tilespmem:$0x1F4A0] =	vst v63  }
0x201: {  	_ =	swait.ge [sflag:s9], $0x1400  }
0x202: {  	[sflag:s9] =	ssyncset.done $0x0  }
.Ltmp6:
0x203: {  	[sflag:s9] =	ssyncadd.s32 $0xFFFFEC00;
	(pc) =	sbr.rel @p0 .LBB2_12-.Ltmp6, $4  }
0x204: {  	[spmem:s22] =	stream.indirect.scatter.add.f32 [tilespmem:s24], [sflag:$0x5], $0x8, s0, s13, $0xb8;
	[tilespmem:$0x1F4A0] =	vst v63  }
0x205: {  	_ =	swait.ge [sflag:s9], $0x140  }
0x206: {  	[sflag:s9] =	ssyncset.done $0x0  }
0x207: {  	[sflag:s9] =	ssyncadd.s32 $0xFFFFFEC0  }
0x208: {  	s0 =	smul.u32 $0x50, s31;
	_ =	sdelay $0x1  }
0x209: {  	s0 =	sadd.s32 $0x78, s0  }
0x20a: {  	[tilespmem:s18], [sflag:$0x2] =	stream.indirect.gather [hbm4b:s17+s13], $0x80, s0, s13, $0xb8;
	[tilespmem:$0x1F4A0] =	vst v63  }
.Ltmp7:
0x20b: {  	_ = 	snop;
	(pc) =	sbr.rel .LBB2_6-.Ltmp7, $4  }
0x20c: {  	s0 =	sadd.s32 s2, s0  }
0x20d: {  	s0 =	sshll.u32 s0, $0x4  }
0x20e: {  	s31 =	sadd.s32 $0x1, s31;
	s0 =	sadd.s32 s23, s0  }
0x20f: {  	[tilespmem:s28], [sflag:$0x4] =	stream.linear.gather [hbm4b:s0+s1], $0x1400, $0x38;
	[tilespmem:$0x1F4A0] =	vst v63  }
.LBB2_13:
0x210: {  	_ =	sfence.sel $0x180000  }
0x211: {  	[bflag:$0x0] =	sbarrier.arrive $0xFFFF  }
0x212: {  	_ =	strace $0x90000047  }
0x213: {  	s0 =	stileid.u32;
	[bflag:$0x2] =	sbarrier.arrive $0xFFFF  }
0x214: {  	p0 =	sne.s32 s0, $0x0;
	s0 =	rddreg [dreg:$0x4]  }
0x215: {  	s0 =	sadd.s32 @!p0 $0x100000, s0  }
0x216: {  	[sflag:s0] =	ssyncadd.tile.s32 @!p0 $0x1;
	_ =	shalt  }
.Lfunc_end2:
_tile_overlayer_lowered:
.L_overlay_start_2:
0x217: {  	(tag) =	ssettag $0x2  }
0x218: {  	s0 =	rddreg [dreg:$0x0];
	s2 =	stileid.u32  }
0x219: {  	s1 =	rddreg [dreg:$0x1];
	p0 =	sne.s32 s2, $0x0  }
0x21a: {  	s3 =	rddreg [dreg:$0x2];
	[bflag:$0x3] =	sbarrier.arrive $0xFFFF;
	s2 =	simm.s32 @!p0 $0x1C05  }
0x21b: {  	[timem:s3], [sflag:s2] =	dma.local @!p0 [hbm:s0], s1  }
0x21c: {  	s0 =	simm.s32 @!p0 $0x5  }
0x21d: {  	_ =	swait.ge @!p0 [sflag:s0], s1  }
0x21e: {  	s1 =	ssub.s32 @!p0 $0x0, s1;
	[sflag:s0] =	ssyncset.done @!p0 $0x0  }
0x21f: {  	[sflag:s0] =	ssyncadd.s32 @!p0 s1  }
0x220: {  	[bflag:$0x3] =	sbarrier.arrive $0xFFFF  }
0x221: {  	_ =	shalt  }

</sc_bundles>
